<compile_context>
chip_gen: v7x
topology: tpu7x:2x2x1
jax: 0.10.2.dev20260603
libtpu: 0.0.44.dev20260713+nightly
codegen_flags: <defaults>
</compile_context>

<pallas_src>
import functools

import jax
import jax.numpy as jnp
from jax import lax
from jax.experimental import pallas as pl
from jax.experimental.pallas import tpu as pltpu
from jax.experimental.pallas import tpu_sc as plsc

EMBED = 64
BATCH = 16384
NC = 2
NS = 16
NW = NC * NS
BPW = BATCH // NW
CH = 128
NCH = BPW // CH
NV = EMBED // 16


def _sc_body(idx_u, idx_v, idx_n, center, context,
             neg_out, pos_out,
             iu_s, iv_s, in_s,
             ru, rv, rn, negacc, posbuf,
             semu, semv, semn):
    wid = lax.axis_index("s") * NC + lax.axis_index("c")

    pltpu.sync_copy(idx_u.at[wid], iu_s)
    pltpu.sync_copy(idx_v.at[wid], iv_s)
    pltpu.sync_copy(idx_n.at[wid], in_s)

    zero16 = jnp.zeros((16,), jnp.float32)
    for j in range(8):
        posbuf[0, pl.ds(16 * j, 16)] = zero16

    def chunk(c, posv):
        cbase = c * CH

        def fire(g, _):
            uvec = iu_s[pl.ds(cbase + g * 16, 16)]
            vvec = iv_s[pl.ds(cbase + g * 16, 16)]
            nvec = in_s[pl.ds(cbase + g * 16, 16)]
            for l in range(16):
                dst = pl.ds(g * 16 + l, 1)
                pltpu.make_async_copy(
                    center.at[pl.ds(uvec[l], 1)], ru.at[dst], semu).start()
                pltpu.make_async_copy(
                    context.at[pl.ds(vvec[l], 1)], rv.at[dst], semv).start()
                pltpu.make_async_copy(
                    context.at[pl.ds(nvec[l], 1)], rn.at[dst], semn).start()
            return 0

        lax.fori_loop(0, CH // 16, fire, 0)
        pltpu.make_async_copy(center.at[pl.ds(0, CH)], ru, semu).wait()
        pltpu.make_async_copy(context.at[pl.ds(0, CH)], rv, semv).wait()
        pltpu.make_async_copy(context.at[pl.ds(0, CH)], rn, semn).wait()

        def rowblk(t, p):
            for k in range(8):
                i = t * 8 + k
                s = None
                for j in range(NV):
                    d = pl.ds(16 * j, 16)
                    u = ru[i, d]
                    v = rv[i, d]
                    n = rn[i, d]
                    p = p + u * v
                    s = u * n if s is None else s + u * n
                negacc[cbase // 8 + t, pl.ds(k * 16, 16)] = s
            return p

        return lax.fori_loop(0, CH // 8, rowblk, posv)

    posv = lax.fori_loop(0, NCH, chunk, zero16)
    posbuf[0, pl.ds(0, 16)] = posv
    pltpu.sync_copy(negacc, neg_out.at[pl.ds(wid * (BPW // 8), BPW // 8)])
    pltpu.sync_copy(posbuf, pos_out.at[pl.ds(wid, 1)])


def _tc_body(neg_ref, pos_ref, out_ref):
    pos_total = jnp.sum(pos_ref[...])
    pos_loss = jax.nn.log_sigmoid(pos_total)
    lane = lax.broadcasted_iota(jnp.int32, (128, 8), 0)
    grp = lax.broadcasted_iota(jnp.int32, (128, 8), 1)
    sel = jnp.where(lane // 16 == grp, 1.0, 0.0).astype(jnp.float32)
    neg_score = jnp.dot(neg_ref[...], sel,
                        preferred_element_type=jnp.float32)
    neg_loss = jnp.sum(jax.nn.log_sigmoid(-neg_score))
    out_ref[0, 0] = -(pos_loss + neg_loss)


def _sc_call(pos_u, pos_v, neg_v, center_table, context_table):
    iu = pos_u.reshape(NW, BPW)
    iv = pos_v.reshape(NW, BPW)
    inn = neg_v.reshape(NW, BPW)

    sc = functools.partial(
        pl.kernel,
        mesh=plsc.VectorSubcoreMesh(core_axis_name="c", subcore_axis_name="s"),
        compiler_params=pltpu.CompilerParams(use_tc_tiling_on_sc=True),
        out_type=[
            jax.ShapeDtypeStruct((BATCH // 8, 128), jnp.float32),
            jax.ShapeDtypeStruct((NW, 128), jnp.float32),
        ],
        scratch_types=[
            pltpu.VMEM((BPW,), jnp.int32),
            pltpu.VMEM((BPW,), jnp.int32),
            pltpu.VMEM((BPW,), jnp.int32),
            pltpu.VMEM((CH, EMBED), jnp.float32),
            pltpu.VMEM((CH, EMBED), jnp.float32),
            pltpu.VMEM((CH, EMBED), jnp.float32),
            pltpu.VMEM((BPW // 8, 128), jnp.float32),
            pltpu.VMEM((1, 128), jnp.float32),
            pltpu.SemaphoreType.DMA,
            pltpu.SemaphoreType.DMA,
            pltpu.SemaphoreType.DMA,
        ],
    )(_sc_body)
    return sc(iu, iv, inn, center_table, context_table)


@jax.jit
def kernel(pos_u, pos_v, neg_v, center_table, context_table):
    neg2, posp = _sc_call(pos_u, pos_v, neg_v, center_table, context_table)

    out = pl.pallas_call(
        _tc_body,
        out_shape=jax.ShapeDtypeStruct((1, 1), jnp.float32),
        out_specs=pl.BlockSpec(memory_space=pltpu.SMEM),
    )(neg2, posp)
    return out[0, 0]

# --- scband reference (transcript-rebuilt; emitter-appended) ---
"""Pipeline reference for scband-word2-vec-8263517077566 (READ-ONLY COPY).

The authoritative reference and input builder live on the scoring server;
editing this copy changes nothing except your own understanding.
"""

import jax, jax.numpy as jnp
import numpy as np

VOCAB = 1000000
EMBED = 64
BATCH = 16384
PAD = 0


def setup_inputs(seed: int = 0) -> dict:
    key = jax.random.key(seed)
    k1, k2, k3, k4 = jax.random.split(key, 4)
    pos_u = jax.random.randint(k1, (BATCH,), 0, VOCAB, dtype=jnp.int64 if jax.config.jax_enable_x64 else jnp.int32).astype(jnp.int32)
    pos_v = jax.random.randint(k2, (BATCH,), 0, VOCAB).astype(jnp.int32)
    neg_v = jax.random.randint(k3, (BATCH,), 0, VOCAB).astype(jnp.int32)
    init_range = 0.5 / EMBED
    center_table = jax.random.uniform(k4, (VOCAB, EMBED), minval=-init_range, maxval=init_range, dtype=jnp.float32)
    center_table = center_table.at[PAD].set(0.0)
    # context_vec initialized with uniform_(-0, 0) => all zeros, per the torch module
    context_table = jnp.zeros((VOCAB, EMBED), dtype=jnp.float32)
    return {
        "pos_u": pos_u,
        "pos_v": pos_v,
        "neg_v": neg_v,
        "center_table": center_table,
        "context_table": context_table,
    }


def reference(pos_u, pos_v, neg_v, center_table, context_table):
    # gather embeddings (SparseCore-friendly gathers)
    emb_u = jnp.take(center_table, pos_u, axis=0)      # [B, D]
    emb_v = jnp.take(context_table, pos_v, axis=0)     # [B, D]
    emb_neg = jnp.take(context_table, neg_v, axis=0)   # [B, D]

    # positive score path (the torch code sums the per-pair scores over the
    # batch before applying logsigmoid; `sim=1` is the intended dim=1)
    score = jnp.sum(emb_u * emb_v, axis=1)             # [B]
    pos_loss = jax.nn.log_sigmoid(jnp.sum(score))      # scalar

    # negative score path
    neg_score = jnp.sum(emb_neg * emb_u, axis=1)       # [B]
    neg_loss = jnp.sum(jax.nn.log_sigmoid(-1.0 * neg_score))  # scalar

    return -1.0 * (pos_loss + neg_loss)

if __name__ == "__main__":
    import jax
    _d = setup_inputs()
    print(jax.jit(kernel)(*tuple(_d.values())))

</pallas_src>

<mosaic_0001>
#map = affine_map<(d0, d1) -> (0, 0)>
module attributes {stable_mosaic.version = 14 : i64} {
  func.func @_sc_body(%arg0: i32, %arg1: i32, %arg2: memref<32x512xi32, #tpu.memory_space<hbm>>, %arg3: memref<32x512xi32, #tpu.memory_space<hbm>>, %arg4: memref<32x512xi32, #tpu.memory_space<hbm>>, %arg5: memref<1000000x64xf32, #tpu.memory_space<hbm>>, %arg6: memref<1000000x64xf32, #tpu.memory_space<hbm>>, %arg7: memref<2048x128xf32, #tpu.memory_space<hbm>>, %arg8: memref<32x128xf32, #tpu.memory_space<hbm>>, %arg9: memref<512xi32, #tpu.memory_space<vmem>>, %arg10: memref<512xi32, #tpu.memory_space<vmem>>, %arg11: memref<512xi32, #tpu.memory_space<vmem>>, %arg12: memref<128x64xf32, #tpu.memory_space<vmem>>, %arg13: memref<128x64xf32, #tpu.memory_space<vmem>>, %arg14: memref<128x64xf32, #tpu.memory_space<vmem>>, %arg15: memref<64x128xf32, #tpu.memory_space<vmem>>, %arg16: memref<1x128xf32, #tpu.memory_space<vmem>>, %arg17: memref<!tpu.dma_semaphore, #tpu.memory_space<semaphore_mem>>, %arg18: memref<!tpu.dma_semaphore, #tpu.memory_space<semaphore_mem>>, %arg19: memref<!tpu.dma_semaphore, #tpu.memory_space<semaphore_mem>>) attributes {dimension_semantics = [#tpu.dimension_semantics<core_parallel>, #tpu.dimension_semantics<subcore_parallel>], iteration_bounds = array<i64: 2, 16>, scalar_prefetch = 0 : i64, scratch_operands = 11 : i64, tpu.core_type = #tpu.core_type<sc_vector_subcore>, window_params = [{transform_indices = #map}, {transform_indices = #map}, {transform_indices = #map}, {transform_indices = #map}, {transform_indices = #map}, {transform_indices = #map}, {transform_indices = #map}]} {
    %mul3A = arith.constant 2 : i32
    %mul3A_0 = arith.muli %arg1, %mul3A : i32
    %add3A = arith.addi %mul3A_0, %arg0 : i32
    "tpu.region"() ({
      %run_scoped3A = tpu.sem_alloc : memref<!tpu.dma_semaphore, #tpu.memory_space<semaphore_mem>>
      %dma_start3A = arith.constant 0 : i32
      %dma_start3A_62 = tpu.memref_slice %arg2[%add3A, %dma_start3A] : memref<32x512xi32, #tpu.memory_space<hbm>> -> memref<1x512xi32, #tpu.memory_space<hbm>>
      %dma_start3A_63 = tpu.memref_squeeze %dma_start3A_62 : memref<1x512xi32, #tpu.memory_space<hbm>> -> memref<512xi32, #tpu.memory_space<hbm>>
      %dma_start3A_64 = arith.constant 0 : i32
      %dma_start3A_65 = tpu.memref_slice %arg2[%add3A, %dma_start3A_64] : memref<32x512xi32, #tpu.memory_space<hbm>> -> memref<1x512xi32, #tpu.memory_space<hbm>>
      %dma_start3A_66 = tpu.memref_squeeze %dma_start3A_65 : memref<1x512xi32, #tpu.memory_space<hbm>> -> memref<512xi32, #tpu.memory_space<hbm>>
      tpu.enqueue_dma source(%dma_start3A_66 : memref<512xi32, #tpu.memory_space<hbm>>) target(%arg9 : memref<512xi32, #tpu.memory_space<vmem>>) target_semaphore(%run_scoped3A : memref<!tpu.dma_semaphore, #tpu.memory_space<semaphore_mem>>)
      %dma_wait3A = arith.constant 0 : i32
      %dma_wait3A_67 = tpu.memref_slice %arg2[%add3A, %dma_wait3A] : memref<32x512xi32, #tpu.memory_space<hbm>> -> memref<1x512xi32, #tpu.memory_space<hbm>>
      %dma_wait3A_68 = tpu.memref_squeeze %dma_wait3A_67 : memref<1x512xi32, #tpu.memory_space<hbm>> -> memref<512xi32, #tpu.memory_space<hbm>>
      %dma_wait3A_69 = arith.constant 0 : i32
      %dma_wait3A_70 = tpu.memref_slice %arg2[%add3A, %dma_wait3A_69] : memref<32x512xi32, #tpu.memory_space<hbm>> -> memref<1x512xi32, #tpu.memory_space<hbm>>
      %dma_wait3A_71 = tpu.memref_squeeze %dma_wait3A_70 : memref<1x512xi32, #tpu.memory_space<hbm>> -> memref<512xi32, #tpu.memory_space<hbm>>
      tpu.wait_dma2 semaphore(%run_scoped3A : memref<!tpu.dma_semaphore, #tpu.memory_space<semaphore_mem>>) src(%dma_wait3A_71 : memref<512xi32, #tpu.memory_space<hbm>>) dst(%arg9 : memref<512xi32, #tpu.memory_space<vmem>>)
      tpu.yield
    }) : () -> ()
    "tpu.region"() ({
      %run_scoped3A = tpu.sem_alloc : memref<!tpu.dma_semaphore, #tpu.memory_space<semaphore_mem>>
      %dma_start3A = arith.constant 0 : i32
      %dma_start3A_62 = tpu.memref_slice %arg3[%add3A, %dma_start3A] : memref<32x512xi32, #tpu.memory_space<hbm>> -> memref<1x512xi32, #tpu.memory_space<hbm>>
      %dma_start3A_63 = tpu.memref_squeeze %dma_start3A_62 : memref<1x512xi32, #tpu.memory_space<hbm>> -> memref<512xi32, #tpu.memory_space<hbm>>
      %dma_start3A_64 = arith.constant 0 : i32
      %dma_start3A_65 = tpu.memref_slice %arg3[%add3A, %dma_start3A_64] : memref<32x512xi32, #tpu.memory_space<hbm>> -> memref<1x512xi32, #tpu.memory_space<hbm>>
      %dma_start3A_66 = tpu.memref_squeeze %dma_start3A_65 : memref<1x512xi32, #tpu.memory_space<hbm>> -> memref<512xi32, #tpu.memory_space<hbm>>
      tpu.enqueue_dma source(%dma_start3A_66 : memref<512xi32, #tpu.memory_space<hbm>>) target(%arg10 : memref<512xi32, #tpu.memory_space<vmem>>) target_semaphore(%run_scoped3A : memref<!tpu.dma_semaphore, #tpu.memory_space<semaphore_mem>>)
      %dma_wait3A = arith.constant 0 : i32
      %dma_wait3A_67 = tpu.memref_slice %arg3[%add3A, %dma_wait3A] : memref<32x512xi32, #tpu.memory_space<hbm>> -> memref<1x512xi32, #tpu.memory_space<hbm>>
      %dma_wait3A_68 = tpu.memref_squeeze %dma_wait3A_67 : memref<1x512xi32, #tpu.memory_space<hbm>> -> memref<512xi32, #tpu.memory_space<hbm>>
      %dma_wait3A_69 = arith.constant 0 : i32
      %dma_wait3A_70 = tpu.memref_slice %arg3[%add3A, %dma_wait3A_69] : memref<32x512xi32, #tpu.memory_space<hbm>> -> memref<1x512xi32, #tpu.memory_space<hbm>>
      %dma_wait3A_71 = tpu.memref_squeeze %dma_wait3A_70 : memref<1x512xi32, #tpu.memory_space<hbm>> -> memref<512xi32, #tpu.memory_space<hbm>>
      tpu.wait_dma2 semaphore(%run_scoped3A : memref<!tpu.dma_semaphore, #tpu.memory_space<semaphore_mem>>) src(%dma_wait3A_71 : memref<512xi32, #tpu.memory_space<hbm>>) dst(%arg10 : memref<512xi32, #tpu.memory_space<vmem>>)
      tpu.yield
    }) : () -> ()
    "tpu.region"() ({
      %run_scoped3A = tpu.sem_alloc : memref<!tpu.dma_semaphore, #tpu.memory_space<semaphore_mem>>
      %dma_start3A = arith.constant 0 : i32
      %dma_start3A_62 = tpu.memref_slice %arg4[%add3A, %dma_start3A] : memref<32x512xi32, #tpu.memory_space<hbm>> -> memref<1x512xi32, #tpu.memory_space<hbm>>
      %dma_start3A_63 = tpu.memref_squeeze %dma_start3A_62 : memref<1x512xi32, #tpu.memory_space<hbm>> -> memref<512xi32, #tpu.memory_space<hbm>>
      %dma_start3A_64 = arith.constant 0 : i32
      %dma_start3A_65 = tpu.memref_slice %arg4[%add3A, %dma_start3A_64] : memref<32x512xi32, #tpu.memory_space<hbm>> -> memref<1x512xi32, #tpu.memory_space<hbm>>
      %dma_start3A_66 = tpu.memref_squeeze %dma_start3A_65 : memref<1x512xi32, #tpu.memory_space<hbm>> -> memref<512xi32, #tpu.memory_space<hbm>>
      tpu.enqueue_dma source(%dma_start3A_66 : memref<512xi32, #tpu.memory_space<hbm>>) target(%arg11 : memref<512xi32, #tpu.memory_space<vmem>>) target_semaphore(%run_scoped3A : memref<!tpu.dma_semaphore, #tpu.memory_space<semaphore_mem>>)
      %dma_wait3A = arith.constant 0 : i32
      %dma_wait3A_67 = tpu.memref_slice %arg4[%add3A, %dma_wait3A] : memref<32x512xi32, #tpu.memory_space<hbm>> -> memref<1x512xi32, #tpu.memory_space<hbm>>
      %dma_wait3A_68 = tpu.memref_squeeze %dma_wait3A_67 : memref<1x512xi32, #tpu.memory_space<hbm>> -> memref<512xi32, #tpu.memory_space<hbm>>
      %dma_wait3A_69 = arith.constant 0 : i32
      %dma_wait3A_70 = tpu.memref_slice %arg4[%add3A, %dma_wait3A_69] : memref<32x512xi32, #tpu.memory_space<hbm>> -> memref<1x512xi32, #tpu.memory_space<hbm>>
      %dma_wait3A_71 = tpu.memref_squeeze %dma_wait3A_70 : memref<1x512xi32, #tpu.memory_space<hbm>> -> memref<512xi32, #tpu.memory_space<hbm>>
      tpu.wait_dma2 semaphore(%run_scoped3A : memref<!tpu.dma_semaphore, #tpu.memory_space<semaphore_mem>>) src(%dma_wait3A_71 : memref<512xi32, #tpu.memory_space<hbm>>) dst(%arg11 : memref<512xi32, #tpu.memory_space<vmem>>)
      tpu.yield
    }) : () -> ()
    %broadcast_in_dim3A = arith.constant 0.000000e+00 : f32
    %broadcast_in_dim3A_1 = vector.broadcast %broadcast_in_dim3A : f32 to vector<16xf32>
    %swap3A = arith.constant 0 : i32
    %swap3A_2 = arith.index_cast %swap3A : i32 to index
    %swap3A_3 = arith.constant 0 : index
    %swap3A_4 = tpu.vector_load %arg16[%swap3A_2, %swap3A_3] {strides = array<i32>} : memref<1x128xf32, #tpu.memory_space<vmem>>, vector<1x16xf32>,
    %swap3A_5 = vector.shape_cast %swap3A_4 : vector<1x16xf32> to vector<16xf32>
    %swap3A_6 = vector.shape_cast %broadcast_in_dim3A_1 : vector<16xf32> to vector<1x16xf32>
    tpu.vector_store %arg16[%swap3A_2, %swap3A_3], %swap3A_6 {strides = array<i32>} : memref<1x128xf32, #tpu.memory_space<vmem>>, vector<1x16xf32>,
    %swap3A_7 = arith.constant 0 : i32
    %swap3A_8 = arith.index_cast %swap3A_7 : i32 to index
    %swap3A_9 = arith.constant 16 : index
    %swap3A_10 = tpu.vector_load %arg16[%swap3A_8, %swap3A_9] {strides = array<i32>} : memref<1x128xf32, #tpu.memory_space<vmem>>, vector<1x16xf32>,
    %swap3A_11 = vector.shape_cast %swap3A_10 : vector<1x16xf32> to vector<16xf32>
    %swap3A_12 = vector.shape_cast %broadcast_in_dim3A_1 : vector<16xf32> to vector<1x16xf32>
    tpu.vector_store %arg16[%swap3A_8, %swap3A_9], %swap3A_12 {strides = array<i32>} : memref<1x128xf32, #tpu.memory_space<vmem>>, vector<1x16xf32>,
    %swap3A_13 = arith.constant 0 : i32
    %swap3A_14 = arith.index_cast %swap3A_13 : i32 to index
    %swap3A_15 = arith.constant 32 : index
    %swap3A_16 = tpu.vector_load %arg16[%swap3A_14, %swap3A_15] {strides = array<i32>} : memref<1x128xf32, #tpu.memory_space<vmem>>, vector<1x16xf32>,
    %swap3A_17 = vector.shape_cast %swap3A_16 : vector<1x16xf32> to vector<16xf32>
    %swap3A_18 = vector.shape_cast %broadcast_in_dim3A_1 : vector<16xf32> to vector<1x16xf32>
    tpu.vector_store %arg16[%swap3A_14, %swap3A_15], %swap3A_18 {strides = array<i32>} : memref<1x128xf32, #tpu.memory_space<vmem>>, vector<1x16xf32>,
    %swap3A_19 = arith.constant 0 : i32
    %swap3A_20 = arith.index_cast %swap3A_19 : i32 to index
    %swap3A_21 = arith.constant 48 : index
    %swap3A_22 = tpu.vector_load %arg16[%swap3A_20, %swap3A_21] {strides = array<i32>} : memref<1x128xf32, #tpu.memory_space<vmem>>, vector<1x16xf32>,
    %swap3A_23 = vector.shape_cast %swap3A_22 : vector<1x16xf32> to vector<16xf32>
    %swap3A_24 = vector.shape_cast %broadcast_in_dim3A_1 : vector<16xf32> to vector<1x16xf32>
    tpu.vector_store %arg16[%swap3A_20, %swap3A_21], %swap3A_24 {strides = array<i32>} : memref<1x128xf32, #tpu.memory_space<vmem>>, vector<1x16xf32>,
    %swap3A_25 = arith.constant 0 : i32
    %swap3A_26 = arith.index_cast %swap3A_25 : i32 to index
    %swap3A_27 = arith.constant 64 : index
    %swap3A_28 = tpu.vector_load %arg16[%swap3A_26, %swap3A_27] {strides = array<i32>} : memref<1x128xf32, #tpu.memory_space<vmem>>, vector<1x16xf32>,
    %swap3A_29 = vector.shape_cast %swap3A_28 : vector<1x16xf32> to vector<16xf32>
    %swap3A_30 = vector.shape_cast %broadcast_in_dim3A_1 : vector<16xf32> to vector<1x16xf32>
    tpu.vector_store %arg16[%swap3A_26, %swap3A_27], %swap3A_30 {strides = array<i32>} : memref<1x128xf32, #tpu.memory_space<vmem>>, vector<1x16xf32>,
    %swap3A_31 = arith.constant 0 : i32
    %swap3A_32 = arith.index_cast %swap3A_31 : i32 to index
    %swap3A_33 = arith.constant 80 : index
    %swap3A_34 = tpu.vector_load %arg16[%swap3A_32, %swap3A_33] {strides = array<i32>} : memref<1x128xf32, #tpu.memory_space<vmem>>, vector<1x16xf32>,
    %swap3A_35 = vector.shape_cast %swap3A_34 : vector<1x16xf32> to vector<16xf32>
    %swap3A_36 = vector.shape_cast %broadcast_in_dim3A_1 : vector<16xf32> to vector<1x16xf32>
    tpu.vector_store %arg16[%swap3A_32, %swap3A_33], %swap3A_36 {strides = array<i32>} : memref<1x128xf32, #tpu.memory_space<vmem>>, vector<1x16xf32>,
    %swap3A_37 = arith.constant 0 : i32
    %swap3A_38 = arith.index_cast %swap3A_37 : i32 to index
    %swap3A_39 = arith.constant 96 : index
    %swap3A_40 = tpu.vector_load %arg16[%swap3A_38, %swap3A_39] {strides = array<i32>} : memref<1x128xf32, #tpu.memory_space<vmem>>, vector<1x16xf32>,
    %swap3A_41 = vector.shape_cast %swap3A_40 : vector<1x16xf32> to vector<16xf32>
    %swap3A_42 = vector.shape_cast %broadcast_in_dim3A_1 : vector<16xf32> to vector<1x16xf32>
    tpu.vector_store %arg16[%swap3A_38, %swap3A_39], %swap3A_42 {strides = array<i32>} : memref<1x128xf32, #tpu.memory_space<vmem>>, vector<1x16xf32>,
    %swap3A_43 = arith.constant 0 : i32
    %swap3A_44 = arith.index_cast %swap3A_43 : i32 to index
    %swap3A_45 = arith.constant 112 : index
    %swap3A_46 = tpu.vector_load %arg16[%swap3A_44, %swap3A_45] {strides = array<i32>} : memref<1x128xf32, #tpu.memory_space<vmem>>, vector<1x16xf32>,
    %swap3A_47 = vector.shape_cast %swap3A_46 : vector<1x16xf32> to vector<16xf32>
    %swap3A_48 = vector.shape_cast %broadcast_in_dim3A_1 : vector<16xf32> to vector<1x16xf32>
    tpu.vector_store %arg16[%swap3A_44, %swap3A_45], %swap3A_48 {strides = array<i32>} : memref<1x128xf32, #tpu.memory_space<vmem>>, vector<1x16xf32>,
    %scan3A = arith.constant 0 : i32
    %scan3A_49 = arith.constant 4 : i32
    %scan3A_50 = arith.addi %scan3A, %scan3A_49 : i32
    %scan3A_51 = arith.constant 1 : i32
    %scan3A_52 = scf.for %scan3A_62 = %scan3A to %scan3A_50 step %scan3A_51 iter_args(%scan3A_63 = %broadcast_in_dim3A_1) -> (vector<16xf32>)  : i32 {
      %mul3A_64 = arith.constant 128 : i32
      %mul3A_65 = arith.muli %scan3A_62, %mul3A_64 : i32
      %scan3A_66 = arith.constant 0 : i32
      %scan3A_67 = arith.constant 0 : i32
      %scan3A_68 = arith.constant 8 : i32
      %scan3A_69 = arith.addi %scan3A_67, %scan3A_68 : i32
      %scan3A_70 = arith.constant 1 : i32
      %scan3A_71 = scf.for %scan3A_96 = %scan3A_67 to %scan3A_69 step %scan3A_70 iter_args(%scan3A_97 = %scan3A_66) -> (i32)  : i32 {
        %mul3A_98 = arith.constant 16 : i32
        %mul3A_99 = arith.muli %scan3A_96, %mul3A_98 : i32
        %add3A_100 = arith.addi %mul3A_65, %mul3A_99 : i32
        %get3A = arith.index_cast %add3A_100 : i32 to index
        %get3A_101 = tpu.vector_load %arg9[%get3A] {strides = array<i32>} : memref<512xi32, #tpu.memory_space<vmem>>, vector<16xi32>,
        %get3A_102 = vector.shape_cast %get3A_101 : vector<16xi32> to vector<16xi32>
        %mul3A_103 = arith.constant 16 : i32
        %mul3A_104 = arith.muli %scan3A_96, %mul3A_103 : i32
        %add3A_105 = arith.addi %mul3A_65, %mul3A_104 : i32
        %get3A_106 = arith.index_cast %add3A_105 : i32 to index
        %get3A_107 = tpu.vector_load %arg10[%get3A_106] {strides = array<i32>} : memref<512xi32, #tpu.memory_space<vmem>>, vector<16xi32>,
        %get3A_108 = vector.shape_cast %get3A_107 : vector<16xi32> to vector<16xi32>
        %mul3A_109 = arith.constant 16 : i32
        %mul3A_110 = arith.muli %scan3A_96, %mul3A_109 : i32
        %add3A_111 = arith.addi %mul3A_65, %mul3A_110 : i32
        %get3A_112 = arith.index_cast %add3A_111 : i32 to index
        %get3A_113 = tpu.vector_load %arg11[%get3A_112] {strides = array<i32>} : memref<512xi32, #tpu.memory_space<vmem>>, vector<16xi32>,
        %get3A_114 = vector.shape_cast %get3A_113 : vector<16xi32> to vector<16xi32>
        %mul3A_115 = arith.constant 16 : i32
        %mul3A_116 = arith.muli %scan3A_96, %mul3A_115 : i32
        %add3A_117 = arith.constant 0 : i32
        %add3A_118 = arith.addi %mul3A_116, %add3A_117 : i32
        %slice3A = vector.extract_strided_slice %get3A_102 {offsets = [0], sizes = [1], strides = [1]} : vector<16xi32> to vector<1xi32>
        %squeeze3A = vector.extract %slice3A[0] : i32 from vector<1xi32>
        %dma_start3A = arith.constant 0 : i32
        %dma_start3A_119 = tpu.memref_slice %arg12[%add3A_118, %dma_start3A] : memref<128x64xf32, #tpu.memory_space<vmem>> -> memref<1x64xf32, #tpu.memory_space<vmem>>
        %dma_start3A_120 = arith.constant 0 : i32
        %dma_start3A_121 = tpu.memref_slice %arg5[%squeeze3A, %dma_start3A_120] : memref<1000000x64xf32, #tpu.memory_space<hbm>> -> memref<1x64xf32, #tpu.memory_space<hbm>>
        %dma_start3A_122 = arith.constant 0 : i32
        %dma_start3A_123 = tpu.memref_slice %arg12[%add3A_118, %dma_start3A_122] : memref<128x64xf32, #tpu.memory_space<vmem>> -> memref<1x64xf32, #tpu.memory_space<vmem>>
        %dma_start3A_124 = arith.constant 0 : i32
        %dma_start3A_125 = tpu.memref_slice %arg5[%squeeze3A, %dma_start3A_124] : memref<1000000x64xf32, #tpu.memory_space<hbm>> -> memref<1x64xf32, #tpu.memory_space<hbm>>
        tpu.enqueue_dma source(%dma_start3A_125 : memref<1x64xf32, #tpu.memory_space<hbm>>) target(%dma_start3A_123 : memref<1x64xf32, #tpu.memory_space<vmem>>) target_semaphore(%arg17 : memref<!tpu.dma_semaphore, #tpu.memory_space<semaphore_mem>>)
        %slice3A_126 = vector.extract_strided_slice %get3A_108 {offsets = [0], sizes = [1], strides = [1]} : vector<16xi32> to vector<1xi32>
        %squeeze3A_127 = vector.extract %slice3A_126[0] : i32 from vector<1xi32>
        %dma_start3A_128 = arith.constant 0 : i32
        %dma_start3A_129 = tpu.memref_slice %arg13[%add3A_118, %dma_start3A_128] : memref<128x64xf32, #tpu.memory_space<vmem>> -> memref<1x64xf32, #tpu.memory_space<vmem>>
        %dma_start3A_130 = arith.constant 0 : i32
        %dma_start3A_131 = tpu.memref_slice %arg6[%squeeze3A_127, %dma_start3A_130] : memref<1000000x64xf32, #tpu.memory_space<hbm>> -> memref<1x64xf32, #tpu.memory_space<hbm>>
        %dma_start3A_132 = arith.constant 0 : i32
        %dma_start3A_133 = tpu.memref_slice %arg13[%add3A_118, %dma_start3A_132] : memref<128x64xf32, #tpu.memory_space<vmem>> -> memref<1x64xf32, #tpu.memory_space<vmem>>
        %dma_start3A_134 = arith.constant 0 : i32
        %dma_start3A_135 = tpu.memref_slice %arg6[%squeeze3A_127, %dma_start3A_134] : memref<1000000x64xf32, #tpu.memory_space<hbm>> -> memref<1x64xf32, #tpu.memory_space<hbm>>
        tpu.enqueue_dma source(%dma_start3A_135 : memref<1x64xf32, #tpu.memory_space<hbm>>) target(%dma_start3A_133 : memref<1x64xf32, #tpu.memory_space<vmem>>) target_semaphore(%arg18 : memref<!tpu.dma_semaphore, #tpu.memory_space<semaphore_mem>>)
        %slice3A_136 = vector.extract_strided_slice %get3A_114 {offsets = [0], sizes = [1], strides = [1]} : vector<16xi32> to vector<1xi32>
        %squeeze3A_137 = vector.extract %slice3A_136[0] : i32 from vector<1xi32>
        %dma_start3A_138 = arith.constant 0 : i32
        %dma_start3A_139 = tpu.memref_slice %arg14[%add3A_118, %dma_start3A_138] : memref<128x64xf32, #tpu.memory_space<vmem>> -> memref<1x64xf32, #tpu.memory_space<vmem>>
        %dma_start3A_140 = arith.constant 0 : i32
        %dma_start3A_141 = tpu.memref_slice %arg6[%squeeze3A_137, %dma_start3A_140] : memref<1000000x64xf32, #tpu.memory_space<hbm>> -> memref<1x64xf32, #tpu.memory_space<hbm>>
        %dma_start3A_142 = arith.constant 0 : i32
        %dma_start3A_143 = tpu.memref_slice %arg14[%add3A_118, %dma_start3A_142] : memref<128x64xf32, #tpu.memory_space<vmem>> -> memref<1x64xf32, #tpu.memory_space<vmem>>
        %dma_start3A_144 = arith.constant 0 : i32
        %dma_start3A_145 = tpu.memref_slice %arg6[%squeeze3A_137, %dma_start3A_144] : memref<1000000x64xf32, #tpu.memory_space<hbm>> -> memref<1x64xf32, #tpu.memory_space<hbm>>
        tpu.enqueue_dma source(%dma_start3A_145 : memref<1x64xf32, #tpu.memory_space<hbm>>) target(%dma_start3A_143 : memref<1x64xf32, #tpu.memory_space<vmem>>) target_semaphore(%arg19 : memref<!tpu.dma_semaphore, #tpu.memory_space<semaphore_mem>>)
        %mul3A_146 = arith.constant 16 : i32
        %mul3A_147 = arith.muli %scan3A_96, %mul3A_146 : i32
        %add3A_148 = arith.constant 1 : i32
        %add3A_149 = arith.addi %mul3A_147, %add3A_148 : i32
        %slice3A_150 = vector.extract_strided_slice %get3A_102 {offsets = [1], sizes = [1], strides = [1]} : vector<16xi32> to vector<1xi32>
        %squeeze3A_151 = vector.extract %slice3A_150[0] : i32 from vector<1xi32>
        %dma_start3A_152 = arith.constant 0 : i32
        %dma_start3A_153 = tpu.memref_slice %arg12[%add3A_149, %dma_start3A_152] : memref<128x64xf32, #tpu.memory_space<vmem>> -> memref<1x64xf32, #tpu.memory_space<vmem>>
        %dma_start3A_154 = arith.constant 0 : i32
        %dma_start3A_155 = tpu.memref_slice %arg5[%squeeze3A_151, %dma_start3A_154] : memref<1000000x64xf32, #tpu.memory_space<hbm>> -> memref<1x64xf32, #tpu.memory_space<hbm>>
        %dma_start3A_156 = arith.constant 0 : i32
        %dma_start3A_157 = tpu.memref_slice %arg12[%add3A_149, %dma_start3A_156] : memref<128x64xf32, #tpu.memory_space<vmem>> -> memref<1x64xf32, #tpu.memory_space<vmem>>
        %dma_start3A_158 = arith.constant 0 : i32
        %dma_start3A_159 = tpu.memref_slice %arg5[%squeeze3A_151, %dma_start3A_158] : memref<1000000x64xf32, #tpu.memory_space<hbm>> -> memref<1x64xf32, #tpu.memory_space<hbm>>
        tpu.enqueue_dma source(%dma_start3A_159 : memref<1x64xf32, #tpu.memory_space<hbm>>) target(%dma_start3A_157 : memref<1x64xf32, #tpu.memory_space<vmem>>) target_semaphore(%arg17 : memref<!tpu.dma_semaphore, #tpu.memory_space<semaphore_mem>>)
        %slice3A_160 = vector.extract_strided_slice %get3A_108 {offsets = [1], sizes = [1], strides = [1]} : vector<16xi32> to vector<1xi32>
        %squeeze3A_161 = vector.extract %slice3A_160[0] : i32 from vector<1xi32>
        %dma_start3A_162 = arith.constant 0 : i32
        %dma_start3A_163 = tpu.memref_slice %arg13[%add3A_149, %dma_start3A_162] : memref<128x64xf32, #tpu.memory_space<vmem>> -> memref<1x64xf32, #tpu.memory_space<vmem>>
        %dma_start3A_164 = arith.constant 0 : i32
        %dma_start3A_165 = tpu.memref_slice %arg6[%squeeze3A_161, %dma_start3A_164] : memref<1000000x64xf32, #tpu.memory_space<hbm>> -> memref<1x64xf32, #tpu.memory_space<hbm>>
        %dma_start3A_166 = arith.constant 0 : i32
        %dma_start3A_167 = tpu.memref_slice %arg13[%add3A_149, %dma_start3A_166] : memref<128x64xf32, #tpu.memory_space<vmem>> -> memref<1x64xf32, #tpu.memory_space<vmem>>
        %dma_start3A_168 = arith.constant 0 : i32
        %dma_start3A_169 = tpu.memref_slice %arg6[%squeeze3A_161, %dma_start3A_168] : memref<1000000x64xf32, #tpu.memory_space<hbm>> -> memref<1x64xf32, #tpu.memory_space<hbm>>
        tpu.enqueue_dma source(%dma_start3A_169 : memref<1x64xf32, #tpu.memory_space<hbm>>) target(%dma_start3A_167 : memref<1x64xf32, #tpu.memory_space<vmem>>) target_semaphore(%arg18 : memref<!tpu.dma_semaphore, #tpu.memory_space<semaphore_mem>>)
        %slice3A_170 = vector.extract_strided_slice %get3A_114 {offsets = [1], sizes = [1], strides = [1]} : vector<16xi32> to vector<1xi32>
        %squeeze3A_171 = vector.extract %slice3A_170[0] : i32 from vector<1xi32>
        %dma_start3A_172 = arith.constant 0 : i32
        %dma_start3A_173 = tpu.memref_slice %arg14[%add3A_149, %dma_start3A_172] : memref<128x64xf32, #tpu.memory_space<vmem>> -> memref<1x64xf32, #tpu.memory_space<vmem>>
        %dma_start3A_174 = arith.constant 0 : i32
        %dma_start3A_175 = tpu.memref_slice %arg6[%squeeze3A_171, %dma_start3A_174] : memref<1000000x64xf32, #tpu.memory_space<hbm>> -> memref<1x64xf32, #tpu.memory_space<hbm>>
        %dma_start3A_176 = arith.constant 0 : i32
        %dma_start3A_177 = tpu.memref_slice %arg14[%add3A_149, %dma_start3A_176] : memref<128x64xf32, #tpu.memory_space<vmem>> -> memref<1x64xf32, #tpu.memory_space<vmem>>
        %dma_start3A_178 = arith.constant 0 : i32
        %dma_start3A_179 = tpu.memref_slice %arg6[%squeeze3A_171, %dma_start3A_178] : memref<1000000x64xf32, #tpu.memory_space<hbm>> -> memref<1x64xf32, #tpu.memory_space<hbm>>
        tpu.enqueue_dma source(%dma_start3A_179 : memref<1x64xf32, #tpu.memory_space<hbm>>) target(%dma_start3A_177 : memref<1x64xf32, #tpu.memory_space<vmem>>) target_semaphore(%arg19 : memref<!tpu.dma_semaphore, #tpu.memory_space<semaphore_mem>>)
        %mul3A_180 = arith.constant 16 : i32
        %mul3A_181 = arith.muli %scan3A_96, %mul3A_180 : i32
        %add3A_182 = arith.constant 2 : i32
        %add3A_183 = arith.addi %mul3A_181, %add3A_182 : i32
        %slice3A_184 = vector.extract_strided_slice %get3A_102 {offsets = [2], sizes = [1], strides = [1]} : vector<16xi32> to vector<1xi32>
        %squeeze3A_185 = vector.extract %slice3A_184[0] : i32 from vector<1xi32>
        %dma_start3A_186 = arith.constant 0 : i32
        %dma_start3A_187 = tpu.memref_slice %arg12[%add3A_183, %dma_start3A_186] : memref<128x64xf32, #tpu.memory_space<vmem>> -> memref<1x64xf32, #tpu.memory_space<vmem>>
        %dma_start3A_188 = arith.constant 0 : i32
        %dma_start3A_189 = tpu.memref_slice %arg5[%squeeze3A_185, %dma_start3A_188] : memref<1000000x64xf32, #tpu.memory_space<hbm>> -> memref<1x64xf32, #tpu.memory_space<hbm>>
        %dma_start3A_190 = arith.constant 0 : i32
        %dma_start3A_191 = tpu.memref_slice %arg12[%add3A_183, %dma_start3A_190] : memref<128x64xf32, #tpu.memory_space<vmem>> -> memref<1x64xf32, #tpu.memory_space<vmem>>
        %dma_start3A_192 = arith.constant 0 : i32
        %dma_start3A_193 = tpu.memref_slice %arg5[%squeeze3A_185, %dma_start3A_192] : memref<1000000x64xf32, #tpu.memory_space<hbm>> -> memref<1x64xf32, #tpu.memory_space<hbm>>
        tpu.enqueue_dma source(%dma_start3A_193 : memref<1x64xf32, #tpu.memory_space<hbm>>) target(%dma_start3A_191 : memref<1x64xf32, #tpu.memory_space<vmem>>) target_semaphore(%arg17 : memref<!tpu.dma_semaphore, #tpu.memory_space<semaphore_mem>>)
        %slice3A_194 = vector.extract_strided_slice %get3A_108 {offsets = [2], sizes = [1], strides = [1]} : vector<16xi32> to vector<1xi32>
        %squeeze3A_195 = vector.extract %slice3A_194[0] : i32 from vector<1xi32>
        %dma_start3A_196 = arith.constant 0 : i32
        %dma_start3A_197 = tpu.memref_slice %arg13[%add3A_183, %dma_start3A_196] : memref<128x64xf32, #tpu.memory_space<vmem>> -> memref<1x64xf32, #tpu.memory_space<vmem>>
        %dma_start3A_198 = arith.constant 0 : i32
        %dma_start3A_199 = tpu.memref_slice %arg6[%squeeze3A_195, %dma_start3A_198] : memref<1000000x64xf32, #tpu.memory_space<hbm>> -> memref<1x64xf32, #tpu.memory_space<hbm>>
        %dma_start3A_200 = arith.constant 0 : i32
        %dma_start3A_201 = tpu.memref_slice %arg13[%add3A_183, %dma_start3A_200] : memref<128x64xf32, #tpu.memory_space<vmem>> -> memref<1x64xf32, #tpu.memory_space<vmem>>
        %dma_start3A_202 = arith.constant 0 : i32
        %dma_start3A_203 = tpu.memref_slice %arg6[%squeeze3A_195, %dma_start3A_202] : memref<1000000x64xf32, #tpu.memory_space<hbm>> -> memref<1x64xf32, #tpu.memory_space<hbm>>
        tpu.enqueue_dma source(%dma_start3A_203 : memref<1x64xf32, #tpu.memory_space<hbm>>) target(%dma_start3A_201 : memref<1x64xf32, #tpu.memory_space<vmem>>) target_semaphore(%arg18 : memref<!tpu.dma_semaphore, #tpu.memory_space<semaphore_mem>>)
        %slice3A_204 = vector.extract_strided_slice %get3A_114 {offsets = [2], sizes = [1], strides = [1]} : vector<16xi32> to vector<1xi32>
        %squeeze3A_205 = vector.extract %slice3A_204[0] : i32 from vector<1xi32>
        %dma_start3A_206 = arith.constant 0 : i32
        %dma_start3A_207 = tpu.memref_slice %arg14[%add3A_183, %dma_start3A_206] : memref<128x64xf32, #tpu.memory_space<vmem>> -> memref<1x64xf32, #tpu.memory_space<vmem>>
        %dma_start3A_208 = arith.constant 0 : i32
        %dma_start3A_209 = tpu.memref_slice %arg6[%squeeze3A_205, %dma_start3A_208] : memref<1000000x64xf32, #tpu.memory_space<hbm>> -> memref<1x64xf32, #tpu.memory_space<hbm>>
        %dma_start3A_210 = arith.constant 0 : i32
        %dma_start3A_211 = tpu.memref_slice %arg14[%add3A_183, %dma_start3A_210] : memref<128x64xf32, #tpu.memory_space<vmem>> -> memref<1x64xf32, #tpu.memory_space<vmem>>
        %dma_start3A_212 = arith.constant 0 : i32
        %dma_start3A_213 = tpu.memref_slice %arg6[%squeeze3A_205, %dma_start3A_212] : memref<1000000x64xf32, #tpu.memory_space<hbm>> -> memref<1x64xf32, #tpu.memory_space<hbm>>
        tpu.enqueue_dma source(%dma_start3A_213 : memref<1x64xf32, #tpu.memory_space<hbm>>) target(%dma_start3A_211 : memref<1x64xf32, #tpu.memory_space<vmem>>) target_semaphore(%arg19 : memref<!tpu.dma_semaphore, #tpu.memory_space<semaphore_mem>>)
        %mul3A_214 = arith.constant 16 : i32
        %mul3A_215 = arith.muli %scan3A_96, %mul3A_214 : i32
        %add3A_216 = arith.constant 3 : i32
        %add3A_217 = arith.addi %mul3A_215, %add3A_216 : i32
        %slice3A_218 = vector.extract_strided_slice %get3A_102 {offsets = [3], sizes = [1], strides = [1]} : vector<16xi32> to vector<1xi32>
        %squeeze3A_219 = vector.extract %slice3A_218[0] : i32 from vector<1xi32>
        %dma_start3A_220 = arith.constant 0 : i32
        %dma_start3A_221 = tpu.memref_slice %arg12[%add3A_217, %dma_start3A_220] : memref<128x64xf32, #tpu.memory_space<vmem>> -> memref<1x64xf32, #tpu.memory_space<vmem>>
        %dma_start3A_222 = arith.constant 0 : i32
        %dma_start3A_223 = tpu.memref_slice %arg5[%squeeze3A_219, %dma_start3A_222] : memref<1000000x64xf32, #tpu.memory_space<hbm>> -> memref<1x64xf32, #tpu.memory_space<hbm>>
        %dma_start3A_224 = arith.constant 0 : i32
        %dma_start3A_225 = tpu.memref_slice %arg12[%add3A_217, %dma_start3A_224] : memref<128x64xf32, #tpu.memory_space<vmem>> -> memref<1x64xf32, #tpu.memory_space<vmem>>
        %dma_start3A_226 = arith.constant 0 : i32
        %dma_start3A_227 = tpu.memref_slice %arg5[%squeeze3A_219, %dma_start3A_226] : memref<1000000x64xf32, #tpu.memory_space<hbm>> -> memref<1x64xf32, #tpu.memory_space<hbm>>
        tpu.enqueue_dma source(%dma_start3A_227 : memref<1x64xf32, #tpu.memory_space<hbm>>) target(%dma_start3A_225 : memref<1x64xf32, #tpu.memory_space<vmem>>) target_semaphore(%arg17 : memref<!tpu.dma_semaphore, #tpu.memory_space<semaphore_mem>>)
        %slice3A_228 = vector.extract_strided_slice %get3A_108 {offsets = [3], sizes = [1], strides = [1]} : vector<16xi32> to vector<1xi32>
        %squeeze3A_229 = vector.extract %slice3A_228[0] : i32 from vector<1xi32>
        %dma_start3A_230 = arith.constant 0 : i32
        %dma_start3A_231 = tpu.memref_slice %arg13[%add3A_217, %dma_start3A_230] : memref<128x64xf32, #tpu.memory_space<vmem>> -> memref<1x64xf32, #tpu.memory_space<vmem>>
        %dma_start3A_232 = arith.constant 0 : i32
        %dma_start3A_233 = tpu.memref_slice %arg6[%squeeze3A_229, %dma_start3A_232] : memref<1000000x64xf32, #tpu.memory_space<hbm>> -> memref<1x64xf32, #tpu.memory_space<hbm>>
        %dma_start3A_234 = arith.constant 0 : i32
        %dma_start3A_235 = tpu.memref_slice %arg13[%add3A_217, %dma_start3A_234] : memref<128x64xf32, #tpu.memory_space<vmem>> -> memref<1x64xf32, #tpu.memory_space<vmem>>
        %dma_start3A_236 = arith.constant 0 : i32
        %dma_start3A_237 = tpu.memref_slice %arg6[%squeeze3A_229, %dma_start3A_236] : memref<1000000x64xf32, #tpu.memory_space<hbm>> -> memref<1x64xf32, #tpu.memory_space<hbm>>
        tpu.enqueue_dma source(%dma_start3A_237 : memref<1x64xf32, #tpu.memory_space<hbm>>) target(%dma_start3A_235 : memref<1x64xf32, #tpu.memory_space<vmem>>) target_semaphore(%arg18 : memref<!tpu.dma_semaphore, #tpu.memory_space<semaphore_mem>>)
        %slice3A_238 = vector.extract_strided_slice %get3A_114 {offsets = [3], sizes = [1], strides = [1]} : vector<16xi32> to vector<1xi32>
        %squeeze3A_239 = vector.extract %slice3A_238[0] : i32 from vector<1xi32>
        %dma_start3A_240 = arith.constant 0 : i32
        %dma_start3A_241 = tpu.memref_slice %arg14[%add3A_217, %dma_start3A_240] : memref<128x64xf32, #tpu.memory_space<vmem>> -> memref<1x64xf32, #tpu.memory_space<vmem>>
        %dma_start3A_242 = arith.constant 0 : i32
        %dma_start3A_243 = tpu.memref_slice %arg6[%squeeze3A_239, %dma_start3A_242] : memref<1000000x64xf32, #tpu.memory_space<hbm>> -> memref<1x64xf32, #tpu.memory_space<hbm>>
        %dma_start3A_244 = arith.constant 0 : i32
        %dma_start3A_245 = tpu.memref_slice %arg14[%add3A_217, %dma_start3A_244] : memref<128x64xf32, #tpu.memory_space<vmem>> -> memref<1x64xf32, #tpu.memory_space<vmem>>
        %dma_start3A_246 = arith.constant 0 : i32
        %dma_start3A_247 = tpu.memref_slice %arg6[%squeeze3A_239, %dma_start3A_246] : memref<1000000x64xf32, #tpu.memory_space<hbm>> -> memref<1x64xf32, #tpu.memory_space<hbm>>
        tpu.enqueue_dma source(%dma_start3A_247 : memref<1x64xf32, #tpu.memory_space<hbm>>) target(%dma_start3A_245 : memref<1x64xf32, #tpu.memory_space<vmem>>) target_semaphore(%arg19 : memref<!tpu.dma_semaphore, #tpu.memory_space<semaphore_mem>>)
        %mul3A_248 = arith.constant 16 : i32
        %mul3A_249 = arith.muli %scan3A_96, %mul3A_248 : i32
        %add3A_250 = arith.constant 4 : i32
        %add3A_251 = arith.addi %mul3A_249, %add3A_250 : i32
        %slice3A_252 = vector.extract_strided_slice %get3A_102 {offsets = [4], sizes = [1], strides = [1]} : vector<16xi32> to vector<1xi32>
        %squeeze3A_253 = vector.extract %slice3A_252[0] : i32 from vector<1xi32>
        %dma_start3A_254 = arith.constant 0 : i32
        %dma_start3A_255 = tpu.memref_slice %arg12[%add3A_251, %dma_start3A_254] : memref<128x64xf32, #tpu.memory_space<vmem>> -> memref<1x64xf32, #tpu.memory_space<vmem>>
        %dma_start3A_256 = arith.constant 0 : i32
        %dma_start3A_257 = tpu.memref_slice %arg5[%squeeze3A_253, %dma_start3A_256] : memref<1000000x64xf32, #tpu.memory_space<hbm>> -> memref<1x64xf32, #tpu.memory_space<hbm>>
        %dma_start3A_258 = arith.constant 0 : i32
        %dma_start3A_259 = tpu.memref_slice %arg12[%add3A_251, %dma_start3A_258] : memref<128x64xf32, #tpu.memory_space<vmem>> -> memref<1x64xf32, #tpu.memory_space<vmem>>
        %dma_start3A_260 = arith.constant 0 : i32
        %dma_start3A_261 = tpu.memref_slice %arg5[%squeeze3A_253, %dma_start3A_260] : memref<1000000x64xf32, #tpu.memory_space<hbm>> -> memref<1x64xf32, #tpu.memory_space<hbm>>
        tpu.enqueue_dma source(%dma_start3A_261 : memref<1x64xf32, #tpu.memory_space<hbm>>) target(%dma_start3A_259 : memref<1x64xf32, #tpu.memory_space<vmem>>) target_semaphore(%arg17 : memref<!tpu.dma_semaphore, #tpu.memory_space<semaphore_mem>>)
        %slice3A_262 = vector.extract_strided_slice %get3A_108 {offsets = [4], sizes = [1], strides = [1]} : vector<16xi32> to vector<1xi32>
        %squeeze3A_263 = vector.extract %slice3A_262[0] : i32 from vector<1xi32>
        %dma_start3A_264 = arith.constant 0 : i32
        %dma_start3A_265 = tpu.memref_slice %arg13[%add3A_251, %dma_start3A_264] : memref<128x64xf32, #tpu.memory_space<vmem>> -> memref<1x64xf32, #tpu.memory_space<vmem>>
        %dma_start3A_266 = arith.constant 0 : i32
        %dma_start3A_267 = tpu.memref_slice %arg6[%squeeze3A_263, %dma_start3A_266] : memref<1000000x64xf32, #tpu.memory_space<hbm>> -> memref<1x64xf32, #tpu.memory_space<hbm>>
        %dma_start3A_268 = arith.constant 0 : i32
        %dma_start3A_269 = tpu.memref_slice %arg13[%add3A_251, %dma_start3A_268] : memref<128x64xf32, #tpu.memory_space<vmem>> -> memref<1x64xf32, #tpu.memory_space<vmem>>
        %dma_start3A_270 = arith.constant 0 : i32
        %dma_start3A_271 = tpu.memref_slice %arg6[%squeeze3A_263, %dma_start3A_270] : memref<1000000x64xf32, #tpu.memory_space<hbm>> -> memref<1x64xf32, #tpu.memory_space<hbm>>
        tpu.enqueue_dma source(%dma_start3A_271 : memref<1x64xf32, #tpu.memory_space<hbm>>) target(%dma_start3A_269 : memref<1x64xf32, #tpu.memory_space<vmem>>) target_semaphore(%arg18 : memref<!tpu.dma_semaphore, #tpu.memory_space<semaphore_mem>>)
        %slice3A_272 = vector.extract_strided_slice %get3A_114 {offsets = [4], sizes = [1], strides = [1]} : vector<16xi32> to vector<1xi32>
        %squeeze3A_273 = vector.extract %slice3A_272[0] : i32 from vector<1xi32>
        %dma_start3A_274 = arith.constant 0 : i32
        %dma_start3A_275 = tpu.memref_slice %arg14[%add3A_251, %dma_start3A_274] : memref<128x64xf32, #tpu.memory_space<vmem>> -> memref<1x64xf32, #tpu.memory_space<vmem>>
        %dma_start3A_276 = arith.constant 0 : i32
        %dma_start3A_277 = tpu.memref_slice %arg6[%squeeze3A_273, %dma_start3A_276] : memref<1000000x64xf32, #tpu.memory_space<hbm>> -> memref<1x64xf32, #tpu.memory_space<hbm>>
        %dma_start3A_278 = arith.constant 0 : i32
        %dma_start3A_279 = tpu.memref_slice %arg14[%add3A_251, %dma_start3A_278] : memref<128x64xf32, #tpu.memory_space<vmem>> -> memref<1x64xf32, #tpu.memory_space<vmem>>
        %dma_start3A_280 = arith.constant 0 : i32
        %dma_start3A_281 = tpu.memref_slice %arg6[%squeeze3A_273, %dma_start3A_280] : memref<1000000x64xf32, #tpu.memory_space<hbm>> -> memref<1x64xf32, #tpu.memory_space<hbm>>
        tpu.enqueue_dma source(%dma_start3A_281 : memref<1x64xf32, #tpu.memory_space<hbm>>) target(%dma_start3A_279 : memref<1x64xf32, #tpu.memory_space<vmem>>) target_semaphore(%arg19 : memref<!tpu.dma_semaphore, #tpu.memory_space<semaphore_mem>>)
        %mul3A_282 = arith.constant 16 : i32
        %mul3A_283 = arith.muli %scan3A_96, %mul3A_282 : i32
        %add3A_284 = arith.constant 5 : i32
        %add3A_285 = arith.addi %mul3A_283, %add3A_284 : i32
        %slice3A_286 = vector.extract_strided_slice %get3A_102 {offsets = [5], sizes = [1], strides = [1]} : vector<16xi32> to vector<1xi32>
        %squeeze3A_287 = vector.extract %slice3A_286[0] : i32 from vector<1xi32>
        %dma_start3A_288 = arith.constant 0 : i32
        %dma_start3A_289 = tpu.memref_slice %arg12[%add3A_285, %dma_start3A_288] : memref<128x64xf32, #tpu.memory_space<vmem>> -> memref<1x64xf32, #tpu.memory_space<vmem>>
        %dma_start3A_290 = arith.constant 0 : i32
        %dma_start3A_291 = tpu.memref_slice %arg5[%squeeze3A_287, %dma_start3A_290] : memref<1000000x64xf32, #tpu.memory_space<hbm>> -> memref<1x64xf32, #tpu.memory_space<hbm>>
        %dma_start3A_292 = arith.constant 0 : i32
        %dma_start3A_293 = tpu.memref_slice %arg12[%add3A_285, %dma_start3A_292] : memref<128x64xf32, #tpu.memory_space<vmem>> -> memref<1x64xf32, #tpu.memory_space<vmem>>
        %dma_start3A_294 = arith.constant 0 : i32
        %dma_start3A_295 = tpu.memref_slice %arg5[%squeeze3A_287, %dma_start3A_294] : memref<1000000x64xf32, #tpu.memory_space<hbm>> -> memref<1x64xf32, #tpu.memory_space<hbm>>
        tpu.enqueue_dma source(%dma_start3A_295 : memref<1x64xf32, #tpu.memory_space<hbm>>) target(%dma_start3A_293 : memref<1x64xf32, #tpu.memory_space<vmem>>) target_semaphore(%arg17 : memref<!tpu.dma_semaphore, #tpu.memory_space<semaphore_mem>>)
        %slice3A_296 = vector.extract_strided_slice %get3A_108 {offsets = [5], sizes = [1], strides = [1]} : vector<16xi32> to vector<1xi32>
        %squeeze3A_297 = vector.extract %slice3A_296[0] : i32 from vector<1xi32>
        %dma_start3A_298 = arith.constant 0 : i32
        %dma_start3A_299 = tpu.memref_slice %arg13[%add3A_285, %dma_start3A_298] : memref<128x64xf32, #tpu.memory_space<vmem>> -> memref<1x64xf32, #tpu.memory_space<vmem>>
        %dma_start3A_300 = arith.constant 0 : i32
        %dma_start3A_301 = tpu.memref_slice %arg6[%squeeze3A_297, %dma_start3A_300] : memref<1000000x64xf32, #tpu.memory_space<hbm>> -> memref<1x64xf32, #tpu.memory_space<hbm>>
        %dma_start3A_302 = arith.constant 0 : i32
        %dma_start3A_303 = tpu.memref_slice %arg13[%add3A_285, %dma_start3A_302] : memref<128x64xf32, #tpu.memory_space<vmem>> -> memref<1x64xf32, #tpu.memory_space<vmem>>
        %dma_start3A_304 = arith.constant 0 : i32
        %dma_start3A_305 = tpu.memref_slice %arg6[%squeeze3A_297, %dma_start3A_304] : memref<1000000x64xf32, #tpu.memory_space<hbm>> -> memref<1x64xf32, #tpu.memory_space<hbm>>
        tpu.enqueue_dma source(%dma_start3A_305 : memref<1x64xf32, #tpu.memory_space<hbm>>) target(%dma_start3A_303 : memref<1x64xf32, #tpu.memory_space<vmem>>) target_semaphore(%arg18 : memref<!tpu.dma_semaphore, #tpu.memory_space<semaphore_mem>>)
        %slice3A_306 = vector.extract_strided_slice %get3A_114 {offsets = [5], sizes = [1], strides = [1]} : vector<16xi32> to vector<1xi32>
        %squeeze3A_307 = vector.extract %slice3A_306[0] : i32 from vector<1xi32>
        %dma_start3A_308 = arith.constant 0 : i32
        %dma_start3A_309 = tpu.memref_slice %arg14[%add3A_285, %dma_start3A_308] : memref<128x64xf32, #tpu.memory_space<vmem>> -> memref<1x64xf32, #tpu.memory_space<vmem>>
        %dma_start3A_310 = arith.constant 0 : i32
        %dma_start3A_311 = tpu.memref_slice %arg6[%squeeze3A_307, %dma_start3A_310] : memref<1000000x64xf32, #tpu.memory_space<hbm>> -> memref<1x64xf32, #tpu.memory_space<hbm>>
        %dma_start3A_312 = arith.constant 0 : i32
        %dma_start3A_313 = tpu.memref_slice %arg14[%add3A_285, %dma_start3A_312] : memref<128x64xf32, #tpu.memory_space<vmem>> -> memref<1x64xf32, #tpu.memory_space<vmem>>
        %dma_start3A_314 = arith.constant 0 : i32
        %dma_start3A_315 = tpu.memref_slice %arg6[%squeeze3A_307, %dma_start3A_314] : memref<1000000x64xf32, #tpu.memory_space<hbm>> -> memref<1x64xf32, #tpu.memory_space<hbm>>
        tpu.enqueue_dma source(%dma_start3A_315 : memref<1x64xf32, #tpu.memory_space<hbm>>) target(%dma_start3A_313 : memref<1x64xf32, #tpu.memory_space<vmem>>) target_semaphore(%arg19 : memref<!tpu.dma_semaphore, #tpu.memory_space<semaphore_mem>>)
        %mul3A_316 = arith.constant 16 : i32
        %mul3A_317 = arith.muli %scan3A_96, %mul3A_316 : i32
        %add3A_318 = arith.constant 6 : i32
        %add3A_319 = arith.addi %mul3A_317, %add3A_318 : i32
        %slice3A_320 = vector.extract_strided_slice %get3A_102 {offsets = [6], sizes = [1], strides = [1]} : vector<16xi32> to vector<1xi32>
        %squeeze3A_321 = vector.extract %slice3A_320[0] : i32 from vector<1xi32>
        %dma_start3A_322 = arith.constant 0 : i32
        %dma_start3A_323 = tpu.memref_slice %arg12[%add3A_319, %dma_start3A_322] : memref<128x64xf32, #tpu.memory_space<vmem>> -> memref<1x64xf32, #tpu.memory_space<vmem>>
        %dma_start3A_324 = arith.constant 0 : i32
        %dma_start3A_325 = tpu.memref_slice %arg5[%squeeze3A_321, %dma_start3A_324] : memref<1000000x64xf32, #tpu.memory_space<hbm>> -> memref<1x64xf32, #tpu.memory_space<hbm>>
        %dma_start3A_326 = arith.constant 0 : i32
        %dma_start3A_327 = tpu.memref_slice %arg12[%add3A_319, %dma_start3A_326] : memref<128x64xf32, #tpu.memory_space<vmem>> -> memref<1x64xf32, #tpu.memory_space<vmem>>
        %dma_start3A_328 = arith.constant 0 : i32
        %dma_start3A_329 = tpu.memref_slice %arg5[%squeeze3A_321, %dma_start3A_328] : memref<1000000x64xf32, #tpu.memory_space<hbm>> -> memref<1x64xf32, #tpu.memory_space<hbm>>
        tpu.enqueue_dma source(%dma_start3A_329 : memref<1x64xf32, #tpu.memory_space<hbm>>) target(%dma_start3A_327 : memref<1x64xf32, #tpu.memory_space<vmem>>) target_semaphore(%arg17 : memref<!tpu.dma_semaphore, #tpu.memory_space<semaphore_mem>>)
        %slice3A_330 = vector.extract_strided_slice %get3A_108 {offsets = [6], sizes = [1], strides = [1]} : vector<16xi32> to vector<1xi32>
        %squeeze3A_331 = vector.extract %slice3A_330[0] : i32 from vector<1xi32>
        %dma_start3A_332 = arith.constant 0 : i32
        %dma_start3A_333 = tpu.memref_slice %arg13[%add3A_319, %dma_start3A_332] : memref<128x64xf32, #tpu.memory_space<vmem>> -> memref<1x64xf32, #tpu.memory_space<vmem>>
        %dma_start3A_334 = arith.constant 0 : i32
        %dma_start3A_335 = tpu.memref_slice %arg6[%squeeze3A_331, %dma_start3A_334] : memref<1000000x64xf32, #tpu.memory_space<hbm>> -> memref<1x64xf32, #tpu.memory_space<hbm>>
        %dma_start3A_336 = arith.constant 0 : i32
        %dma_start3A_337 = tpu.memref_slice %arg13[%add3A_319, %dma_start3A_336] : memref<128x64xf32, #tpu.memory_space<vmem>> -> memref<1x64xf32, #tpu.memory_space<vmem>>
        %dma_start3A_338 = arith.constant 0 : i32
        %dma_start3A_339 = tpu.memref_slice %arg6[%squeeze3A_331, %dma_start3A_338] : memref<1000000x64xf32, #tpu.memory_space<hbm>> -> memref<1x64xf32, #tpu.memory_space<hbm>>
        tpu.enqueue_dma source(%dma_start3A_339 : memref<1x64xf32, #tpu.memory_space<hbm>>) target(%dma_start3A_337 : memref<1x64xf32, #tpu.memory_space<vmem>>) target_semaphore(%arg18 : memref<!tpu.dma_semaphore, #tpu.memory_space<semaphore_mem>>)
        %slice3A_340 = vector.extract_strided_slice %get3A_114 {offsets = [6], sizes = [1], strides = [1]} : vector<16xi32> to vector<1xi32>
        %squeeze3A_341 = vector.extract %slice3A_340[0] : i32 from vector<1xi32>
        %dma_start3A_342 = arith.constant 0 : i32
        %dma_start3A_343 = tpu.memref_slice %arg14[%add3A_319, %dma_start3A_342] : memref<128x64xf32, #tpu.memory_space<vmem>> -> memref<1x64xf32, #tpu.memory_space<vmem>>
        %dma_start3A_344 = arith.constant 0 : i32
        %dma_start3A_345 = tpu.memref_slice %arg6[%squeeze3A_341, %dma_start3A_344] : memref<1000000x64xf32, #tpu.memory_space<hbm>> -> memref<1x64xf32, #tpu.memory_space<hbm>>
        %dma_start3A_346 = arith.constant 0 : i32
        %dma_start3A_347 = tpu.memref_slice %arg14[%add3A_319, %dma_start3A_346] : memref<128x64xf32, #tpu.memory_space<vmem>> -> memref<1x64xf32, #tpu.memory_space<vmem>>
        %dma_start3A_348 = arith.constant 0 : i32
        %dma_start3A_349 = tpu.memref_slice %arg6[%squeeze3A_341, %dma_start3A_348] : memref<1000000x64xf32, #tpu.memory_space<hbm>> -> memref<1x64xf32, #tpu.memory_space<hbm>>
        tpu.enqueue_dma source(%dma_start3A_349 : memref<1x64xf32, #tpu.memory_space<hbm>>) target(%dma_start3A_347 : memref<1x64xf32, #tpu.memory_space<vmem>>) target_semaphore(%arg19 : memref<!tpu.dma_semaphore, #tpu.memory_space<semaphore_mem>>)
        %mul3A_350 = arith.constant 16 : i32
        %mul3A_351 = arith.muli %scan3A_96, %mul3A_350 : i32
        %add3A_352 = arith.constant 7 : i32
        %add3A_353 = arith.addi %mul3A_351, %add3A_352 : i32
        %slice3A_354 = vector.extract_strided_slice %get3A_102 {offsets = [7], sizes = [1], strides = [1]} : vector<16xi32> to vector<1xi32>
        %squeeze3A_355 = vector.extract %slice3A_354[0] : i32 from vector<1xi32>
        %dma_start3A_356 = arith.constant 0 : i32
        %dma_start3A_357 = tpu.memref_slice %arg12[%add3A_353, %dma_start3A_356] : memref<128x64xf32, #tpu.memory_space<vmem>> -> memref<1x64xf32, #tpu.memory_space<vmem>>
        %dma_start3A_358 = arith.constant 0 : i32
        %dma_start3A_359 = tpu.memref_slice %arg5[%squeeze3A_355, %dma_start3A_358] : memref<1000000x64xf32, #tpu.memory_space<hbm>> -> memref<1x64xf32, #tpu.memory_space<hbm>>
        %dma_start3A_360 = arith.constant 0 : i32
        %dma_start3A_361 = tpu.memref_slice %arg12[%add3A_353, %dma_start3A_360] : memref<128x64xf32, #tpu.memory_space<vmem>> -> memref<1x64xf32, #tpu.memory_space<vmem>>
        %dma_start3A_362 = arith.constant 0 : i32
        %dma_start3A_363 = tpu.memref_slice %arg5[%squeeze3A_355, %dma_start3A_362] : memref<1000000x64xf32, #tpu.memory_space<hbm>> -> memref<1x64xf32, #tpu.memory_space<hbm>>
        tpu.enqueue_dma source(%dma_start3A_363 : memref<1x64xf32, #tpu.memory_space<hbm>>) target(%dma_start3A_361 : memref<1x64xf32, #tpu.memory_space<vmem>>) target_semaphore(%arg17 : memref<!tpu.dma_semaphore, #tpu.memory_space<semaphore_mem>>)
        %slice3A_364 = vector.extract_strided_slice %get3A_108 {offsets = [7], sizes = [1], strides = [1]} : vector<16xi32> to vector<1xi32>
        %squeeze3A_365 = vector.extract %slice3A_364[0] : i32 from vector<1xi32>
        %dma_start3A_366 = arith.constant 0 : i32
        %dma_start3A_367 = tpu.memref_slice %arg13[%add3A_353, %dma_start3A_366] : memref<128x64xf32, #tpu.memory_space<vmem>> -> memref<1x64xf32, #tpu.memory_space<vmem>>
        %dma_start3A_368 = arith.constant 0 : i32
        %dma_start3A_369 = tpu.memref_slice %arg6[%squeeze3A_365, %dma_start3A_368] : memref<1000000x64xf32, #tpu.memory_space<hbm>> -> memref<1x64xf32, #tpu.memory_space<hbm>>
        %dma_start3A_370 = arith.constant 0 : i32
        %dma_start3A_371 = tpu.memref_slice %arg13[%add3A_353, %dma_start3A_370] : memref<128x64xf32, #tpu.memory_space<vmem>> -> memref<1x64xf32, #tpu.memory_space<vmem>>
        %dma_start3A_372 = arith.constant 0 : i32
        %dma_start3A_373 = tpu.memref_slice %arg6[%squeeze3A_365, %dma_start3A_372] : memref<1000000x64xf32, #tpu.memory_space<hbm>> -> memref<1x64xf32, #tpu.memory_space<hbm>>
        tpu.enqueue_dma source(%dma_start3A_373 : memref<1x64xf32, #tpu.memory_space<hbm>>) target(%dma_start3A_371 : memref<1x64xf32, #tpu.memory_space<vmem>>) target_semaphore(%arg18 : memref<!tpu.dma_semaphore, #tpu.memory_space<semaphore_mem>>)
        %slice3A_374 = vector.extract_strided_slice %get3A_114 {offsets = [7], sizes = [1], strides = [1]} : vector<16xi32> to vector<1xi32>
        %squeeze3A_375 = vector.extract %slice3A_374[0] : i32 from vector<1xi32>
        %dma_start3A_376 = arith.constant 0 : i32
        %dma_start3A_377 = tpu.memref_slice %arg14[%add3A_353, %dma_start3A_376] : memref<128x64xf32, #tpu.memory_space<vmem>> -> memref<1x64xf32, #tpu.memory_space<vmem>>
        %dma_start3A_378 = arith.constant 0 : i32
        %dma_start3A_379 = tpu.memref_slice %arg6[%squeeze3A_375, %dma_start3A_378] : memref<1000000x64xf32, #tpu.memory_space<hbm>> -> memref<1x64xf32, #tpu.memory_space<hbm>>
        %dma_start3A_380 = arith.constant 0 : i32
        %dma_start3A_381 = tpu.memref_slice %arg14[%add3A_353, %dma_start3A_380] : memref<128x64xf32, #tpu.memory_space<vmem>> -> memref<1x64xf32, #tpu.memory_space<vmem>>
        %dma_start3A_382 = arith.constant 0 : i32
        %dma_start3A_383 = tpu.memref_slice %arg6[%squeeze3A_375, %dma_start3A_382] : memref<1000000x64xf32, #tpu.memory_space<hbm>> -> memref<1x64xf32, #tpu.memory_space<hbm>>
        tpu.enqueue_dma source(%dma_start3A_383 : memref<1x64xf32, #tpu.memory_space<hbm>>) target(%dma_start3A_381 : memref<1x64xf32, #tpu.memory_space<vmem>>) target_semaphore(%arg19 : memref<!tpu.dma_semaphore, #tpu.memory_space<semaphore_mem>>)
        %mul3A_384 = arith.constant 16 : i32
        %mul3A_385 = arith.muli %scan3A_96, %mul3A_384 : i32
        %add3A_386 = arith.constant 8 : i32
        %add3A_387 = arith.addi %mul3A_385, %add3A_386 : i32
        %slice3A_388 = vector.extract_strided_slice %get3A_102 {offsets = [8], sizes = [1], strides = [1]} : vector<16xi32> to vector<1xi32>
        %squeeze3A_389 = vector.extract %slice3A_388[0] : i32 from vector<1xi32>
        %dma_start3A_390 = arith.constant 0 : i32
        %dma_start3A_391 = tpu.memref_slice %arg12[%add3A_387, %dma_start3A_390] : memref<128x64xf32, #tpu.memory_space<vmem>> -> memref<1x64xf32, #tpu.memory_space<vmem>>
        %dma_start3A_392 = arith.constant 0 : i32
        %dma_start3A_393 = tpu.memref_slice %arg5[%squeeze3A_389, %dma_start3A_392] : memref<1000000x64xf32, #tpu.memory_space<hbm>> -> memref<1x64xf32, #tpu.memory_space<hbm>>
        %dma_start3A_394 = arith.constant 0 : i32
        %dma_start3A_395 = tpu.memref_slice %arg12[%add3A_387, %dma_start3A_394] : memref<128x64xf32, #tpu.memory_space<vmem>> -> memref<1x64xf32, #tpu.memory_space<vmem>>
        %dma_start3A_396 = arith.constant 0 : i32
        %dma_start3A_397 = tpu.memref_slice %arg5[%squeeze3A_389, %dma_start3A_396] : memref<1000000x64xf32, #tpu.memory_space<hbm>> -> memref<1x64xf32, #tpu.memory_space<hbm>>
        tpu.enqueue_dma source(%dma_start3A_397 : memref<1x64xf32, #tpu.memory_space<hbm>>) target(%dma_start3A_395 : memref<1x64xf32, #tpu.memory_space<vmem>>) target_semaphore(%arg17 : memref<!tpu.dma_semaphore, #tpu.memory_space<semaphore_mem>>)
        %slice3A_398 = vector.extract_strided_slice %get3A_108 {offsets = [8], sizes = [1], strides = [1]} : vector<16xi32> to vector<1xi32>
        %squeeze3A_399 = vector.extract %slice3A_398[0] : i32 from vector<1xi32>
        %dma_start3A_400 = arith.constant 0 : i32
        %dma_start3A_401 = tpu.memref_slice %arg13[%add3A_387, %dma_start3A_400] : memref<128x64xf32, #tpu.memory_space<vmem>> -> memref<1x64xf32, #tpu.memory_space<vmem>>
        %dma_start3A_402 = arith.constant 0 : i32
        %dma_start3A_403 = tpu.memref_slice %arg6[%squeeze3A_399, %dma_start3A_402] : memref<1000000x64xf32, #tpu.memory_space<hbm>> -> memref<1x64xf32, #tpu.memory_space<hbm>>
        %dma_start3A_404 = arith.constant 0 : i32
        %dma_start3A_405 = tpu.memref_slice %arg13[%add3A_387, %dma_start3A_404] : memref<128x64xf32, #tpu.memory_space<vmem>> -> memref<1x64xf32, #tpu.memory_space<vmem>>
        %dma_start3A_406 = arith.constant 0 : i32
        %dma_start3A_407 = tpu.memref_slice %arg6[%squeeze3A_399, %dma_start3A_406] : memref<1000000x64xf32, #tpu.memory_space<hbm>> -> memref<1x64xf32, #tpu.memory_space<hbm>>
        tpu.enqueue_dma source(%dma_start3A_407 : memref<1x64xf32, #tpu.memory_space<hbm>>) target(%dma_start3A_405 : memref<1x64xf32, #tpu.memory_space<vmem>>) target_semaphore(%arg18 : memref<!tpu.dma_semaphore, #tpu.memory_space<semaphore_mem>>)
        %slice3A_408 = vector.extract_strided_slice %get3A_114 {offsets = [8], sizes = [1], strides = [1]} : vector<16xi32> to vector<1xi32>
        %squeeze3A_409 = vector.extract %slice3A_408[0] : i32 from vector<1xi32>
        %dma_start3A_410 = arith.constant 0 : i32
        %dma_start3A_411 = tpu.memref_slice %arg14[%add3A_387, %dma_start3A_410] : memref<128x64xf32, #tpu.memory_space<vmem>> -> memref<1x64xf32, #tpu.memory_space<vmem>>
        %dma_start3A_412 = arith.constant 0 : i32
        %dma_start3A_413 = tpu.memref_slice %arg6[%squeeze3A_409, %dma_start3A_412] : memref<1000000x64xf32, #tpu.memory_space<hbm>> -> memref<1x64xf32, #tpu.memory_space<hbm>>
        %dma_start3A_414 = arith.constant 0 : i32
        %dma_start3A_415 = tpu.memref_slice %arg14[%add3A_387, %dma_start3A_414] : memref<128x64xf32, #tpu.memory_space<vmem>> -> memref<1x64xf32, #tpu.memory_space<vmem>>
        %dma_start3A_416 = arith.constant 0 : i32
        %dma_start3A_417 = tpu.memref_slice %arg6[%squeeze3A_409, %dma_start3A_416] : memref<1000000x64xf32, #tpu.memory_space<hbm>> -> memref<1x64xf32, #tpu.memory_space<hbm>>
        tpu.enqueue_dma source(%dma_start3A_417 : memref<1x64xf32, #tpu.memory_space<hbm>>) target(%dma_start3A_415 : memref<1x64xf32, #tpu.memory_space<vmem>>) target_semaphore(%arg19 : memref<!tpu.dma_semaphore, #tpu.memory_space<semaphore_mem>>)
        %mul3A_418 = arith.constant 16 : i32
        %mul3A_419 = arith.muli %scan3A_96, %mul3A_418 : i32
        %add3A_420 = arith.constant 9 : i32
        %add3A_421 = arith.addi %mul3A_419, %add3A_420 : i32
        %slice3A_422 = vector.extract_strided_slice %get3A_102 {offsets = [9], sizes = [1], strides = [1]} : vector<16xi32> to vector<1xi32>
        %squeeze3A_423 = vector.extract %slice3A_422[0] : i32 from vector<1xi32>
        %dma_start3A_424 = arith.constant 0 : i32
        %dma_start3A_425 = tpu.memref_slice %arg12[%add3A_421, %dma_start3A_424] : memref<128x64xf32, #tpu.memory_space<vmem>> -> memref<1x64xf32, #tpu.memory_space<vmem>>
        %dma_start3A_426 = arith.constant 0 : i32
        %dma_start3A_427 = tpu.memref_slice %arg5[%squeeze3A_423, %dma_start3A_426] : memref<1000000x64xf32, #tpu.memory_space<hbm>> -> memref<1x64xf32, #tpu.memory_space<hbm>>
        %dma_start3A_428 = arith.constant 0 : i32
        %dma_start3A_429 = tpu.memref_slice %arg12[%add3A_421, %dma_start3A_428] : memref<128x64xf32, #tpu.memory_space<vmem>> -> memref<1x64xf32, #tpu.memory_space<vmem>>
        %dma_start3A_430 = arith.constant 0 : i32
        %dma_start3A_431 = tpu.memref_slice %arg5[%squeeze3A_423, %dma_start3A_430] : memref<1000000x64xf32, #tpu.memory_space<hbm>> -> memref<1x64xf32, #tpu.memory_space<hbm>>
        tpu.enqueue_dma source(%dma_start3A_431 : memref<1x64xf32, #tpu.memory_space<hbm>>) target(%dma_start3A_429 : memref<1x64xf32, #tpu.memory_space<vmem>>) target_semaphore(%arg17 : memref<!tpu.dma_semaphore, #tpu.memory_space<semaphore_mem>>)
        %slice3A_432 = vector.extract_strided_slice %get3A_108 {offsets = [9], sizes = [1], strides = [1]} : vector<16xi32> to vector<1xi32>
        %squeeze3A_433 = vector.extract %slice3A_432[0] : i32 from vector<1xi32>
        %dma_start3A_434 = arith.constant 0 : i32
        %dma_start3A_435 = tpu.memref_slice %arg13[%add3A_421, %dma_start3A_434] : memref<128x64xf32, #tpu.memory_space<vmem>> -> memref<1x64xf32, #tpu.memory_space<vmem>>
        %dma_start3A_436 = arith.constant 0 : i32
        %dma_start3A_437 = tpu.memref_slice %arg6[%squeeze3A_433, %dma_start3A_436] : memref<1000000x64xf32, #tpu.memory_space<hbm>> -> memref<1x64xf32, #tpu.memory_space<hbm>>
        %dma_start3A_438 = arith.constant 0 : i32
        %dma_start3A_439 = tpu.memref_slice %arg13[%add3A_421, %dma_start3A_438] : memref<128x64xf32, #tpu.memory_space<vmem>> -> memref<1x64xf32, #tpu.memory_space<vmem>>
        %dma_start3A_440 = arith.constant 0 : i32
        %dma_start3A_441 = tpu.memref_slice %arg6[%squeeze3A_433, %dma_start3A_440] : memref<1000000x64xf32, #tpu.memory_space<hbm>> -> memref<1x64xf32, #tpu.memory_space<hbm>>
        tpu.enqueue_dma source(%dma_start3A_441 : memref<1x64xf32, #tpu.memory_space<hbm>>) target(%dma_start3A_439 : memref<1x64xf32, #tpu.memory_space<vmem>>) target_semaphore(%arg18 : memref<!tpu.dma_semaphore, #tpu.memory_space<semaphore_mem>>)
        %slice3A_442 = vector.extract_strided_slice %get3A_114 {offsets = [9], sizes = [1], strides = [1]} : vector<16xi32> to vector<1xi32>
        %squeeze3A_443 = vector.extract %slice3A_442[0] : i32 from vector<1xi32>
        %dma_start3A_444 = arith.constant 0 : i32
        %dma_start3A_445 = tpu.memref_slice %arg14[%add3A_421, %dma_start3A_444] : memref<128x64xf32, #tpu.memory_space<vmem>> -> memref<1x64xf32, #tpu.memory_space<vmem>>
        %dma_start3A_446 = arith.constant 0 : i32
        %dma_start3A_447 = tpu.memref_slice %arg6[%squeeze3A_443, %dma_start3A_446] : memref<1000000x64xf32, #tpu.memory_space<hbm>> -> memref<1x64xf32, #tpu.memory_space<hbm>>
        %dma_start3A_448 = arith.constant 0 : i32
        %dma_start3A_449 = tpu.memref_slice %arg14[%add3A_421, %dma_start3A_448] : memref<128x64xf32, #tpu.memory_space<vmem>> -> memref<1x64xf32, #tpu.memory_space<vmem>>
        %dma_start3A_450 = arith.constant 0 : i32
        %dma_start3A_451 = tpu.memref_slice %arg6[%squeeze3A_443, %dma_start3A_450] : memref<1000000x64xf32, #tpu.memory_space<hbm>> -> memref<1x64xf32, #tpu.memory_space<hbm>>
        tpu.enqueue_dma source(%dma_start3A_451 : memref<1x64xf32, #tpu.memory_space<hbm>>) target(%dma_start3A_449 : memref<1x64xf32, #tpu.memory_space<vmem>>) target_semaphore(%arg19 : memref<!tpu.dma_semaphore, #tpu.memory_space<semaphore_mem>>)
        %mul3A_452 = arith.constant 16 : i32
        %mul3A_453 = arith.muli %scan3A_96, %mul3A_452 : i32
        %add3A_454 = arith.constant 10 : i32
        %add3A_455 = arith.addi %mul3A_453, %add3A_454 : i32
        %slice3A_456 = vector.extract_strided_slice %get3A_102 {offsets = [10], sizes = [1], strides = [1]} : vector<16xi32> to vector<1xi32>
        %squeeze3A_457 = vector.extract %slice3A_456[0] : i32 from vector<1xi32>
        %dma_start3A_458 = arith.constant 0 : i32
        %dma_start3A_459 = tpu.memref_slice %arg12[%add3A_455, %dma_start3A_458] : memref<128x64xf32, #tpu.memory_space<vmem>> -> memref<1x64xf32, #tpu.memory_space<vmem>>
        %dma_start3A_460 = arith.constant 0 : i32
        %dma_start3A_461 = tpu.memref_slice %arg5[%squeeze3A_457, %dma_start3A_460] : memref<1000000x64xf32, #tpu.memory_space<hbm>> -> memref<1x64xf32, #tpu.memory_space<hbm>>
        %dma_start3A_462 = arith.constant 0 : i32
        %dma_start3A_463 = tpu.memref_slice %arg12[%add3A_455, %dma_start3A_462] : memref<128x64xf32, #tpu.memory_space<vmem>> -> memref<1x64xf32, #tpu.memory_space<vmem>>
        %dma_start3A_464 = arith.constant 0 : i32
        %dma_start3A_465 = tpu.memref_slice %arg5[%squeeze3A_457, %dma_start3A_464] : memref<1000000x64xf32, #tpu.memory_space<hbm>> -> memref<1x64xf32, #tpu.memory_space<hbm>>
        tpu.enqueue_dma source(%dma_start3A_465 : memref<1x64xf32, #tpu.memory_space<hbm>>) target(%dma_start3A_463 : memref<1x64xf32, #tpu.memory_space<vmem>>) target_semaphore(%arg17 : memref<!tpu.dma_semaphore, #tpu.memory_space<semaphore_mem>>)
        %slice3A_466 = vector.extract_strided_slice %get3A_108 {offsets = [10], sizes = [1], strides = [1]} : vector<16xi32> to vector<1xi32>
        %squeeze3A_467 = vector.extract %slice3A_466[0] : i32 from vector<1xi32>
        %dma_start3A_468 = arith.constant 0 : i32
        %dma_start3A_469 = tpu.memref_slice %arg13[%add3A_455, %dma_start3A_468] : memref<128x64xf32, #tpu.memory_space<vmem>> -> memref<1x64xf32, #tpu.memory_space<vmem>>
        %dma_start3A_470 = arith.constant 0 : i32
        %dma_start3A_471 = tpu.memref_slice %arg6[%squeeze3A_467, %dma_start3A_470] : memref<1000000x64xf32, #tpu.memory_space<hbm>> -> memref<1x64xf32, #tpu.memory_space<hbm>>
        %dma_start3A_472 = arith.constant 0 : i32
        %dma_start3A_473 = tpu.memref_slice %arg13[%add3A_455, %dma_start3A_472] : memref<128x64xf32, #tpu.memory_space<vmem>> -> memref<1x64xf32, #tpu.memory_space<vmem>>
        %dma_start3A_474 = arith.constant 0 : i32
        %dma_start3A_475 = tpu.memref_slice %arg6[%squeeze3A_467, %dma_start3A_474] : memref<1000000x64xf32, #tpu.memory_space<hbm>> -> memref<1x64xf32, #tpu.memory_space<hbm>>
        tpu.enqueue_dma source(%dma_start3A_475 : memref<1x64xf32, #tpu.memory_space<hbm>>) target(%dma_start3A_473 : memref<1x64xf32, #tpu.memory_space<vmem>>) target_semaphore(%arg18 : memref<!tpu.dma_semaphore, #tpu.memory_space<semaphore_mem>>)
        %slice3A_476 = vector.extract_strided_slice %get3A_114 {offsets = [10], sizes = [1], strides = [1]} : vector<16xi32> to vector<1xi32>
        %squeeze3A_477 = vector.extract %slice3A_476[0] : i32 from vector<1xi32>
        %dma_start3A_478 = arith.constant 0 : i32
        %dma_start3A_479 = tpu.memref_slice %arg14[%add3A_455, %dma_start3A_478] : memref<128x64xf32, #tpu.memory_space<vmem>> -> memref<1x64xf32, #tpu.memory_space<vmem>>
        %dma_start3A_480 = arith.constant 0 : i32
        %dma_start3A_481 = tpu.memref_slice %arg6[%squeeze3A_477, %dma_start3A_480] : memref<1000000x64xf32, #tpu.memory_space<hbm>> -> memref<1x64xf32, #tpu.memory_space<hbm>>
        %dma_start3A_482 = arith.constant 0 : i32
        %dma_start3A_483 = tpu.memref_slice %arg14[%add3A_455, %dma_start3A_482] : memref<128x64xf32, #tpu.memory_space<vmem>> -> memref<1x64xf32, #tpu.memory_space<vmem>>
        %dma_start3A_484 = arith.constant 0 : i32
        %dma_start3A_485 = tpu.memref_slice %arg6[%squeeze3A_477, %dma_start3A_484] : memref<1000000x64xf32, #tpu.memory_space<hbm>> -> memref<1x64xf32, #tpu.memory_space<hbm>>
        tpu.enqueue_dma source(%dma_start3A_485 : memref<1x64xf32, #tpu.memory_space<hbm>>) target(%dma_start3A_483 : memref<1x64xf32, #tpu.memory_space<vmem>>) target_semaphore(%arg19 : memref<!tpu.dma_semaphore, #tpu.memory_space<semaphore_mem>>)
        %mul3A_486 = arith.constant 16 : i32
        %mul3A_487 = arith.muli %scan3A_96, %mul3A_486 : i32
        %add3A_488 = arith.constant 11 : i32
        %add3A_489 = arith.addi %mul3A_487, %add3A_488 : i32
        %slice3A_490 = vector.extract_strided_slice %get3A_102 {offsets = [11], sizes = [1], strides = [1]} : vector<16xi32> to vector<1xi32>
        %squeeze3A_491 = vector.extract %slice3A_490[0] : i32 from vector<1xi32>
        %dma_start3A_492 = arith.constant 0 : i32
        %dma_start3A_493 = tpu.memref_slice %arg12[%add3A_489, %dma_start3A_492] : memref<128x64xf32, #tpu.memory_space<vmem>> -> memref<1x64xf32, #tpu.memory_space<vmem>>
        %dma_start3A_494 = arith.constant 0 : i32
        %dma_start3A_495 = tpu.memref_slice %arg5[%squeeze3A_491, %dma_start3A_494] : memref<1000000x64xf32, #tpu.memory_space<hbm>> -> memref<1x64xf32, #tpu.memory_space<hbm>>
        %dma_start3A_496 = arith.constant 0 : i32
        %dma_start3A_497 = tpu.memref_slice %arg12[%add3A_489, %dma_start3A_496] : memref<128x64xf32, #tpu.memory_space<vmem>> -> memref<1x64xf32, #tpu.memory_space<vmem>>
        %dma_start3A_498 = arith.constant 0 : i32
        %dma_start3A_499 = tpu.memref_slice %arg5[%squeeze3A_491, %dma_start3A_498] : memref<1000000x64xf32, #tpu.memory_space<hbm>> -> memref<1x64xf32, #tpu.memory_space<hbm>>
        tpu.enqueue_dma source(%dma_start3A_499 : memref<1x64xf32, #tpu.memory_space<hbm>>) target(%dma_start3A_497 : memref<1x64xf32, #tpu.memory_space<vmem>>) target_semaphore(%arg17 : memref<!tpu.dma_semaphore, #tpu.memory_space<semaphore_mem>>)
        %slice3A_500 = vector.extract_strided_slice %get3A_108 {offsets = [11], sizes = [1], strides = [1]} : vector<16xi32> to vector<1xi32>
        %squeeze3A_501 = vector.extract %slice3A_500[0] : i32 from vector<1xi32>
        %dma_start3A_502 = arith.constant 0 : i32
        %dma_start3A_503 = tpu.memref_slice %arg13[%add3A_489, %dma_start3A_502] : memref<128x64xf32, #tpu.memory_space<vmem>> -> memref<1x64xf32, #tpu.memory_space<vmem>>
        %dma_start3A_504 = arith.constant 0 : i32
        %dma_start3A_505 = tpu.memref_slice %arg6[%squeeze3A_501, %dma_start3A_504] : memref<1000000x64xf32, #tpu.memory_space<hbm>> -> memref<1x64xf32, #tpu.memory_space<hbm>>
        %dma_start3A_506 = arith.constant 0 : i32
        %dma_start3A_507 = tpu.memref_slice %arg13[%add3A_489, %dma_start3A_506] : memref<128x64xf32, #tpu.memory_space<vmem>> -> memref<1x64xf32, #tpu.memory_space<vmem>>
        %dma_start3A_508 = arith.constant 0 : i32
        %dma_start3A_509 = tpu.memref_slice %arg6[%squeeze3A_501, %dma_start3A_508] : memref<1000000x64xf32, #tpu.memory_space<hbm>> -> memref<1x64xf32, #tpu.memory_space<hbm>>
        tpu.enqueue_dma source(%dma_start3A_509 : memref<1x64xf32, #tpu.memory_space<hbm>>) target(%dma_start3A_507 : memref<1x64xf32, #tpu.memory_space<vmem>>) target_semaphore(%arg18 : memref<!tpu.dma_semaphore, #tpu.memory_space<semaphore_mem>>)
        %slice3A_510 = vector.extract_strided_slice %get3A_114 {offsets = [11], sizes = [1], strides = [1]} : vector<16xi32> to vector<1xi32>
        %squeeze3A_511 = vector.extract %slice3A_510[0] : i32 from vector<1xi32>
        %dma_start3A_512 = arith.constant 0 : i32
        %dma_start3A_513 = tpu.memref_slice %arg14[%add3A_489, %dma_start3A_512] : memref<128x64xf32, #tpu.memory_space<vmem>> -> memref<1x64xf32, #tpu.memory_space<vmem>>
        %dma_start3A_514 = arith.constant 0 : i32
        %dma_start3A_515 = tpu.memref_slice %arg6[%squeeze3A_511, %dma_start3A_514] : memref<1000000x64xf32, #tpu.memory_space<hbm>> -> memref<1x64xf32, #tpu.memory_space<hbm>>
        %dma_start3A_516 = arith.constant 0 : i32
        %dma_start3A_517 = tpu.memref_slice %arg14[%add3A_489, %dma_start3A_516] : memref<128x64xf32, #tpu.memory_space<vmem>> -> memref<1x64xf32, #tpu.memory_space<vmem>>
        %dma_start3A_518 = arith.constant 0 : i32
        %dma_start3A_519 = tpu.memref_slice %arg6[%squeeze3A_511, %dma_start3A_518] : memref<1000000x64xf32, #tpu.memory_space<hbm>> -> memref<1x64xf32, #tpu.memory_space<hbm>>
        tpu.enqueue_dma source(%dma_start3A_519 : memref<1x64xf32, #tpu.memory_space<hbm>>) target(%dma_start3A_517 : memref<1x64xf32, #tpu.memory_space<vmem>>) target_semaphore(%arg19 : memref<!tpu.dma_semaphore, #tpu.memory_space<semaphore_mem>>)
        %mul3A_520 = arith.constant 16 : i32
        %mul3A_521 = arith.muli %scan3A_96, %mul3A_520 : i32
        %add3A_522 = arith.constant 12 : i32
        %add3A_523 = arith.addi %mul3A_521, %add3A_522 : i32
        %slice3A_524 = vector.extract_strided_slice %get3A_102 {offsets = [12], sizes = [1], strides = [1]} : vector<16xi32> to vector<1xi32>
        %squeeze3A_525 = vector.extract %slice3A_524[0] : i32 from vector<1xi32>
        %dma_start3A_526 = arith.constant 0 : i32
        %dma_start3A_527 = tpu.memref_slice %arg12[%add3A_523, %dma_start3A_526] : memref<128x64xf32, #tpu.memory_space<vmem>> -> memref<1x64xf32, #tpu.memory_space<vmem>>
        %dma_start3A_528 = arith.constant 0 : i32
        %dma_start3A_529 = tpu.memref_slice %arg5[%squeeze3A_525, %dma_start3A_528] : memref<1000000x64xf32, #tpu.memory_space<hbm>> -> memref<1x64xf32, #tpu.memory_space<hbm>>
        %dma_start3A_530 = arith.constant 0 : i32
        %dma_start3A_531 = tpu.memref_slice %arg12[%add3A_523, %dma_start3A_530] : memref<128x64xf32, #tpu.memory_space<vmem>> -> memref<1x64xf32, #tpu.memory_space<vmem>>
        %dma_start3A_532 = arith.constant 0 : i32
        %dma_start3A_533 = tpu.memref_slice %arg5[%squeeze3A_525, %dma_start3A_532] : memref<1000000x64xf32, #tpu.memory_space<hbm>> -> memref<1x64xf32, #tpu.memory_space<hbm>>
        tpu.enqueue_dma source(%dma_start3A_533 : memref<1x64xf32, #tpu.memory_space<hbm>>) target(%dma_start3A_531 : memref<1x64xf32, #tpu.memory_space<vmem>>) target_semaphore(%arg17 : memref<!tpu.dma_semaphore, #tpu.memory_space<semaphore_mem>>)
        %slice3A_534 = vector.extract_strided_slice %get3A_108 {offsets = [12], sizes = [1], strides = [1]} : vector<16xi32> to vector<1xi32>
        %squeeze3A_535 = vector.extract %slice3A_534[0] : i32 from vector<1xi32>
        %dma_start3A_536 = arith.constant 0 : i32
        %dma_start3A_537 = tpu.memref_slice %arg13[%add3A_523, %dma_start3A_536] : memref<128x64xf32, #tpu.memory_space<vmem>> -> memref<1x64xf32, #tpu.memory_space<vmem>>
        %dma_start3A_538 = arith.constant 0 : i32
        %dma_start3A_539 = tpu.memref_slice %arg6[%squeeze3A_535, %dma_start3A_538] : memref<1000000x64xf32, #tpu.memory_space<hbm>> -> memref<1x64xf32, #tpu.memory_space<hbm>>
        %dma_start3A_540 = arith.constant 0 : i32
        %dma_start3A_541 = tpu.memref_slice %arg13[%add3A_523, %dma_start3A_540] : memref<128x64xf32, #tpu.memory_space<vmem>> -> memref<1x64xf32, #tpu.memory_space<vmem>>
        %dma_start3A_542 = arith.constant 0 : i32
        %dma_start3A_543 = tpu.memref_slice %arg6[%squeeze3A_535, %dma_start3A_542] : memref<1000000x64xf32, #tpu.memory_space<hbm>> -> memref<1x64xf32, #tpu.memory_space<hbm>>
        tpu.enqueue_dma source(%dma_start3A_543 : memref<1x64xf32, #tpu.memory_space<hbm>>) target(%dma_start3A_541 : memref<1x64xf32, #tpu.memory_space<vmem>>) target_semaphore(%arg18 : memref<!tpu.dma_semaphore, #tpu.memory_space<semaphore_mem>>)
        %slice3A_544 = vector.extract_strided_slice %get3A_114 {offsets = [12], sizes = [1], strides = [1]} : vector<16xi32> to vector<1xi32>
        %squeeze3A_545 = vector.extract %slice3A_544[0] : i32 from vector<1xi32>
        %dma_start3A_546 = arith.constant 0 : i32
        %dma_start3A_547 = tpu.memref_slice %arg14[%add3A_523, %dma_start3A_546] : memref<128x64xf32, #tpu.memory_space<vmem>> -> memref<1x64xf32, #tpu.memory_space<vmem>>
        %dma_start3A_548 = arith.constant 0 : i32
        %dma_start3A_549 = tpu.memref_slice %arg6[%squeeze3A_545, %dma_start3A_548] : memref<1000000x64xf32, #tpu.memory_space<hbm>> -> memref<1x64xf32, #tpu.memory_space<hbm>>
        %dma_start3A_550 = arith.constant 0 : i32
        %dma_start3A_551 = tpu.memref_slice %arg14[%add3A_523, %dma_start3A_550] : memref<128x64xf32, #tpu.memory_space<vmem>> -> memref<1x64xf32, #tpu.memory_space<vmem>>
        %dma_start3A_552 = arith.constant 0 : i32
        %dma_start3A_553 = tpu.memref_slice %arg6[%squeeze3A_545, %dma_start3A_552] : memref<1000000x64xf32, #tpu.memory_space<hbm>> -> memref<1x64xf32, #tpu.memory_space<hbm>>
        tpu.enqueue_dma source(%dma_start3A_553 : memref<1x64xf32, #tpu.memory_space<hbm>>) target(%dma_start3A_551 : memref<1x64xf32, #tpu.memory_space<vmem>>) target_semaphore(%arg19 : memref<!tpu.dma_semaphore, #tpu.memory_space<semaphore_mem>>)
        %mul3A_554 = arith.constant 16 : i32
        %mul3A_555 = arith.muli %scan3A_96, %mul3A_554 : i32
        %add3A_556 = arith.constant 13 : i32
        %add3A_557 = arith.addi %mul3A_555, %add3A_556 : i32
        %slice3A_558 = vector.extract_strided_slice %get3A_102 {offsets = [13], sizes = [1], strides = [1]} : vector<16xi32> to vector<1xi32>
        %squeeze3A_559 = vector.extract %slice3A_558[0] : i32 from vector<1xi32>
        %dma_start3A_560 = arith.constant 0 : i32
        %dma_start3A_561 = tpu.memref_slice %arg12[%add3A_557, %dma_start3A_560] : memref<128x64xf32, #tpu.memory_space<vmem>> -> memref<1x64xf32, #tpu.memory_space<vmem>>
        %dma_start3A_562 = arith.constant 0 : i32
        %dma_start3A_563 = tpu.memref_slice %arg5[%squeeze3A_559, %dma_start3A_562] : memref<1000000x64xf32, #tpu.memory_space<hbm>> -> memref<1x64xf32, #tpu.memory_space<hbm>>
        %dma_start3A_564 = arith.constant 0 : i32
        %dma_start3A_565 = tpu.memref_slice %arg12[%add3A_557, %dma_start3A_564] : memref<128x64xf32, #tpu.memory_space<vmem>> -> memref<1x64xf32, #tpu.memory_space<vmem>>
        %dma_start3A_566 = arith.constant 0 : i32
        %dma_start3A_567 = tpu.memref_slice %arg5[%squeeze3A_559, %dma_start3A_566] : memref<1000000x64xf32, #tpu.memory_space<hbm>> -> memref<1x64xf32, #tpu.memory_space<hbm>>
        tpu.enqueue_dma source(%dma_start3A_567 : memref<1x64xf32, #tpu.memory_space<hbm>>) target(%dma_start3A_565 : memref<1x64xf32, #tpu.memory_space<vmem>>) target_semaphore(%arg17 : memref<!tpu.dma_semaphore, #tpu.memory_space<semaphore_mem>>)
        %slice3A_568 = vector.extract_strided_slice %get3A_108 {offsets = [13], sizes = [1], strides = [1]} : vector<16xi32> to vector<1xi32>
        %squeeze3A_569 = vector.extract %slice3A_568[0] : i32 from vector<1xi32>
        %dma_start3A_570 = arith.constant 0 : i32
        %dma_start3A_571 = tpu.memref_slice %arg13[%add3A_557, %dma_start3A_570] : memref<128x64xf32, #tpu.memory_space<vmem>> -> memref<1x64xf32, #tpu.memory_space<vmem>>
        %dma_start3A_572 = arith.constant 0 : i32
        %dma_start3A_573 = tpu.memref_slice %arg6[%squeeze3A_569, %dma_start3A_572] : memref<1000000x64xf32, #tpu.memory_space<hbm>> -> memref<1x64xf32, #tpu.memory_space<hbm>>
        %dma_start3A_574 = arith.constant 0 : i32
        %dma_start3A_575 = tpu.memref_slice %arg13[%add3A_557, %dma_start3A_574] : memref<128x64xf32, #tpu.memory_space<vmem>> -> memref<1x64xf32, #tpu.memory_space<vmem>>
        %dma_start3A_576 = arith.constant 0 : i32
        %dma_start3A_577 = tpu.memref_slice %arg6[%squeeze3A_569, %dma_start3A_576] : memref<1000000x64xf32, #tpu.memory_space<hbm>> -> memref<1x64xf32, #tpu.memory_space<hbm>>
        tpu.enqueue_dma source(%dma_start3A_577 : memref<1x64xf32, #tpu.memory_space<hbm>>) target(%dma_start3A_575 : memref<1x64xf32, #tpu.memory_space<vmem>>) target_semaphore(%arg18 : memref<!tpu.dma_semaphore, #tpu.memory_space<semaphore_mem>>)
        %slice3A_578 = vector.extract_strided_slice %get3A_114 {offsets = [13], sizes = [1], strides = [1]} : vector<16xi32> to vector<1xi32>
        %squeeze3A_579 = vector.extract %slice3A_578[0] : i32 from vector<1xi32>
        %dma_start3A_580 = arith.constant 0 : i32
        %dma_start3A_581 = tpu.memref_slice %arg14[%add3A_557, %dma_start3A_580] : memref<128x64xf32, #tpu.memory_space<vmem>> -> memref<1x64xf32, #tpu.memory_space<vmem>>
        %dma_start3A_582 = arith.constant 0 : i32
        %dma_start3A_583 = tpu.memref_slice %arg6[%squeeze3A_579, %dma_start3A_582] : memref<1000000x64xf32, #tpu.memory_space<hbm>> -> memref<1x64xf32, #tpu.memory_space<hbm>>
        %dma_start3A_584 = arith.constant 0 : i32
        %dma_start3A_585 = tpu.memref_slice %arg14[%add3A_557, %dma_start3A_584] : memref<128x64xf32, #tpu.memory_space<vmem>> -> memref<1x64xf32, #tpu.memory_space<vmem>>
        %dma_start3A_586 = arith.constant 0 : i32
        %dma_start3A_587 = tpu.memref_slice %arg6[%squeeze3A_579, %dma_start3A_586] : memref<1000000x64xf32, #tpu.memory_space<hbm>> -> memref<1x64xf32, #tpu.memory_space<hbm>>
        tpu.enqueue_dma source(%dma_start3A_587 : memref<1x64xf32, #tpu.memory_space<hbm>>) target(%dma_start3A_585 : memref<1x64xf32, #tpu.memory_space<vmem>>) target_semaphore(%arg19 : memref<!tpu.dma_semaphore, #tpu.memory_space<semaphore_mem>>)
        %mul3A_588 = arith.constant 16 : i32
        %mul3A_589 = arith.muli %scan3A_96, %mul3A_588 : i32
        %add3A_590 = arith.constant 14 : i32
        %add3A_591 = arith.addi %mul3A_589, %add3A_590 : i32
        %slice3A_592 = vector.extract_strided_slice %get3A_102 {offsets = [14], sizes = [1], strides = [1]} : vector<16xi32> to vector<1xi32>
        %squeeze3A_593 = vector.extract %slice3A_592[0] : i32 from vector<1xi32>
        %dma_start3A_594 = arith.constant 0 : i32
        %dma_start3A_595 = tpu.memref_slice %arg12[%add3A_591, %dma_start3A_594] : memref<128x64xf32, #tpu.memory_space<vmem>> -> memref<1x64xf32, #tpu.memory_space<vmem>>
        %dma_start3A_596 = arith.constant 0 : i32
        %dma_start3A_597 = tpu.memref_slice %arg5[%squeeze3A_593, %dma_start3A_596] : memref<1000000x64xf32, #tpu.memory_space<hbm>> -> memref<1x64xf32, #tpu.memory_space<hbm>>
        %dma_start3A_598 = arith.constant 0 : i32
        %dma_start3A_599 = tpu.memref_slice %arg12[%add3A_591, %dma_start3A_598] : memref<128x64xf32, #tpu.memory_space<vmem>> -> memref<1x64xf32, #tpu.memory_space<vmem>>
        %dma_start3A_600 = arith.constant 0 : i32
        %dma_start3A_601 = tpu.memref_slice %arg5[%squeeze3A_593, %dma_start3A_600] : memref<1000000x64xf32, #tpu.memory_space<hbm>> -> memref<1x64xf32, #tpu.memory_space<hbm>>
        tpu.enqueue_dma source(%dma_start3A_601 : memref<1x64xf32, #tpu.memory_space<hbm>>) target(%dma_start3A_599 : memref<1x64xf32, #tpu.memory_space<vmem>>) target_semaphore(%arg17 : memref<!tpu.dma_semaphore, #tpu.memory_space<semaphore_mem>>)
        %slice3A_602 = vector.extract_strided_slice %get3A_108 {offsets = [14], sizes = [1], strides = [1]} : vector<16xi32> to vector<1xi32>
        %squeeze3A_603 = vector.extract %slice3A_602[0] : i32 from vector<1xi32>
        %dma_start3A_604 = arith.constant 0 : i32
        %dma_start3A_605 = tpu.memref_slice %arg13[%add3A_591, %dma_start3A_604] : memref<128x64xf32, #tpu.memory_space<vmem>> -> memref<1x64xf32, #tpu.memory_space<vmem>>
        %dma_start3A_606 = arith.constant 0 : i32
        %dma_start3A_607 = tpu.memref_slice %arg6[%squeeze3A_603, %dma_start3A_606] : memref<1000000x64xf32, #tpu.memory_space<hbm>> -> memref<1x64xf32, #tpu.memory_space<hbm>>
        %dma_start3A_608 = arith.constant 0 : i32
        %dma_start3A_609 = tpu.memref_slice %arg13[%add3A_591, %dma_start3A_608] : memref<128x64xf32, #tpu.memory_space<vmem>> -> memref<1x64xf32, #tpu.memory_space<vmem>>
        %dma_start3A_610 = arith.constant 0 : i32
        %dma_start3A_611 = tpu.memref_slice %arg6[%squeeze3A_603, %dma_start3A_610] : memref<1000000x64xf32, #tpu.memory_space<hbm>> -> memref<1x64xf32, #tpu.memory_space<hbm>>
        tpu.enqueue_dma source(%dma_start3A_611 : memref<1x64xf32, #tpu.memory_space<hbm>>) target(%dma_start3A_609 : memref<1x64xf32, #tpu.memory_space<vmem>>) target_semaphore(%arg18 : memref<!tpu.dma_semaphore, #tpu.memory_space<semaphore_mem>>)
        %slice3A_612 = vector.extract_strided_slice %get3A_114 {offsets = [14], sizes = [1], strides = [1]} : vector<16xi32> to vector<1xi32>
        %squeeze3A_613 = vector.extract %slice3A_612[0] : i32 from vector<1xi32>
        %dma_start3A_614 = arith.constant 0 : i32
        %dma_start3A_615 = tpu.memref_slice %arg14[%add3A_591, %dma_start3A_614] : memref<128x64xf32, #tpu.memory_space<vmem>> -> memref<1x64xf32, #tpu.memory_space<vmem>>
        %dma_start3A_616 = arith.constant 0 : i32
        %dma_start3A_617 = tpu.memref_slice %arg6[%squeeze3A_613, %dma_start3A_616] : memref<1000000x64xf32, #tpu.memory_space<hbm>> -> memref<1x64xf32, #tpu.memory_space<hbm>>
        %dma_start3A_618 = arith.constant 0 : i32
        %dma_start3A_619 = tpu.memref_slice %arg14[%add3A_591, %dma_start3A_618] : memref<128x64xf32, #tpu.memory_space<vmem>> -> memref<1x64xf32, #tpu.memory_space<vmem>>
        %dma_start3A_620 = arith.constant 0 : i32
        %dma_start3A_621 = tpu.memref_slice %arg6[%squeeze3A_613, %dma_start3A_620] : memref<1000000x64xf32, #tpu.memory_space<hbm>> -> memref<1x64xf32, #tpu.memory_space<hbm>>
        tpu.enqueue_dma source(%dma_start3A_621 : memref<1x64xf32, #tpu.memory_space<hbm>>) target(%dma_start3A_619 : memref<1x64xf32, #tpu.memory_space<vmem>>) target_semaphore(%arg19 : memref<!tpu.dma_semaphore, #tpu.memory_space<semaphore_mem>>)
        %mul3A_622 = arith.constant 16 : i32
        %mul3A_623 = arith.muli %scan3A_96, %mul3A_622 : i32
        %add3A_624 = arith.constant 15 : i32
        %add3A_625 = arith.addi %mul3A_623, %add3A_624 : i32
        %slice3A_626 = vector.extract_strided_slice %get3A_102 {offsets = [15], sizes = [1], strides = [1]} : vector<16xi32> to vector<1xi32>
        %squeeze3A_627 = vector.extract %slice3A_626[0] : i32 from vector<1xi32>
        %dma_start3A_628 = arith.constant 0 : i32
        %dma_start3A_629 = tpu.memref_slice %arg12[%add3A_625, %dma_start3A_628] : memref<128x64xf32, #tpu.memory_space<vmem>> -> memref<1x64xf32, #tpu.memory_space<vmem>>
        %dma_start3A_630 = arith.constant 0 : i32
        %dma_start3A_631 = tpu.memref_slice %arg5[%squeeze3A_627, %dma_start3A_630] : memref<1000000x64xf32, #tpu.memory_space<hbm>> -> memref<1x64xf32, #tpu.memory_space<hbm>>
        %dma_start3A_632 = arith.constant 0 : i32
        %dma_start3A_633 = tpu.memref_slice %arg12[%add3A_625, %dma_start3A_632] : memref<128x64xf32, #tpu.memory_space<vmem>> -> memref<1x64xf32, #tpu.memory_space<vmem>>
        %dma_start3A_634 = arith.constant 0 : i32
        %dma_start3A_635 = tpu.memref_slice %arg5[%squeeze3A_627, %dma_start3A_634] : memref<1000000x64xf32, #tpu.memory_space<hbm>> -> memref<1x64xf32, #tpu.memory_space<hbm>>
        tpu.enqueue_dma source(%dma_start3A_635 : memref<1x64xf32, #tpu.memory_space<hbm>>) target(%dma_start3A_633 : memref<1x64xf32, #tpu.memory_space<vmem>>) target_semaphore(%arg17 : memref<!tpu.dma_semaphore, #tpu.memory_space<semaphore_mem>>)
        %slice3A_636 = vector.extract_strided_slice %get3A_108 {offsets = [15], sizes = [1], strides = [1]} : vector<16xi32> to vector<1xi32>
        %squeeze3A_637 = vector.extract %slice3A_636[0] : i32 from vector<1xi32>
        %dma_start3A_638 = arith.constant 0 : i32
        %dma_start3A_639 = tpu.memref_slice %arg13[%add3A_625, %dma_start3A_638] : memref<128x64xf32, #tpu.memory_space<vmem>> -> memref<1x64xf32, #tpu.memory_space<vmem>>
        %dma_start3A_640 = arith.constant 0 : i32
        %dma_start3A_641 = tpu.memref_slice %arg6[%squeeze3A_637, %dma_start3A_640] : memref<1000000x64xf32, #tpu.memory_space<hbm>> -> memref<1x64xf32, #tpu.memory_space<hbm>>
        %dma_start3A_642 = arith.constant 0 : i32
        %dma_start3A_643 = tpu.memref_slice %arg13[%add3A_625, %dma_start3A_642] : memref<128x64xf32, #tpu.memory_space<vmem>> -> memref<1x64xf32, #tpu.memory_space<vmem>>
        %dma_start3A_644 = arith.constant 0 : i32
        %dma_start3A_645 = tpu.memref_slice %arg6[%squeeze3A_637, %dma_start3A_644] : memref<1000000x64xf32, #tpu.memory_space<hbm>> -> memref<1x64xf32, #tpu.memory_space<hbm>>
        tpu.enqueue_dma source(%dma_start3A_645 : memref<1x64xf32, #tpu.memory_space<hbm>>) target(%dma_start3A_643 : memref<1x64xf32, #tpu.memory_space<vmem>>) target_semaphore(%arg18 : memref<!tpu.dma_semaphore, #tpu.memory_space<semaphore_mem>>)
        %slice3A_646 = vector.extract_strided_slice %get3A_114 {offsets = [15], sizes = [1], strides = [1]} : vector<16xi32> to vector<1xi32>
        %squeeze3A_647 = vector.extract %slice3A_646[0] : i32 from vector<1xi32>
        %dma_start3A_648 = arith.constant 0 : i32
        %dma_start3A_649 = tpu.memref_slice %arg14[%add3A_625, %dma_start3A_648] : memref<128x64xf32, #tpu.memory_space<vmem>> -> memref<1x64xf32, #tpu.memory_space<vmem>>
        %dma_start3A_650 = arith.constant 0 : i32
        %dma_start3A_651 = tpu.memref_slice %arg6[%squeeze3A_647, %dma_start3A_650] : memref<1000000x64xf32, #tpu.memory_space<hbm>> -> memref<1x64xf32, #tpu.memory_space<hbm>>
        %dma_start3A_652 = arith.constant 0 : i32
        %dma_start3A_653 = tpu.memref_slice %arg14[%add3A_625, %dma_start3A_652] : memref<128x64xf32, #tpu.memory_space<vmem>> -> memref<1x64xf32, #tpu.memory_space<vmem>>
        %dma_start3A_654 = arith.constant 0 : i32
        %dma_start3A_655 = tpu.memref_slice %arg6[%squeeze3A_647, %dma_start3A_654] : memref<1000000x64xf32, #tpu.memory_space<hbm>> -> memref<1x64xf32, #tpu.memory_space<hbm>>
        tpu.enqueue_dma source(%dma_start3A_655 : memref<1x64xf32, #tpu.memory_space<hbm>>) target(%dma_start3A_653 : memref<1x64xf32, #tpu.memory_space<vmem>>) target_semaphore(%arg19 : memref<!tpu.dma_semaphore, #tpu.memory_space<semaphore_mem>>)
        %scan3A_656 = arith.constant 0 : i32
        scf.yield %scan3A_656 : i32
      }
      %scan3A_72 = arith.constant 8 : i32
      %dma_wait3A = arith.constant 0 : i32
      %dma_wait3A_73 = arith.constant 0 : i32
      %dma_wait3A_74 = tpu.memref_slice %arg5[%dma_wait3A, %dma_wait3A_73] : memref<1000000x64xf32, #tpu.memory_space<hbm>> -> memref<128x64xf32, #tpu.memory_space<hbm>>
      %dma_wait3A_75 = arith.constant 0 : i32
      %dma_wait3A_76 = arith.constant 0 : i32
      %dma_wait3A_77 = tpu.memref_slice %arg5[%dma_wait3A_75, %dma_wait3A_76] : memref<1000000x64xf32, #tpu.memory_space<hbm>> -> memref<128x64xf32, #tpu.memory_space<hbm>>
      tpu.wait_dma2 semaphore(%arg17 : memref<!tpu.dma_semaphore, #tpu.memory_space<semaphore_mem>>) src(%dma_wait3A_77 : memref<128x64xf32, #tpu.memory_space<hbm>>) dst(%arg12 : memref<128x64xf32, #tpu.memory_space<vmem>>)
      %dma_wait3A_78 = arith.constant 0 : i32
      %dma_wait3A_79 = arith.constant 0 : i32
      %dma_wait3A_80 = tpu.memref_slice %arg6[%dma_wait3A_78, %dma_wait3A_79] : memref<1000000x64xf32, #tpu.memory_space<hbm>> -> memref<128x64xf32, #tpu.memory_space<hbm>>
      %dma_wait3A_81 = arith.constant 0 : i32
      %dma_wait3A_82 = arith.constant 0 : i32
      %dma_wait3A_83 = tpu.memref_slice %arg6[%dma_wait3A_81, %dma_wait3A_82] : memref<1000000x64xf32, #tpu.memory_space<hbm>> -> memref<128x64xf32, #tpu.memory_space<hbm>>
      tpu.wait_dma2 semaphore(%arg18 : memref<!tpu.dma_semaphore, #tpu.memory_space<semaphore_mem>>) src(%dma_wait3A_83 : memref<128x64xf32, #tpu.memory_space<hbm>>) dst(%arg13 : memref<128x64xf32, #tpu.memory_space<vmem>>)
      %dma_wait3A_84 = arith.constant 0 : i32
      %dma_wait3A_85 = arith.constant 0 : i32
      %dma_wait3A_86 = tpu.memref_slice %arg6[%dma_wait3A_84, %dma_wait3A_85] : memref<1000000x64xf32, #tpu.memory_space<hbm>> -> memref<128x64xf32, #tpu.memory_space<hbm>>
      %dma_wait3A_87 = arith.constant 0 : i32
      %dma_wait3A_88 = arith.constant 0 : i32
      %dma_wait3A_89 = tpu.memref_slice %arg6[%dma_wait3A_87, %dma_wait3A_88] : memref<1000000x64xf32, #tpu.memory_space<hbm>> -> memref<128x64xf32, #tpu.memory_space<hbm>>
      tpu.wait_dma2 semaphore(%arg19 : memref<!tpu.dma_semaphore, #tpu.memory_space<semaphore_mem>>) src(%dma_wait3A_89 : memref<128x64xf32, #tpu.memory_space<hbm>>) dst(%arg14 : memref<128x64xf32, #tpu.memory_space<vmem>>)
      %scan3A_90 = arith.constant 0 : i32
      %scan3A_91 = arith.constant 16 : i32
      %scan3A_92 = arith.addi %scan3A_90, %scan3A_91 : i32
      %scan3A_93 = arith.constant 1 : i32
      %scan3A_94 = scf.for %scan3A_96 = %scan3A_90 to %scan3A_92 step %scan3A_93 iter_args(%scan3A_97 = %scan3A_63) -> (vector<16xf32>)  : i32 {
        %mul3A_98 = arith.constant 8 : i32
        %mul3A_99 = arith.muli %scan3A_96, %mul3A_98 : i32
        %add3A_100 = arith.constant 0 : i32
        %add3A_101 = arith.addi %mul3A_99, %add3A_100 : i32
        %get3A = arith.index_cast %add3A_101 : i32 to index
        %get3A_102 = arith.constant 0 : index
        %get3A_103 = tpu.vector_load %arg12[%get3A, %get3A_102] {strides = array<i32>} : memref<128x64xf32, #tpu.memory_space<vmem>>, vector<1x16xf32>,
        %get3A_104 = vector.shape_cast %get3A_103 : vector<1x16xf32> to vector<16xf32>
        %get3A_105 = arith.index_cast %add3A_101 : i32 to index
        %get3A_106 = arith.constant 0 : index
        %get3A_107 = tpu.vector_load %arg13[%get3A_105, %get3A_106] {strides = array<i32>} : memref<128x64xf32, #tpu.memory_space<vmem>>, vector<1x16xf32>,
        %get3A_108 = vector.shape_cast %get3A_107 : vector<1x16xf32> to vector<16xf32>
        %get3A_109 = arith.index_cast %add3A_101 : i32 to index
        %get3A_110 = arith.constant 0 : index
        %get3A_111 = tpu.vector_load %arg14[%get3A_109, %get3A_110] {strides = array<i32>} : memref<128x64xf32, #tpu.memory_space<vmem>>, vector<1x16xf32>,
        %get3A_112 = vector.shape_cast %get3A_111 : vector<1x16xf32> to vector<16xf32>
        %mul3A_113 = arith.mulf %get3A_104, %get3A_108 : vector<16xf32>
        %add3A_114 = arith.addf %scan3A_97, %mul3A_113 : vector<16xf32>
        %mul3A_115 = arith.mulf %get3A_104, %get3A_112 : vector<16xf32>
        %get3A_116 = arith.index_cast %add3A_101 : i32 to index
        %get3A_117 = arith.constant 16 : index
        %get3A_118 = tpu.vector_load %arg12[%get3A_116, %get3A_117] {strides = array<i32>} : memref<128x64xf32, #tpu.memory_space<vmem>>, vector<1x16xf32>,
        %get3A_119 = vector.shape_cast %get3A_118 : vector<1x16xf32> to vector<16xf32>
        %get3A_120 = arith.index_cast %add3A_101 : i32 to index
        %get3A_121 = arith.constant 16 : index
        %get3A_122 = tpu.vector_load %arg13[%get3A_120, %get3A_121] {strides = array<i32>} : memref<128x64xf32, #tpu.memory_space<vmem>>, vector<1x16xf32>,
        %get3A_123 = vector.shape_cast %get3A_122 : vector<1x16xf32> to vector<16xf32>
        %get3A_124 = arith.index_cast %add3A_101 : i32 to index
        %get3A_125 = arith.constant 16 : index
        %get3A_126 = tpu.vector_load %arg14[%get3A_124, %get3A_125] {strides = array<i32>} : memref<128x64xf32, #tpu.memory_space<vmem>>, vector<1x16xf32>,
        %get3A_127 = vector.shape_cast %get3A_126 : vector<1x16xf32> to vector<16xf32>
        %mul3A_128 = arith.mulf %get3A_119, %get3A_123 : vector<16xf32>
        %add3A_129 = arith.addf %add3A_114, %mul3A_128 : vector<16xf32>
        %mul3A_130 = arith.mulf %get3A_119, %get3A_127 : vector<16xf32>
        %add3A_131 = arith.addf %mul3A_115, %mul3A_130 : vector<16xf32>
        %get3A_132 = arith.index_cast %add3A_101 : i32 to index
        %get3A_133 = arith.constant 32 : index
        %get3A_134 = tpu.vector_load %arg12[%get3A_132, %get3A_133] {strides = array<i32>} : memref<128x64xf32, #tpu.memory_space<vmem>>, vector<1x16xf32>,
        %get3A_135 = vector.shape_cast %get3A_134 : vector<1x16xf32> to vector<16xf32>
        %get3A_136 = arith.index_cast %add3A_101 : i32 to index
        %get3A_137 = arith.constant 32 : index
        %get3A_138 = tpu.vector_load %arg13[%get3A_136, %get3A_137] {strides = array<i32>} : memref<128x64xf32, #tpu.memory_space<vmem>>, vector<1x16xf32>,
        %get3A_139 = vector.shape_cast %get3A_138 : vector<1x16xf32> to vector<16xf32>
        %get3A_140 = arith.index_cast %add3A_101 : i32 to index
        %get3A_141 = arith.constant 32 : index
        %get3A_142 = tpu.vector_load %arg14[%get3A_140, %get3A_141] {strides = array<i32>} : memref<128x64xf32, #tpu.memory_space<vmem>>, vector<1x16xf32>,
        %get3A_143 = vector.shape_cast %get3A_142 : vector<1x16xf32> to vector<16xf32>
        %mul3A_144 = arith.mulf %get3A_135, %get3A_139 : vector<16xf32>
        %add3A_145 = arith.addf %add3A_129, %mul3A_144 : vector<16xf32>
        %mul3A_146 = arith.mulf %get3A_135, %get3A_143 : vector<16xf32>
        %add3A_147 = arith.addf %add3A_131, %mul3A_146 : vector<16xf32>
        %get3A_148 = arith.index_cast %add3A_101 : i32 to index
        %get3A_149 = arith.constant 48 : index
        %get3A_150 = tpu.vector_load %arg12[%get3A_148, %get3A_149] {strides = array<i32>} : memref<128x64xf32, #tpu.memory_space<vmem>>, vector<1x16xf32>,
        %get3A_151 = vector.shape_cast %get3A_150 : vector<1x16xf32> to vector<16xf32>
        %get3A_152 = arith.index_cast %add3A_101 : i32 to index
        %get3A_153 = arith.constant 48 : index
        %get3A_154 = tpu.vector_load %arg13[%get3A_152, %get3A_153] {strides = array<i32>} : memref<128x64xf32, #tpu.memory_space<vmem>>, vector<1x16xf32>,
        %get3A_155 = vector.shape_cast %get3A_154 : vector<1x16xf32> to vector<16xf32>
        %get3A_156 = arith.index_cast %add3A_101 : i32 to index
        %get3A_157 = arith.constant 48 : index
        %get3A_158 = tpu.vector_load %arg14[%get3A_156, %get3A_157] {strides = array<i32>} : memref<128x64xf32, #tpu.memory_space<vmem>>, vector<1x16xf32>,
        %get3A_159 = vector.shape_cast %get3A_158 : vector<1x16xf32> to vector<16xf32>
        %mul3A_160 = arith.mulf %get3A_151, %get3A_155 : vector<16xf32>
        %add3A_161 = arith.addf %add3A_145, %mul3A_160 : vector<16xf32>
        %mul3A_162 = arith.mulf %get3A_151, %get3A_159 : vector<16xf32>
        %add3A_163 = arith.addf %add3A_147, %mul3A_162 : vector<16xf32>
        %jit3A = arith.constant 8 : i32
        %div3A = arith.divsi %mul3A_65, %jit3A : i32
        %sign3A = arith.constant 0 : i32
        %sign3A_164 = arith.cmpi sgt, %mul3A_65, %sign3A : i32
        %sign3A_165 = arith.extui %sign3A_164 : i1 to i32
        %sign3A_166 = arith.constant 0 : i32
        %sign3A_167 = arith.cmpi slt, %mul3A_65, %sign3A_166 : i32
        %sign3A_168 = arith.extui %sign3A_167 : i1 to i32
        %sign3A_169 = arith.subi %sign3A_165, %sign3A_168 : i32
        %sign3A_170 = arith.constant 0 : i32
        %sign3A_171 = arith.cmpi sgt, %jit3A, %sign3A_170 : i32
        %sign3A_172 = arith.extui %sign3A_171 : i1 to i32
        %sign3A_173 = arith.constant 0 : i32
        %sign3A_174 = arith.cmpi slt, %jit3A, %sign3A_173 : i32
        %sign3A_175 = arith.extui %sign3A_174 : i1 to i32
        %sign3A_176 = arith.subi %sign3A_172, %sign3A_175 : i32
        %ne3A = arith.cmpi ne, %sign3A_169, %sign3A_176 : i32
        %rem3A = arith.remsi %mul3A_65, %jit3A : i32
        %ne3A_177 = arith.constant 0 : i32
        %ne3A_178 = arith.cmpi ne, %rem3A, %ne3A_177 : i32
        %and3A = arith.andi %ne3A, %ne3A_178 : i1
        %sub3A = arith.constant 1 : i32
        %sub3A_179 = arith.subi %div3A, %sub3A : i32
        %select_n3A = arith.select %and3A, %sub3A_179, %div3A : i32
        %add3A_180 = arith.addi %select_n3A, %scan3A_96 : i32
        %swap3A_181 = arith.index_cast %add3A_180 : i32 to index
        %swap3A_182 = arith.constant 0 : index
        %swap3A_183 = tpu.vector_load %arg15[%swap3A_181, %swap3A_182] {strides = array<i32>} : memref<64x128xf32, #tpu.memory_space<vmem>>, vector<1x16xf32>,
        %swap3A_184 = vector.shape_cast %swap3A_183 : vector<1x16xf32> to vector<16xf32>
        %swap3A_185 = vector.shape_cast %add3A_163 : vector<16xf32> to vector<1x16xf32>
        tpu.vector_store %arg15[%swap3A_181, %swap3A_182], %swap3A_185 {strides = array<i32>} : memref<64x128xf32, #tpu.memory_space<vmem>>, vector<1x16xf32>,
        %mul3A_186 = arith.constant 8 : i32
        %mul3A_187 = arith.muli %scan3A_96, %mul3A_186 : i32
        %add3A_188 = arith.constant 1 : i32
        %add3A_189 = arith.addi %mul3A_187, %add3A_188 : i32
        %get3A_190 = arith.index_cast %add3A_189 : i32 to index
        %get3A_191 = arith.constant 0 : index
        %get3A_192 = tpu.vector_load %arg12[%get3A_190, %get3A_191] {strides = array<i32>} : memref<128x64xf32, #tpu.memory_space<vmem>>, vector<1x16xf32>,
        %get3A_193 = vector.shape_cast %get3A_192 : vector<1x16xf32> to vector<16xf32>
        %get3A_194 = arith.index_cast %add3A_189 : i32 to index
        %get3A_195 = arith.constant 0 : index
        %get3A_196 = tpu.vector_load %arg13[%get3A_194, %get3A_195] {strides = array<i32>} : memref<128x64xf32, #tpu.memory_space<vmem>>, vector<1x16xf32>,
        %get3A_197 = vector.shape_cast %get3A_196 : vector<1x16xf32> to vector<16xf32>
        %get3A_198 = arith.index_cast %add3A_189 : i32 to index
        %get3A_199 = arith.constant 0 : index
        %get3A_200 = tpu.vector_load %arg14[%get3A_198, %get3A_199] {strides = array<i32>} : memref<128x64xf32, #tpu.memory_space<vmem>>, vector<1x16xf32>,
        %get3A_201 = vector.shape_cast %get3A_200 : vector<1x16xf32> to vector<16xf32>
        %mul3A_202 = arith.mulf %get3A_193, %get3A_197 : vector<16xf32>
        %add3A_203 = arith.addf %add3A_161, %mul3A_202 : vector<16xf32>
        %mul3A_204 = arith.mulf %get3A_193, %get3A_201 : vector<16xf32>
        %get3A_205 = arith.index_cast %add3A_189 : i32 to index
        %get3A_206 = arith.constant 16 : index
        %get3A_207 = tpu.vector_load %arg12[%get3A_205, %get3A_206] {strides = array<i32>} : memref<128x64xf32, #tpu.memory_space<vmem>>, vector<1x16xf32>,
        %get3A_208 = vector.shape_cast %get3A_207 : vector<1x16xf32> to vector<16xf32>
        %get3A_209 = arith.index_cast %add3A_189 : i32 to index
        %get3A_210 = arith.constant 16 : index
        %get3A_211 = tpu.vector_load %arg13[%get3A_209, %get3A_210] {strides = array<i32>} : memref<128x64xf32, #tpu.memory_space<vmem>>, vector<1x16xf32>,
        %get3A_212 = vector.shape_cast %get3A_211 : vector<1x16xf32> to vector<16xf32>
        %get3A_213 = arith.index_cast %add3A_189 : i32 to index
        %get3A_214 = arith.constant 16 : index
        %get3A_215 = tpu.vector_load %arg14[%get3A_213, %get3A_214] {strides = array<i32>} : memref<128x64xf32, #tpu.memory_space<vmem>>, vector<1x16xf32>,
        %get3A_216 = vector.shape_cast %get3A_215 : vector<1x16xf32> to vector<16xf32>
        %mul3A_217 = arith.mulf %get3A_208, %get3A_212 : vector<16xf32>
        %add3A_218 = arith.addf %add3A_203, %mul3A_217 : vector<16xf32>
        %mul3A_219 = arith.mulf %get3A_208, %get3A_216 : vector<16xf32>
        %add3A_220 = arith.addf %mul3A_204, %mul3A_219 : vector<16xf32>
        %get3A_221 = arith.index_cast %add3A_189 : i32 to index
        %get3A_222 = arith.constant 32 : index
        %get3A_223 = tpu.vector_load %arg12[%get3A_221, %get3A_222] {strides = array<i32>} : memref<128x64xf32, #tpu.memory_space<vmem>>, vector<1x16xf32>,
        %get3A_224 = vector.shape_cast %get3A_223 : vector<1x16xf32> to vector<16xf32>
        %get3A_225 = arith.index_cast %add3A_189 : i32 to index
        %get3A_226 = arith.constant 32 : index
        %get3A_227 = tpu.vector_load %arg13[%get3A_225, %get3A_226] {strides = array<i32>} : memref<128x64xf32, #tpu.memory_space<vmem>>, vector<1x16xf32>,
        %get3A_228 = vector.shape_cast %get3A_227 : vector<1x16xf32> to vector<16xf32>
        %get3A_229 = arith.index_cast %add3A_189 : i32 to index
        %get3A_230 = arith.constant 32 : index
        %get3A_231 = tpu.vector_load %arg14[%get3A_229, %get3A_230] {strides = array<i32>} : memref<128x64xf32, #tpu.memory_space<vmem>>, vector<1x16xf32>,
        %get3A_232 = vector.shape_cast %get3A_231 : vector<1x16xf32> to vector<16xf32>
        %mul3A_233 = arith.mulf %get3A_224, %get3A_228 : vector<16xf32>
        %add3A_234 = arith.addf %add3A_218, %mul3A_233 : vector<16xf32>
        %mul3A_235 = arith.mulf %get3A_224, %get3A_232 : vector<16xf32>
        %add3A_236 = arith.addf %add3A_220, %mul3A_235 : vector<16xf32>
        %get3A_237 = arith.index_cast %add3A_189 : i32 to index
        %get3A_238 = arith.constant 48 : index
        %get3A_239 = tpu.vector_load %arg12[%get3A_237, %get3A_238] {strides = array<i32>} : memref<128x64xf32, #tpu.memory_space<vmem>>, vector<1x16xf32>,
        %get3A_240 = vector.shape_cast %get3A_239 : vector<1x16xf32> to vector<16xf32>
        %get3A_241 = arith.index_cast %add3A_189 : i32 to index
        %get3A_242 = arith.constant 48 : index
        %get3A_243 = tpu.vector_load %arg13[%get3A_241, %get3A_242] {strides = array<i32>} : memref<128x64xf32, #tpu.memory_space<vmem>>, vector<1x16xf32>,
        %get3A_244 = vector.shape_cast %get3A_243 : vector<1x16xf32> to vector<16xf32>
        %get3A_245 = arith.index_cast %add3A_189 : i32 to index
        %get3A_246 = arith.constant 48 : index
        %get3A_247 = tpu.vector_load %arg14[%get3A_245, %get3A_246] {strides = array<i32>} : memref<128x64xf32, #tpu.memory_space<vmem>>, vector<1x16xf32>,
        %get3A_248 = vector.shape_cast %get3A_247 : vector<1x16xf32> to vector<16xf32>
        %mul3A_249 = arith.mulf %get3A_240, %get3A_244 : vector<16xf32>
        %add3A_250 = arith.addf %add3A_234, %mul3A_249 : vector<16xf32>
        %mul3A_251 = arith.mulf %get3A_240, %get3A_248 : vector<16xf32>
        %add3A_252 = arith.addf %add3A_236, %mul3A_251 : vector<16xf32>
        %jit3A_253 = arith.constant 8 : i32
        %div3A_254 = arith.divsi %mul3A_65, %jit3A_253 : i32
        %sign3A_255 = arith.constant 0 : i32
        %sign3A_256 = arith.cmpi sgt, %mul3A_65, %sign3A_255 : i32
        %sign3A_257 = arith.extui %sign3A_256 : i1 to i32
        %sign3A_258 = arith.constant 0 : i32
        %sign3A_259 = arith.cmpi slt, %mul3A_65, %sign3A_258 : i32
        %sign3A_260 = arith.extui %sign3A_259 : i1 to i32
        %sign3A_261 = arith.subi %sign3A_257, %sign3A_260 : i32
        %sign3A_262 = arith.constant 0 : i32
        %sign3A_263 = arith.cmpi sgt, %jit3A_253, %sign3A_262 : i32
        %sign3A_264 = arith.extui %sign3A_263 : i1 to i32
        %sign3A_265 = arith.constant 0 : i32
        %sign3A_266 = arith.cmpi slt, %jit3A_253, %sign3A_265 : i32
        %sign3A_267 = arith.extui %sign3A_266 : i1 to i32
        %sign3A_268 = arith.subi %sign3A_264, %sign3A_267 : i32
        %ne3A_269 = arith.cmpi ne, %sign3A_261, %sign3A_268 : i32
        %rem3A_270 = arith.remsi %mul3A_65, %jit3A_253 : i32
        %ne3A_271 = arith.constant 0 : i32
        %ne3A_272 = arith.cmpi ne, %rem3A_270, %ne3A_271 : i32
        %and3A_273 = arith.andi %ne3A_269, %ne3A_272 : i1
        %sub3A_274 = arith.constant 1 : i32
        %sub3A_275 = arith.subi %div3A_254, %sub3A_274 : i32
        %select_n3A_276 = arith.select %and3A_273, %sub3A_275, %div3A_254 : i32
        %add3A_277 = arith.addi %select_n3A_276, %scan3A_96 : i32
        %swap3A_278 = arith.index_cast %add3A_277 : i32 to index
        %swap3A_279 = arith.constant 16 : index
        %swap3A_280 = tpu.vector_load %arg15[%swap3A_278, %swap3A_279] {strides = array<i32>} : memref<64x128xf32, #tpu.memory_space<vmem>>, vector<1x16xf32>,
        %swap3A_281 = vector.shape_cast %swap3A_280 : vector<1x16xf32> to vector<16xf32>
        %swap3A_282 = vector.shape_cast %add3A_252 : vector<16xf32> to vector<1x16xf32>
        tpu.vector_store %arg15[%swap3A_278, %swap3A_279], %swap3A_282 {strides = array<i32>} : memref<64x128xf32, #tpu.memory_space<vmem>>, vector<1x16xf32>,
        %mul3A_283 = arith.constant 8 : i32
        %mul3A_284 = arith.muli %scan3A_96, %mul3A_283 : i32
        %add3A_285 = arith.constant 2 : i32
        %add3A_286 = arith.addi %mul3A_284, %add3A_285 : i32
        %get3A_287 = arith.index_cast %add3A_286 : i32 to index
        %get3A_288 = arith.constant 0 : index
        %get3A_289 = tpu.vector_load %arg12[%get3A_287, %get3A_288] {strides = array<i32>} : memref<128x64xf32, #tpu.memory_space<vmem>>, vector<1x16xf32>,
        %get3A_290 = vector.shape_cast %get3A_289 : vector<1x16xf32> to vector<16xf32>
        %get3A_291 = arith.index_cast %add3A_286 : i32 to index
        %get3A_292 = arith.constant 0 : index
        %get3A_293 = tpu.vector_load %arg13[%get3A_291, %get3A_292] {strides = array<i32>} : memref<128x64xf32, #tpu.memory_space<vmem>>, vector<1x16xf32>,
        %get3A_294 = vector.shape_cast %get3A_293 : vector<1x16xf32> to vector<16xf32>
        %get3A_295 = arith.index_cast %add3A_286 : i32 to index
        %get3A_296 = arith.constant 0 : index
        %get3A_297 = tpu.vector_load %arg14[%get3A_295, %get3A_296] {strides = array<i32>} : memref<128x64xf32, #tpu.memory_space<vmem>>, vector<1x16xf32>,
        %get3A_298 = vector.shape_cast %get3A_297 : vector<1x16xf32> to vector<16xf32>
        %mul3A_299 = arith.mulf %get3A_290, %get3A_294 : vector<16xf32>
        %add3A_300 = arith.addf %add3A_250, %mul3A_299 : vector<16xf32>
        %mul3A_301 = arith.mulf %get3A_290, %get3A_298 : vector<16xf32>
        %get3A_302 = arith.index_cast %add3A_286 : i32 to index
        %get3A_303 = arith.constant 16 : index
        %get3A_304 = tpu.vector_load %arg12[%get3A_302, %get3A_303] {strides = array<i32>} : memref<128x64xf32, #tpu.memory_space<vmem>>, vector<1x16xf32>,
        %get3A_305 = vector.shape_cast %get3A_304 : vector<1x16xf32> to vector<16xf32>
        %get3A_306 = arith.index_cast %add3A_286 : i32 to index
        %get3A_307 = arith.constant 16 : index
        %get3A_308 = tpu.vector_load %arg13[%get3A_306, %get3A_307] {strides = array<i32>} : memref<128x64xf32, #tpu.memory_space<vmem>>, vector<1x16xf32>,
        %get3A_309 = vector.shape_cast %get3A_308 : vector<1x16xf32> to vector<16xf32>
        %get3A_310 = arith.index_cast %add3A_286 : i32 to index
        %get3A_311 = arith.constant 16 : index
        %get3A_312 = tpu.vector_load %arg14[%get3A_310, %get3A_311] {strides = array<i32>} : memref<128x64xf32, #tpu.memory_space<vmem>>, vector<1x16xf32>,
        %get3A_313 = vector.shape_cast %get3A_312 : vector<1x16xf32> to vector<16xf32>
        %mul3A_314 = arith.mulf %get3A_305, %get3A_309 : vector<16xf32>
        %add3A_315 = arith.addf %add3A_300, %mul3A_314 : vector<16xf32>
        %mul3A_316 = arith.mulf %get3A_305, %get3A_313 : vector<16xf32>
        %add3A_317 = arith.addf %mul3A_301, %mul3A_316 : vector<16xf32>
        %get3A_318 = arith.index_cast %add3A_286 : i32 to index
        %get3A_319 = arith.constant 32 : index
        %get3A_320 = tpu.vector_load %arg12[%get3A_318, %get3A_319] {strides = array<i32>} : memref<128x64xf32, #tpu.memory_space<vmem>>, vector<1x16xf32>,
        %get3A_321 = vector.shape_cast %get3A_320 : vector<1x16xf32> to vector<16xf32>
        %get3A_322 = arith.index_cast %add3A_286 : i32 to index
        %get3A_323 = arith.constant 32 : index
        %get3A_324 = tpu.vector_load %arg13[%get3A_322, %get3A_323] {strides = array<i32>} : memref<128x64xf32, #tpu.memory_space<vmem>>, vector<1x16xf32>,
        %get3A_325 = vector.shape_cast %get3A_324 : vector<1x16xf32> to vector<16xf32>
        %get3A_326 = arith.index_cast %add3A_286 : i32 to index
        %get3A_327 = arith.constant 32 : index
        %get3A_328 = tpu.vector_load %arg14[%get3A_326, %get3A_327] {strides = array<i32>} : memref<128x64xf32, #tpu.memory_space<vmem>>, vector<1x16xf32>,
        %get3A_329 = vector.shape_cast %get3A_328 : vector<1x16xf32> to vector<16xf32>
        %mul3A_330 = arith.mulf %get3A_321, %get3A_325 : vector<16xf32>
        %add3A_331 = arith.addf %add3A_315, %mul3A_330 : vector<16xf32>
        %mul3A_332 = arith.mulf %get3A_321, %get3A_329 : vector<16xf32>
        %add3A_333 = arith.addf %add3A_317, %mul3A_332 : vector<16xf32>
        %get3A_334 = arith.index_cast %add3A_286 : i32 to index
        %get3A_335 = arith.constant 48 : index
        %get3A_336 = tpu.vector_load %arg12[%get3A_334, %get3A_335] {strides = array<i32>} : memref<128x64xf32, #tpu.memory_space<vmem>>, vector<1x16xf32>,
        %get3A_337 = vector.shape_cast %get3A_336 : vector<1x16xf32> to vector<16xf32>
        %get3A_338 = arith.index_cast %add3A_286 : i32 to index
        %get3A_339 = arith.constant 48 : index
        %get3A_340 = tpu.vector_load %arg13[%get3A_338, %get3A_339] {strides = array<i32>} : memref<128x64xf32, #tpu.memory_space<vmem>>, vector<1x16xf32>,
        %get3A_341 = vector.shape_cast %get3A_340 : vector<1x16xf32> to vector<16xf32>
        %get3A_342 = arith.index_cast %add3A_286 : i32 to index
        %get3A_343 = arith.constant 48 : index
        %get3A_344 = tpu.vector_load %arg14[%get3A_342, %get3A_343] {strides = array<i32>} : memref<128x64xf32, #tpu.memory_space<vmem>>, vector<1x16xf32>,
        %get3A_345 = vector.shape_cast %get3A_344 : vector<1x16xf32> to vector<16xf32>
        %mul3A_346 = arith.mulf %get3A_337, %get3A_341 : vector<16xf32>
        %add3A_347 = arith.addf %add3A_331, %mul3A_346 : vector<16xf32>
        %mul3A_348 = arith.mulf %get3A_337, %get3A_345 : vector<16xf32>
        %add3A_349 = arith.addf %add3A_333, %mul3A_348 : vector<16xf32>
        %jit3A_350 = arith.constant 8 : i32
        %div3A_351 = arith.divsi %mul3A_65, %jit3A_350 : i32
        %sign3A_352 = arith.constant 0 : i32
        %sign3A_353 = arith.cmpi sgt, %mul3A_65, %sign3A_352 : i32
        %sign3A_354 = arith.extui %sign3A_353 : i1 to i32
        %sign3A_355 = arith.constant 0 : i32
        %sign3A_356 = arith.cmpi slt, %mul3A_65, %sign3A_355 : i32
        %sign3A_357 = arith.extui %sign3A_356 : i1 to i32
        %sign3A_358 = arith.subi %sign3A_354, %sign3A_357 : i32
        %sign3A_359 = arith.constant 0 : i32
        %sign3A_360 = arith.cmpi sgt, %jit3A_350, %sign3A_359 : i32
        %sign3A_361 = arith.extui %sign3A_360 : i1 to i32
        %sign3A_362 = arith.constant 0 : i32
        %sign3A_363 = arith.cmpi slt, %jit3A_350, %sign3A_362 : i32
        %sign3A_364 = arith.extui %sign3A_363 : i1 to i32
        %sign3A_365 = arith.subi %sign3A_361, %sign3A_364 : i32
        %ne3A_366 = arith.cmpi ne, %sign3A_358, %sign3A_365 : i32
        %rem3A_367 = arith.remsi %mul3A_65, %jit3A_350 : i32
        %ne3A_368 = arith.constant 0 : i32
        %ne3A_369 = arith.cmpi ne, %rem3A_367, %ne3A_368 : i32
        %and3A_370 = arith.andi %ne3A_366, %ne3A_369 : i1
        %sub3A_371 = arith.constant 1 : i32
        %sub3A_372 = arith.subi %div3A_351, %sub3A_371 : i32
        %select_n3A_373 = arith.select %and3A_370, %sub3A_372, %div3A_351 : i32
        %add3A_374 = arith.addi %select_n3A_373, %scan3A_96 : i32
        %swap3A_375 = arith.index_cast %add3A_374 : i32 to index
        %swap3A_376 = arith.constant 32 : index
        %swap3A_377 = tpu.vector_load %arg15[%swap3A_375, %swap3A_376] {strides = array<i32>} : memref<64x128xf32, #tpu.memory_space<vmem>>, vector<1x16xf32>,
        %swap3A_378 = vector.shape_cast %swap3A_377 : vector<1x16xf32> to vector<16xf32>
        %swap3A_379 = vector.shape_cast %add3A_349 : vector<16xf32> to vector<1x16xf32>
        tpu.vector_store %arg15[%swap3A_375, %swap3A_376], %swap3A_379 {strides = array<i32>} : memref<64x128xf32, #tpu.memory_space<vmem>>, vector<1x16xf32>,
        %mul3A_380 = arith.constant 8 : i32
        %mul3A_381 = arith.muli %scan3A_96, %mul3A_380 : i32
        %add3A_382 = arith.constant 3 : i32
        %add3A_383 = arith.addi %mul3A_381, %add3A_382 : i32
        %get3A_384 = arith.index_cast %add3A_383 : i32 to index
        %get3A_385 = arith.constant 0 : index
        %get3A_386 = tpu.vector_load %arg12[%get3A_384, %get3A_385] {strides = array<i32>} : memref<128x64xf32, #tpu.memory_space<vmem>>, vector<1x16xf32>,
        %get3A_387 = vector.shape_cast %get3A_386 : vector<1x16xf32> to vector<16xf32>
        %get3A_388 = arith.index_cast %add3A_383 : i32 to index
        %get3A_389 = arith.constant 0 : index
        %get3A_390 = tpu.vector_load %arg13[%get3A_388, %get3A_389] {strides = array<i32>} : memref<128x64xf32, #tpu.memory_space<vmem>>, vector<1x16xf32>,
        %get3A_391 = vector.shape_cast %get3A_390 : vector<1x16xf32> to vector<16xf32>
        %get3A_392 = arith.index_cast %add3A_383 : i32 to index
        %get3A_393 = arith.constant 0 : index
        %get3A_394 = tpu.vector_load %arg14[%get3A_392, %get3A_393] {strides = array<i32>} : memref<128x64xf32, #tpu.memory_space<vmem>>, vector<1x16xf32>,
        %get3A_395 = vector.shape_cast %get3A_394 : vector<1x16xf32> to vector<16xf32>
        %mul3A_396 = arith.mulf %get3A_387, %get3A_391 : vector<16xf32>
        %add3A_397 = arith.addf %add3A_347, %mul3A_396 : vector<16xf32>
        %mul3A_398 = arith.mulf %get3A_387, %get3A_395 : vector<16xf32>
        %get3A_399 = arith.index_cast %add3A_383 : i32 to index
        %get3A_400 = arith.constant 16 : index
        %get3A_401 = tpu.vector_load %arg12[%get3A_399, %get3A_400] {strides = array<i32>} : memref<128x64xf32, #tpu.memory_space<vmem>>, vector<1x16xf32>,
        %get3A_402 = vector.shape_cast %get3A_401 : vector<1x16xf32> to vector<16xf32>
        %get3A_403 = arith.index_cast %add3A_383 : i32 to index
        %get3A_404 = arith.constant 16 : index
        %get3A_405 = tpu.vector_load %arg13[%get3A_403, %get3A_404] {strides = array<i32>} : memref<128x64xf32, #tpu.memory_space<vmem>>, vector<1x16xf32>,
        %get3A_406 = vector.shape_cast %get3A_405 : vector<1x16xf32> to vector<16xf32>
        %get3A_407 = arith.index_cast %add3A_383 : i32 to index
        %get3A_408 = arith.constant 16 : index
        %get3A_409 = tpu.vector_load %arg14[%get3A_407, %get3A_408] {strides = array<i32>} : memref<128x64xf32, #tpu.memory_space<vmem>>, vector<1x16xf32>,
        %get3A_410 = vector.shape_cast %get3A_409 : vector<1x16xf32> to vector<16xf32>
        %mul3A_411 = arith.mulf %get3A_402, %get3A_406 : vector<16xf32>
        %add3A_412 = arith.addf %add3A_397, %mul3A_411 : vector<16xf32>
        %mul3A_413 = arith.mulf %get3A_402, %get3A_410 : vector<16xf32>
        %add3A_414 = arith.addf %mul3A_398, %mul3A_413 : vector<16xf32>
        %get3A_415 = arith.index_cast %add3A_383 : i32 to index
        %get3A_416 = arith.constant 32 : index
        %get3A_417 = tpu.vector_load %arg12[%get3A_415, %get3A_416] {strides = array<i32>} : memref<128x64xf32, #tpu.memory_space<vmem>>, vector<1x16xf32>,
        %get3A_418 = vector.shape_cast %get3A_417 : vector<1x16xf32> to vector<16xf32>
        %get3A_419 = arith.index_cast %add3A_383 : i32 to index
        %get3A_420 = arith.constant 32 : index
        %get3A_421 = tpu.vector_load %arg13[%get3A_419, %get3A_420] {strides = array<i32>} : memref<128x64xf32, #tpu.memory_space<vmem>>, vector<1x16xf32>,
        %get3A_422 = vector.shape_cast %get3A_421 : vector<1x16xf32> to vector<16xf32>
        %get3A_423 = arith.index_cast %add3A_383 : i32 to index
        %get3A_424 = arith.constant 32 : index
        %get3A_425 = tpu.vector_load %arg14[%get3A_423, %get3A_424] {strides = array<i32>} : memref<128x64xf32, #tpu.memory_space<vmem>>, vector<1x16xf32>,
        %get3A_426 = vector.shape_cast %get3A_425 : vector<1x16xf32> to vector<16xf32>
        %mul3A_427 = arith.mulf %get3A_418, %get3A_422 : vector<16xf32>
        %add3A_428 = arith.addf %add3A_412, %mul3A_427 : vector<16xf32>
        %mul3A_429 = arith.mulf %get3A_418, %get3A_426 : vector<16xf32>
        %add3A_430 = arith.addf %add3A_414, %mul3A_429 : vector<16xf32>
        %get3A_431 = arith.index_cast %add3A_383 : i32 to index
        %get3A_432 = arith.constant 48 : index
        %get3A_433 = tpu.vector_load %arg12[%get3A_431, %get3A_432] {strides = array<i32>} : memref<128x64xf32, #tpu.memory_space<vmem>>, vector<1x16xf32>,
        %get3A_434 = vector.shape_cast %get3A_433 : vector<1x16xf32> to vector<16xf32>
        %get3A_435 = arith.index_cast %add3A_383 : i32 to index
        %get3A_436 = arith.constant 48 : index
        %get3A_437 = tpu.vector_load %arg13[%get3A_435, %get3A_436] {strides = array<i32>} : memref<128x64xf32, #tpu.memory_space<vmem>>, vector<1x16xf32>,
        %get3A_438 = vector.shape_cast %get3A_437 : vector<1x16xf32> to vector<16xf32>
        %get3A_439 = arith.index_cast %add3A_383 : i32 to index
        %get3A_440 = arith.constant 48 : index
        %get3A_441 = tpu.vector_load %arg14[%get3A_439, %get3A_440] {strides = array<i32>} : memref<128x64xf32, #tpu.memory_space<vmem>>, vector<1x16xf32>,
        %get3A_442 = vector.shape_cast %get3A_441 : vector<1x16xf32> to vector<16xf32>
        %mul3A_443 = arith.mulf %get3A_434, %get3A_438 : vector<16xf32>
        %add3A_444 = arith.addf %add3A_428, %mul3A_443 : vector<16xf32>
        %mul3A_445 = arith.mulf %get3A_434, %get3A_442 : vector<16xf32>
        %add3A_446 = arith.addf %add3A_430, %mul3A_445 : vector<16xf32>
        %jit3A_447 = arith.constant 8 : i32
        %div3A_448 = arith.divsi %mul3A_65, %jit3A_447 : i32
        %sign3A_449 = arith.constant 0 : i32
        %sign3A_450 = arith.cmpi sgt, %mul3A_65, %sign3A_449 : i32
        %sign3A_451 = arith.extui %sign3A_450 : i1 to i32
        %sign3A_452 = arith.constant 0 : i32
        %sign3A_453 = arith.cmpi slt, %mul3A_65, %sign3A_452 : i32
        %sign3A_454 = arith.extui %sign3A_453 : i1 to i32
        %sign3A_455 = arith.subi %sign3A_451, %sign3A_454 : i32
        %sign3A_456 = arith.constant 0 : i32
        %sign3A_457 = arith.cmpi sgt, %jit3A_447, %sign3A_456 : i32
        %sign3A_458 = arith.extui %sign3A_457 : i1 to i32
        %sign3A_459 = arith.constant 0 : i32
        %sign3A_460 = arith.cmpi slt, %jit3A_447, %sign3A_459 : i32
        %sign3A_461 = arith.extui %sign3A_460 : i1 to i32
        %sign3A_462 = arith.subi %sign3A_458, %sign3A_461 : i32
        %ne3A_463 = arith.cmpi ne, %sign3A_455, %sign3A_462 : i32
        %rem3A_464 = arith.remsi %mul3A_65, %jit3A_447 : i32
        %ne3A_465 = arith.constant 0 : i32
        %ne3A_466 = arith.cmpi ne, %rem3A_464, %ne3A_465 : i32
        %and3A_467 = arith.andi %ne3A_463, %ne3A_466 : i1
        %sub3A_468 = arith.constant 1 : i32
        %sub3A_469 = arith.subi %div3A_448, %sub3A_468 : i32
        %select_n3A_470 = arith.select %and3A_467, %sub3A_469, %div3A_448 : i32
        %add3A_471 = arith.addi %select_n3A_470, %scan3A_96 : i32
        %swap3A_472 = arith.index_cast %add3A_471 : i32 to index
        %swap3A_473 = arith.constant 48 : index
        %swap3A_474 = tpu.vector_load %arg15[%swap3A_472, %swap3A_473] {strides = array<i32>} : memref<64x128xf32, #tpu.memory_space<vmem>>, vector<1x16xf32>,
        %swap3A_475 = vector.shape_cast %swap3A_474 : vector<1x16xf32> to vector<16xf32>
        %swap3A_476 = vector.shape_cast %add3A_446 : vector<16xf32> to vector<1x16xf32>
        tpu.vector_store %arg15[%swap3A_472, %swap3A_473], %swap3A_476 {strides = array<i32>} : memref<64x128xf32, #tpu.memory_space<vmem>>, vector<1x16xf32>,
        %mul3A_477 = arith.constant 8 : i32
        %mul3A_478 = arith.muli %scan3A_96, %mul3A_477 : i32
        %add3A_479 = arith.constant 4 : i32
        %add3A_480 = arith.addi %mul3A_478, %add3A_479 : i32
        %get3A_481 = arith.index_cast %add3A_480 : i32 to index
        %get3A_482 = arith.constant 0 : index
        %get3A_483 = tpu.vector_load %arg12[%get3A_481, %get3A_482] {strides = array<i32>} : memref<128x64xf32, #tpu.memory_space<vmem>>, vector<1x16xf32>,
        %get3A_484 = vector.shape_cast %get3A_483 : vector<1x16xf32> to vector<16xf32>
        %get3A_485 = arith.index_cast %add3A_480 : i32 to index
        %get3A_486 = arith.constant 0 : index
        %get3A_487 = tpu.vector_load %arg13[%get3A_485, %get3A_486] {strides = array<i32>} : memref<128x64xf32, #tpu.memory_space<vmem>>, vector<1x16xf32>,
        %get3A_488 = vector.shape_cast %get3A_487 : vector<1x16xf32> to vector<16xf32>
        %get3A_489 = arith.index_cast %add3A_480 : i32 to index
        %get3A_490 = arith.constant 0 : index
        %get3A_491 = tpu.vector_load %arg14[%get3A_489, %get3A_490] {strides = array<i32>} : memref<128x64xf32, #tpu.memory_space<vmem>>, vector<1x16xf32>,
        %get3A_492 = vector.shape_cast %get3A_491 : vector<1x16xf32> to vector<16xf32>
        %mul3A_493 = arith.mulf %get3A_484, %get3A_488 : vector<16xf32>
        %add3A_494 = arith.addf %add3A_444, %mul3A_493 : vector<16xf32>
        %mul3A_495 = arith.mulf %get3A_484, %get3A_492 : vector<16xf32>
        %get3A_496 = arith.index_cast %add3A_480 : i32 to index
        %get3A_497 = arith.constant 16 : index
        %get3A_498 = tpu.vector_load %arg12[%get3A_496, %get3A_497] {strides = array<i32>} : memref<128x64xf32, #tpu.memory_space<vmem>>, vector<1x16xf32>,
        %get3A_499 = vector.shape_cast %get3A_498 : vector<1x16xf32> to vector<16xf32>
        %get3A_500 = arith.index_cast %add3A_480 : i32 to index
        %get3A_501 = arith.constant 16 : index
        %get3A_502 = tpu.vector_load %arg13[%get3A_500, %get3A_501] {strides = array<i32>} : memref<128x64xf32, #tpu.memory_space<vmem>>, vector<1x16xf32>,
        %get3A_503 = vector.shape_cast %get3A_502 : vector<1x16xf32> to vector<16xf32>
        %get3A_504 = arith.index_cast %add3A_480 : i32 to index
        %get3A_505 = arith.constant 16 : index
        %get3A_506 = tpu.vector_load %arg14[%get3A_504, %get3A_505] {strides = array<i32>} : memref<128x64xf32, #tpu.memory_space<vmem>>, vector<1x16xf32>,
        %get3A_507 = vector.shape_cast %get3A_506 : vector<1x16xf32> to vector<16xf32>
        %mul3A_508 = arith.mulf %get3A_499, %get3A_503 : vector<16xf32>
        %add3A_509 = arith.addf %add3A_494, %mul3A_508 : vector<16xf32>
        %mul3A_510 = arith.mulf %get3A_499, %get3A_507 : vector<16xf32>
        %add3A_511 = arith.addf %mul3A_495, %mul3A_510 : vector<16xf32>
        %get3A_512 = arith.index_cast %add3A_480 : i32 to index
        %get3A_513 = arith.constant 32 : index
        %get3A_514 = tpu.vector_load %arg12[%get3A_512, %get3A_513] {strides = array<i32>} : memref<128x64xf32, #tpu.memory_space<vmem>>, vector<1x16xf32>,
        %get3A_515 = vector.shape_cast %get3A_514 : vector<1x16xf32> to vector<16xf32>
        %get3A_516 = arith.index_cast %add3A_480 : i32 to index
        %get3A_517 = arith.constant 32 : index
        %get3A_518 = tpu.vector_load %arg13[%get3A_516, %get3A_517] {strides = array<i32>} : memref<128x64xf32, #tpu.memory_space<vmem>>, vector<1x16xf32>,
        %get3A_519 = vector.shape_cast %get3A_518 : vector<1x16xf32> to vector<16xf32>
        %get3A_520 = arith.index_cast %add3A_480 : i32 to index
        %get3A_521 = arith.constant 32 : index
        %get3A_522 = tpu.vector_load %arg14[%get3A_520, %get3A_521] {strides = array<i32>} : memref<128x64xf32, #tpu.memory_space<vmem>>, vector<1x16xf32>,
        %get3A_523 = vector.shape_cast %get3A_522 : vector<1x16xf32> to vector<16xf32>
        %mul3A_524 = arith.mulf %get3A_515, %get3A_519 : vector<16xf32>
        %add3A_525 = arith.addf %add3A_509, %mul3A_524 : vector<16xf32>
        %mul3A_526 = arith.mulf %get3A_515, %get3A_523 : vector<16xf32>
        %add3A_527 = arith.addf %add3A_511, %mul3A_526 : vector<16xf32>
        %get3A_528 = arith.index_cast %add3A_480 : i32 to index
        %get3A_529 = arith.constant 48 : index
        %get3A_530 = tpu.vector_load %arg12[%get3A_528, %get3A_529] {strides = array<i32>} : memref<128x64xf32, #tpu.memory_space<vmem>>, vector<1x16xf32>,
        %get3A_531 = vector.shape_cast %get3A_530 : vector<1x16xf32> to vector<16xf32>
        %get3A_532 = arith.index_cast %add3A_480 : i32 to index
        %get3A_533 = arith.constant 48 : index
        %get3A_534 = tpu.vector_load %arg13[%get3A_532, %get3A_533] {strides = array<i32>} : memref<128x64xf32, #tpu.memory_space<vmem>>, vector<1x16xf32>,
        %get3A_535 = vector.shape_cast %get3A_534 : vector<1x16xf32> to vector<16xf32>
        %get3A_536 = arith.index_cast %add3A_480 : i32 to index
        %get3A_537 = arith.constant 48 : index
        %get3A_538 = tpu.vector_load %arg14[%get3A_536, %get3A_537] {strides = array<i32>} : memref<128x64xf32, #tpu.memory_space<vmem>>, vector<1x16xf32>,
        %get3A_539 = vector.shape_cast %get3A_538 : vector<1x16xf32> to vector<16xf32>
        %mul3A_540 = arith.mulf %get3A_531, %get3A_535 : vector<16xf32>
        %add3A_541 = arith.addf %add3A_525, %mul3A_540 : vector<16xf32>
        %mul3A_542 = arith.mulf %get3A_531, %get3A_539 : vector<16xf32>
        %add3A_543 = arith.addf %add3A_527, %mul3A_542 : vector<16xf32>
        %jit3A_544 = arith.constant 8 : i32
        %div3A_545 = arith.divsi %mul3A_65, %jit3A_544 : i32
        %sign3A_546 = arith.constant 0 : i32
        %sign3A_547 = arith.cmpi sgt, %mul3A_65, %sign3A_546 : i32
        %sign3A_548 = arith.extui %sign3A_547 : i1 to i32
        %sign3A_549 = arith.constant 0 : i32
        %sign3A_550 = arith.cmpi slt, %mul3A_65, %sign3A_549 : i32
        %sign3A_551 = arith.extui %sign3A_550 : i1 to i32
        %sign3A_552 = arith.subi %sign3A_548, %sign3A_551 : i32
        %sign3A_553 = arith.constant 0 : i32
        %sign3A_554 = arith.cmpi sgt, %jit3A_544, %sign3A_553 : i32
        %sign3A_555 = arith.extui %sign3A_554 : i1 to i32
        %sign3A_556 = arith.constant 0 : i32
        %sign3A_557 = arith.cmpi slt, %jit3A_544, %sign3A_556 : i32
        %sign3A_558 = arith.extui %sign3A_557 : i1 to i32
        %sign3A_559 = arith.subi %sign3A_555, %sign3A_558 : i32
        %ne3A_560 = arith.cmpi ne, %sign3A_552, %sign3A_559 : i32
        %rem3A_561 = arith.remsi %mul3A_65, %jit3A_544 : i32
        %ne3A_562 = arith.constant 0 : i32
        %ne3A_563 = arith.cmpi ne, %rem3A_561, %ne3A_562 : i32
        %and3A_564 = arith.andi %ne3A_560, %ne3A_563 : i1
        %sub3A_565 = arith.constant 1 : i32
        %sub3A_566 = arith.subi %div3A_545, %sub3A_565 : i32
        %select_n3A_567 = arith.select %and3A_564, %sub3A_566, %div3A_545 : i32
        %add3A_568 = arith.addi %select_n3A_567, %scan3A_96 : i32
        %swap3A_569 = arith.index_cast %add3A_568 : i32 to index
        %swap3A_570 = arith.constant 64 : index
        %swap3A_571 = tpu.vector_load %arg15[%swap3A_569, %swap3A_570] {strides = array<i32>} : memref<64x128xf32, #tpu.memory_space<vmem>>, vector<1x16xf32>,
        %swap3A_572 = vector.shape_cast %swap3A_571 : vector<1x16xf32> to vector<16xf32>
        %swap3A_573 = vector.shape_cast %add3A_543 : vector<16xf32> to vector<1x16xf32>
        tpu.vector_store %arg15[%swap3A_569, %swap3A_570], %swap3A_573 {strides = array<i32>} : memref<64x128xf32, #tpu.memory_space<vmem>>, vector<1x16xf32>,
        %mul3A_574 = arith.constant 8 : i32
        %mul3A_575 = arith.muli %scan3A_96, %mul3A_574 : i32
        %add3A_576 = arith.constant 5 : i32
        %add3A_577 = arith.addi %mul3A_575, %add3A_576 : i32
        %get3A_578 = arith.index_cast %add3A_577 : i32 to index
        %get3A_579 = arith.constant 0 : index
        %get3A_580 = tpu.vector_load %arg12[%get3A_578, %get3A_579] {strides = array<i32>} : memref<128x64xf32, #tpu.memory_space<vmem>>, vector<1x16xf32>,
        %get3A_581 = vector.shape_cast %get3A_580 : vector<1x16xf32> to vector<16xf32>
        %get3A_582 = arith.index_cast %add3A_577 : i32 to index
        %get3A_583 = arith.constant 0 : index
        %get3A_584 = tpu.vector_load %arg13[%get3A_582, %get3A_583] {strides = array<i32>} : memref<128x64xf32, #tpu.memory_space<vmem>>, vector<1x16xf32>,
        %get3A_585 = vector.shape_cast %get3A_584 : vector<1x16xf32> to vector<16xf32>
        %get3A_586 = arith.index_cast %add3A_577 : i32 to index
        %get3A_587 = arith.constant 0 : index
        %get3A_588 = tpu.vector_load %arg14[%get3A_586, %get3A_587] {strides = array<i32>} : memref<128x64xf32, #tpu.memory_space<vmem>>, vector<1x16xf32>,
        %get3A_589 = vector.shape_cast %get3A_588 : vector<1x16xf32> to vector<16xf32>
        %mul3A_590 = arith.mulf %get3A_581, %get3A_585 : vector<16xf32>
        %add3A_591 = arith.addf %add3A_541, %mul3A_590 : vector<16xf32>
        %mul3A_592 = arith.mulf %get3A_581, %get3A_589 : vector<16xf32>
        %get3A_593 = arith.index_cast %add3A_577 : i32 to index
        %get3A_594 = arith.constant 16 : index
        %get3A_595 = tpu.vector_load %arg12[%get3A_593, %get3A_594] {strides = array<i32>} : memref<128x64xf32, #tpu.memory_space<vmem>>, vector<1x16xf32>,
        %get3A_596 = vector.shape_cast %get3A_595 : vector<1x16xf32> to vector<16xf32>
        %get3A_597 = arith.index_cast %add3A_577 : i32 to index
        %get3A_598 = arith.constant 16 : index
        %get3A_599 = tpu.vector_load %arg13[%get3A_597, %get3A_598] {strides = array<i32>} : memref<128x64xf32, #tpu.memory_space<vmem>>, vector<1x16xf32>,
        %get3A_600 = vector.shape_cast %get3A_599 : vector<1x16xf32> to vector<16xf32>
        %get3A_601 = arith.index_cast %add3A_577 : i32 to index
        %get3A_602 = arith.constant 16 : index
        %get3A_603 = tpu.vector_load %arg14[%get3A_601, %get3A_602] {strides = array<i32>} : memref<128x64xf32, #tpu.memory_space<vmem>>, vector<1x16xf32>,
        %get3A_604 = vector.shape_cast %get3A_603 : vector<1x16xf32> to vector<16xf32>
        %mul3A_605 = arith.mulf %get3A_596, %get3A_600 : vector<16xf32>
        %add3A_606 = arith.addf %add3A_591, %mul3A_605 : vector<16xf32>
        %mul3A_607 = arith.mulf %get3A_596, %get3A_604 : vector<16xf32>
        %add3A_608 = arith.addf %mul3A_592, %mul3A_607 : vector<16xf32>
        %get3A_609 = arith.index_cast %add3A_577 : i32 to index
        %get3A_610 = arith.constant 32 : index
        %get3A_611 = tpu.vector_load %arg12[%get3A_609, %get3A_610] {strides = array<i32>} : memref<128x64xf32, #tpu.memory_space<vmem>>, vector<1x16xf32>,
        %get3A_612 = vector.shape_cast %get3A_611 : vector<1x16xf32> to vector<16xf32>
        %get3A_613 = arith.index_cast %add3A_577 : i32 to index
        %get3A_614 = arith.constant 32 : index
        %get3A_615 = tpu.vector_load %arg13[%get3A_613, %get3A_614] {strides = array<i32>} : memref<128x64xf32, #tpu.memory_space<vmem>>, vector<1x16xf32>,
        %get3A_616 = vector.shape_cast %get3A_615 : vector<1x16xf32> to vector<16xf32>
        %get3A_617 = arith.index_cast %add3A_577 : i32 to index
        %get3A_618 = arith.constant 32 : index
        %get3A_619 = tpu.vector_load %arg14[%get3A_617, %get3A_618] {strides = array<i32>} : memref<128x64xf32, #tpu.memory_space<vmem>>, vector<1x16xf32>,
        %get3A_620 = vector.shape_cast %get3A_619 : vector<1x16xf32> to vector<16xf32>
        %mul3A_621 = arith.mulf %get3A_612, %get3A_616 : vector<16xf32>
        %add3A_622 = arith.addf %add3A_606, %mul3A_621 : vector<16xf32>
        %mul3A_623 = arith.mulf %get3A_612, %get3A_620 : vector<16xf32>
        %add3A_624 = arith.addf %add3A_608, %mul3A_623 : vector<16xf32>
        %get3A_625 = arith.index_cast %add3A_577 : i32 to index
        %get3A_626 = arith.constant 48 : index
        %get3A_627 = tpu.vector_load %arg12[%get3A_625, %get3A_626] {strides = array<i32>} : memref<128x64xf32, #tpu.memory_space<vmem>>, vector<1x16xf32>,
        %get3A_628 = vector.shape_cast %get3A_627 : vector<1x16xf32> to vector<16xf32>
        %get3A_629 = arith.index_cast %add3A_577 : i32 to index
        %get3A_630 = arith.constant 48 : index
        %get3A_631 = tpu.vector_load %arg13[%get3A_629, %get3A_630] {strides = array<i32>} : memref<128x64xf32, #tpu.memory_space<vmem>>, vector<1x16xf32>,
        %get3A_632 = vector.shape_cast %get3A_631 : vector<1x16xf32> to vector<16xf32>
        %get3A_633 = arith.index_cast %add3A_577 : i32 to index
        %get3A_634 = arith.constant 48 : index
        %get3A_635 = tpu.vector_load %arg14[%get3A_633, %get3A_634] {strides = array<i32>} : memref<128x64xf32, #tpu.memory_space<vmem>>, vector<1x16xf32>,
        %get3A_636 = vector.shape_cast %get3A_635 : vector<1x16xf32> to vector<16xf32>
        %mul3A_637 = arith.mulf %get3A_628, %get3A_632 : vector<16xf32>
        %add3A_638 = arith.addf %add3A_622, %mul3A_637 : vector<16xf32>
        %mul3A_639 = arith.mulf %get3A_628, %get3A_636 : vector<16xf32>
        %add3A_640 = arith.addf %add3A_624, %mul3A_639 : vector<16xf32>
        %jit3A_641 = arith.constant 8 : i32
        %div3A_642 = arith.divsi %mul3A_65, %jit3A_641 : i32
        %sign3A_643 = arith.constant 0 : i32
        %sign3A_644 = arith.cmpi sgt, %mul3A_65, %sign3A_643 : i32
        %sign3A_645 = arith.extui %sign3A_644 : i1 to i32
        %sign3A_646 = arith.constant 0 : i32
        %sign3A_647 = arith.cmpi slt, %mul3A_65, %sign3A_646 : i32
        %sign3A_648 = arith.extui %sign3A_647 : i1 to i32
        %sign3A_649 = arith.subi %sign3A_645, %sign3A_648 : i32
        %sign3A_650 = arith.constant 0 : i32
        %sign3A_651 = arith.cmpi sgt, %jit3A_641, %sign3A_650 : i32
        %sign3A_652 = arith.extui %sign3A_651 : i1 to i32
        %sign3A_653 = arith.constant 0 : i32
        %sign3A_654 = arith.cmpi slt, %jit3A_641, %sign3A_653 : i32
        %sign3A_655 = arith.extui %sign3A_654 : i1 to i32
        %sign3A_656 = arith.subi %sign3A_652, %sign3A_655 : i32
        %ne3A_657 = arith.cmpi ne, %sign3A_649, %sign3A_656 : i32
        %rem3A_658 = arith.remsi %mul3A_65, %jit3A_641 : i32
        %ne3A_659 = arith.constant 0 : i32
        %ne3A_660 = arith.cmpi ne, %rem3A_658, %ne3A_659 : i32
        %and3A_661 = arith.andi %ne3A_657, %ne3A_660 : i1
        %sub3A_662 = arith.constant 1 : i32
        %sub3A_663 = arith.subi %div3A_642, %sub3A_662 : i32
        %select_n3A_664 = arith.select %and3A_661, %sub3A_663, %div3A_642 : i32
        %add3A_665 = arith.addi %select_n3A_664, %scan3A_96 : i32
        %swap3A_666 = arith.index_cast %add3A_665 : i32 to index
        %swap3A_667 = arith.constant 80 : index
        %swap3A_668 = tpu.vector_load %arg15[%swap3A_666, %swap3A_667] {strides = array<i32>} : memref<64x128xf32, #tpu.memory_space<vmem>>, vector<1x16xf32>,
        %swap3A_669 = vector.shape_cast %swap3A_668 : vector<1x16xf32> to vector<16xf32>
        %swap3A_670 = vector.shape_cast %add3A_640 : vector<16xf32> to vector<1x16xf32>
        tpu.vector_store %arg15[%swap3A_666, %swap3A_667], %swap3A_670 {strides = array<i32>} : memref<64x128xf32, #tpu.memory_space<vmem>>, vector<1x16xf32>,
        %mul3A_671 = arith.constant 8 : i32
        %mul3A_672 = arith.muli %scan3A_96, %mul3A_671 : i32
        %add3A_673 = arith.constant 6 : i32
        %add3A_674 = arith.addi %mul3A_672, %add3A_673 : i32
        %get3A_675 = arith.index_cast %add3A_674 : i32 to index
        %get3A_676 = arith.constant 0 : index
        %get3A_677 = tpu.vector_load %arg12[%get3A_675, %get3A_676] {strides = array<i32>} : memref<128x64xf32, #tpu.memory_space<vmem>>, vector<1x16xf32>,
        %get3A_678 = vector.shape_cast %get3A_677 : vector<1x16xf32> to vector<16xf32>
        %get3A_679 = arith.index_cast %add3A_674 : i32 to index
        %get3A_680 = arith.constant 0 : index
        %get3A_681 = tpu.vector_load %arg13[%get3A_679, %get3A_680] {strides = array<i32>} : memref<128x64xf32, #tpu.memory_space<vmem>>, vector<1x16xf32>,
        %get3A_682 = vector.shape_cast %get3A_681 : vector<1x16xf32> to vector<16xf32>
        %get3A_683 = arith.index_cast %add3A_674 : i32 to index
        %get3A_684 = arith.constant 0 : index
        %get3A_685 = tpu.vector_load %arg14[%get3A_683, %get3A_684] {strides = array<i32>} : memref<128x64xf32, #tpu.memory_space<vmem>>, vector<1x16xf32>,
        %get3A_686 = vector.shape_cast %get3A_685 : vector<1x16xf32> to vector<16xf32>
        %mul3A_687 = arith.mulf %get3A_678, %get3A_682 : vector<16xf32>
        %add3A_688 = arith.addf %add3A_638, %mul3A_687 : vector<16xf32>
        %mul3A_689 = arith.mulf %get3A_678, %get3A_686 : vector<16xf32>
        %get3A_690 = arith.index_cast %add3A_674 : i32 to index
        %get3A_691 = arith.constant 16 : index
        %get3A_692 = tpu.vector_load %arg12[%get3A_690, %get3A_691] {strides = array<i32>} : memref<128x64xf32, #tpu.memory_space<vmem>>, vector<1x16xf32>,
        %get3A_693 = vector.shape_cast %get3A_692 : vector<1x16xf32> to vector<16xf32>
        %get3A_694 = arith.index_cast %add3A_674 : i32 to index
        %get3A_695 = arith.constant 16 : index
        %get3A_696 = tpu.vector_load %arg13[%get3A_694, %get3A_695] {strides = array<i32>} : memref<128x64xf32, #tpu.memory_space<vmem>>, vector<1x16xf32>,
        %get3A_697 = vector.shape_cast %get3A_696 : vector<1x16xf32> to vector<16xf32>
        %get3A_698 = arith.index_cast %add3A_674 : i32 to index
        %get3A_699 = arith.constant 16 : index
        %get3A_700 = tpu.vector_load %arg14[%get3A_698, %get3A_699] {strides = array<i32>} : memref<128x64xf32, #tpu.memory_space<vmem>>, vector<1x16xf32>,
        %get3A_701 = vector.shape_cast %get3A_700 : vector<1x16xf32> to vector<16xf32>
        %mul3A_702 = arith.mulf %get3A_693, %get3A_697 : vector<16xf32>
        %add3A_703 = arith.addf %add3A_688, %mul3A_702 : vector<16xf32>
        %mul3A_704 = arith.mulf %get3A_693, %get3A_701 : vector<16xf32>
        %add3A_705 = arith.addf %mul3A_689, %mul3A_704 : vector<16xf32>
        %get3A_706 = arith.index_cast %add3A_674 : i32 to index
        %get3A_707 = arith.constant 32 : index
        %get3A_708 = tpu.vector_load %arg12[%get3A_706, %get3A_707] {strides = array<i32>} : memref<128x64xf32, #tpu.memory_space<vmem>>, vector<1x16xf32>,
        %get3A_709 = vector.shape_cast %get3A_708 : vector<1x16xf32> to vector<16xf32>
        %get3A_710 = arith.index_cast %add3A_674 : i32 to index
        %get3A_711 = arith.constant 32 : index
        %get3A_712 = tpu.vector_load %arg13[%get3A_710, %get3A_711] {strides = array<i32>} : memref<128x64xf32, #tpu.memory_space<vmem>>, vector<1x16xf32>,
        %get3A_713 = vector.shape_cast %get3A_712 : vector<1x16xf32> to vector<16xf32>
        %get3A_714 = arith.index_cast %add3A_674 : i32 to index
        %get3A_715 = arith.constant 32 : index
        %get3A_716 = tpu.vector_load %arg14[%get3A_714, %get3A_715] {strides = array<i32>} : memref<128x64xf32, #tpu.memory_space<vmem>>, vector<1x16xf32>,
        %get3A_717 = vector.shape_cast %get3A_716 : vector<1x16xf32> to vector<16xf32>
        %mul3A_718 = arith.mulf %get3A_709, %get3A_713 : vector<16xf32>
        %add3A_719 = arith.addf %add3A_703, %mul3A_718 : vector<16xf32>
        %mul3A_720 = arith.mulf %get3A_709, %get3A_717 : vector<16xf32>
        %add3A_721 = arith.addf %add3A_705, %mul3A_720 : vector<16xf32>
        %get3A_722 = arith.index_cast %add3A_674 : i32 to index
        %get3A_723 = arith.constant 48 : index
        %get3A_724 = tpu.vector_load %arg12[%get3A_722, %get3A_723] {strides = array<i32>} : memref<128x64xf32, #tpu.memory_space<vmem>>, vector<1x16xf32>,
        %get3A_725 = vector.shape_cast %get3A_724 : vector<1x16xf32> to vector<16xf32>
        %get3A_726 = arith.index_cast %add3A_674 : i32 to index
        %get3A_727 = arith.constant 48 : index
        %get3A_728 = tpu.vector_load %arg13[%get3A_726, %get3A_727] {strides = array<i32>} : memref<128x64xf32, #tpu.memory_space<vmem>>, vector<1x16xf32>,
        %get3A_729 = vector.shape_cast %get3A_728 : vector<1x16xf32> to vector<16xf32>
        %get3A_730 = arith.index_cast %add3A_674 : i32 to index
        %get3A_731 = arith.constant 48 : index
        %get3A_732 = tpu.vector_load %arg14[%get3A_730, %get3A_731] {strides = array<i32>} : memref<128x64xf32, #tpu.memory_space<vmem>>, vector<1x16xf32>,
        %get3A_733 = vector.shape_cast %get3A_732 : vector<1x16xf32> to vector<16xf32>
        %mul3A_734 = arith.mulf %get3A_725, %get3A_729 : vector<16xf32>
        %add3A_735 = arith.addf %add3A_719, %mul3A_734 : vector<16xf32>
        %mul3A_736 = arith.mulf %get3A_725, %get3A_733 : vector<16xf32>
        %add3A_737 = arith.addf %add3A_721, %mul3A_736 : vector<16xf32>
        %jit3A_738 = arith.constant 8 : i32
        %div3A_739 = arith.divsi %mul3A_65, %jit3A_738 : i32
        %sign3A_740 = arith.constant 0 : i32
        %sign3A_741 = arith.cmpi sgt, %mul3A_65, %sign3A_740 : i32
        %sign3A_742 = arith.extui %sign3A_741 : i1 to i32
        %sign3A_743 = arith.constant 0 : i32
        %sign3A_744 = arith.cmpi slt, %mul3A_65, %sign3A_743 : i32
        %sign3A_745 = arith.extui %sign3A_744 : i1 to i32
        %sign3A_746 = arith.subi %sign3A_742, %sign3A_745 : i32
        %sign3A_747 = arith.constant 0 : i32
        %sign3A_748 = arith.cmpi sgt, %jit3A_738, %sign3A_747 : i32
        %sign3A_749 = arith.extui %sign3A_748 : i1 to i32
        %sign3A_750 = arith.constant 0 : i32
        %sign3A_751 = arith.cmpi slt, %jit3A_738, %sign3A_750 : i32
        %sign3A_752 = arith.extui %sign3A_751 : i1 to i32
        %sign3A_753 = arith.subi %sign3A_749, %sign3A_752 : i32
        %ne3A_754 = arith.cmpi ne, %sign3A_746, %sign3A_753 : i32
        %rem3A_755 = arith.remsi %mul3A_65, %jit3A_738 : i32
        %ne3A_756 = arith.constant 0 : i32
        %ne3A_757 = arith.cmpi ne, %rem3A_755, %ne3A_756 : i32
        %and3A_758 = arith.andi %ne3A_754, %ne3A_757 : i1
        %sub3A_759 = arith.constant 1 : i32
        %sub3A_760 = arith.subi %div3A_739, %sub3A_759 : i32
        %select_n3A_761 = arith.select %and3A_758, %sub3A_760, %div3A_739 : i32
        %add3A_762 = arith.addi %select_n3A_761, %scan3A_96 : i32
        %swap3A_763 = arith.index_cast %add3A_762 : i32 to index
        %swap3A_764 = arith.constant 96 : index
        %swap3A_765 = tpu.vector_load %arg15[%swap3A_763, %swap3A_764] {strides = array<i32>} : memref<64x128xf32, #tpu.memory_space<vmem>>, vector<1x16xf32>,
        %swap3A_766 = vector.shape_cast %swap3A_765 : vector<1x16xf32> to vector<16xf32>
        %swap3A_767 = vector.shape_cast %add3A_737 : vector<16xf32> to vector<1x16xf32>
        tpu.vector_store %arg15[%swap3A_763, %swap3A_764], %swap3A_767 {strides = array<i32>} : memref<64x128xf32, #tpu.memory_space<vmem>>, vector<1x16xf32>,
        %mul3A_768 = arith.constant 8 : i32
        %mul3A_769 = arith.muli %scan3A_96, %mul3A_768 : i32
        %add3A_770 = arith.constant 7 : i32
        %add3A_771 = arith.addi %mul3A_769, %add3A_770 : i32
        %get3A_772 = arith.index_cast %add3A_771 : i32 to index
        %get3A_773 = arith.constant 0 : index
        %get3A_774 = tpu.vector_load %arg12[%get3A_772, %get3A_773] {strides = array<i32>} : memref<128x64xf32, #tpu.memory_space<vmem>>, vector<1x16xf32>,
        %get3A_775 = vector.shape_cast %get3A_774 : vector<1x16xf32> to vector<16xf32>
        %get3A_776 = arith.index_cast %add3A_771 : i32 to index
        %get3A_777 = arith.constant 0 : index
        %get3A_778 = tpu.vector_load %arg13[%get3A_776, %get3A_777] {strides = array<i32>} : memref<128x64xf32, #tpu.memory_space<vmem>>, vector<1x16xf32>,
        %get3A_779 = vector.shape_cast %get3A_778 : vector<1x16xf32> to vector<16xf32>
        %get3A_780 = arith.index_cast %add3A_771 : i32 to index
        %get3A_781 = arith.constant 0 : index
        %get3A_782 = tpu.vector_load %arg14[%get3A_780, %get3A_781] {strides = array<i32>} : memref<128x64xf32, #tpu.memory_space<vmem>>, vector<1x16xf32>,
        %get3A_783 = vector.shape_cast %get3A_782 : vector<1x16xf32> to vector<16xf32>
        %mul3A_784 = arith.mulf %get3A_775, %get3A_779 : vector<16xf32>
        %add3A_785 = arith.addf %add3A_735, %mul3A_784 : vector<16xf32>
        %mul3A_786 = arith.mulf %get3A_775, %get3A_783 : vector<16xf32>
        %get3A_787 = arith.index_cast %add3A_771 : i32 to index
        %get3A_788 = arith.constant 16 : index
        %get3A_789 = tpu.vector_load %arg12[%get3A_787, %get3A_788] {strides = array<i32>} : memref<128x64xf32, #tpu.memory_space<vmem>>, vector<1x16xf32>,
        %get3A_790 = vector.shape_cast %get3A_789 : vector<1x16xf32> to vector<16xf32>
        %get3A_791 = arith.index_cast %add3A_771 : i32 to index
        %get3A_792 = arith.constant 16 : index
        %get3A_793 = tpu.vector_load %arg13[%get3A_791, %get3A_792] {strides = array<i32>} : memref<128x64xf32, #tpu.memory_space<vmem>>, vector<1x16xf32>,
        %get3A_794 = vector.shape_cast %get3A_793 : vector<1x16xf32> to vector<16xf32>
        %get3A_795 = arith.index_cast %add3A_771 : i32 to index
        %get3A_796 = arith.constant 16 : index
        %get3A_797 = tpu.vector_load %arg14[%get3A_795, %get3A_796] {strides = array<i32>} : memref<128x64xf32, #tpu.memory_space<vmem>>, vector<1x16xf32>,
        %get3A_798 = vector.shape_cast %get3A_797 : vector<1x16xf32> to vector<16xf32>
        %mul3A_799 = arith.mulf %get3A_790, %get3A_794 : vector<16xf32>
        %add3A_800 = arith.addf %add3A_785, %mul3A_799 : vector<16xf32>
        %mul3A_801 = arith.mulf %get3A_790, %get3A_798 : vector<16xf32>
        %add3A_802 = arith.addf %mul3A_786, %mul3A_801 : vector<16xf32>
        %get3A_803 = arith.index_cast %add3A_771 : i32 to index
        %get3A_804 = arith.constant 32 : index
        %get3A_805 = tpu.vector_load %arg12[%get3A_803, %get3A_804] {strides = array<i32>} : memref<128x64xf32, #tpu.memory_space<vmem>>, vector<1x16xf32>,
        %get3A_806 = vector.shape_cast %get3A_805 : vector<1x16xf32> to vector<16xf32>
        %get3A_807 = arith.index_cast %add3A_771 : i32 to index
        %get3A_808 = arith.constant 32 : index
        %get3A_809 = tpu.vector_load %arg13[%get3A_807, %get3A_808] {strides = array<i32>} : memref<128x64xf32, #tpu.memory_space<vmem>>, vector<1x16xf32>,
        %get3A_810 = vector.shape_cast %get3A_809 : vector<1x16xf32> to vector<16xf32>
        %get3A_811 = arith.index_cast %add3A_771 : i32 to index
        %get3A_812 = arith.constant 32 : index
        %get3A_813 = tpu.vector_load %arg14[%get3A_811, %get3A_812] {strides = array<i32>} : memref<128x64xf32, #tpu.memory_space<vmem>>, vector<1x16xf32>,
        %get3A_814 = vector.shape_cast %get3A_813 : vector<1x16xf32> to vector<16xf32>
        %mul3A_815 = arith.mulf %get3A_806, %get3A_810 : vector<16xf32>
        %add3A_816 = arith.addf %add3A_800, %mul3A_815 : vector<16xf32>
        %mul3A_817 = arith.mulf %get3A_806, %get3A_814 : vector<16xf32>
        %add3A_818 = arith.addf %add3A_802, %mul3A_817 : vector<16xf32>
        %get3A_819 = arith.index_cast %add3A_771 : i32 to index
        %get3A_820 = arith.constant 48 : index
        %get3A_821 = tpu.vector_load %arg12[%get3A_819, %get3A_820] {strides = array<i32>} : memref<128x64xf32, #tpu.memory_space<vmem>>, vector<1x16xf32>,
        %get3A_822 = vector.shape_cast %get3A_821 : vector<1x16xf32> to vector<16xf32>
        %get3A_823 = arith.index_cast %add3A_771 : i32 to index
        %get3A_824 = arith.constant 48 : index
        %get3A_825 = tpu.vector_load %arg13[%get3A_823, %get3A_824] {strides = array<i32>} : memref<128x64xf32, #tpu.memory_space<vmem>>, vector<1x16xf32>,
        %get3A_826 = vector.shape_cast %get3A_825 : vector<1x16xf32> to vector<16xf32>
        %get3A_827 = arith.index_cast %add3A_771 : i32 to index
        %get3A_828 = arith.constant 48 : index
        %get3A_829 = tpu.vector_load %arg14[%get3A_827, %get3A_828] {strides = array<i32>} : memref<128x64xf32, #tpu.memory_space<vmem>>, vector<1x16xf32>,
        %get3A_830 = vector.shape_cast %get3A_829 : vector<1x16xf32> to vector<16xf32>
        %mul3A_831 = arith.mulf %get3A_822, %get3A_826 : vector<16xf32>
        %add3A_832 = arith.addf %add3A_816, %mul3A_831 : vector<16xf32>
        %mul3A_833 = arith.mulf %get3A_822, %get3A_830 : vector<16xf32>
        %add3A_834 = arith.addf %add3A_818, %mul3A_833 : vector<16xf32>
        %jit3A_835 = arith.constant 8 : i32
        %div3A_836 = arith.divsi %mul3A_65, %jit3A_835 : i32
        %sign3A_837 = arith.constant 0 : i32
        %sign3A_838 = arith.cmpi sgt, %mul3A_65, %sign3A_837 : i32
        %sign3A_839 = arith.extui %sign3A_838 : i1 to i32
        %sign3A_840 = arith.constant 0 : i32
        %sign3A_841 = arith.cmpi slt, %mul3A_65, %sign3A_840 : i32
        %sign3A_842 = arith.extui %sign3A_841 : i1 to i32
        %sign3A_843 = arith.subi %sign3A_839, %sign3A_842 : i32
        %sign3A_844 = arith.constant 0 : i32
        %sign3A_845 = arith.cmpi sgt, %jit3A_835, %sign3A_844 : i32
        %sign3A_846 = arith.extui %sign3A_845 : i1 to i32
        %sign3A_847 = arith.constant 0 : i32
        %sign3A_848 = arith.cmpi slt, %jit3A_835, %sign3A_847 : i32
        %sign3A_849 = arith.extui %sign3A_848 : i1 to i32
        %sign3A_850 = arith.subi %sign3A_846, %sign3A_849 : i32
        %ne3A_851 = arith.cmpi ne, %sign3A_843, %sign3A_850 : i32
        %rem3A_852 = arith.remsi %mul3A_65, %jit3A_835 : i32
        %ne3A_853 = arith.constant 0 : i32
        %ne3A_854 = arith.cmpi ne, %rem3A_852, %ne3A_853 : i32
        %and3A_855 = arith.andi %ne3A_851, %ne3A_854 : i1
        %sub3A_856 = arith.constant 1 : i32
        %sub3A_857 = arith.subi %div3A_836, %sub3A_856 : i32
        %select_n3A_858 = arith.select %and3A_855, %sub3A_857, %div3A_836 : i32
        %add3A_859 = arith.addi %select_n3A_858, %scan3A_96 : i32
        %swap3A_860 = arith.index_cast %add3A_859 : i32 to index
        %swap3A_861 = arith.constant 112 : index
        %swap3A_862 = tpu.vector_load %arg15[%swap3A_860, %swap3A_861] {strides = array<i32>} : memref<64x128xf32, #tpu.memory_space<vmem>>, vector<1x16xf32>,
        %swap3A_863 = vector.shape_cast %swap3A_862 : vector<1x16xf32> to vector<16xf32>
        %swap3A_864 = vector.shape_cast %add3A_834 : vector<16xf32> to vector<1x16xf32>
        tpu.vector_store %arg15[%swap3A_860, %swap3A_861], %swap3A_864 {strides = array<i32>} : memref<64x128xf32, #tpu.memory_space<vmem>>, vector<1x16xf32>,
        scf.yield %add3A_832 : vector<16xf32>
      }
      %scan3A_95 = arith.constant 16 : i32
      scf.yield %scan3A_94 : vector<16xf32>
    }
    %scan3A_53 = arith.constant 4 : i32
    %swap3A_54 = arith.constant 0 : i32
    %swap3A_55 = arith.index_cast %swap3A_54 : i32 to index
    %swap3A_56 = arith.constant 0 : index
    %swap3A_57 = tpu.vector_load %arg16[%swap3A_55, %swap3A_56] {strides = array<i32>} : memref<1x128xf32, #tpu.memory_space<vmem>>, vector<1x16xf32>,
    %swap3A_58 = vector.shape_cast %swap3A_57 : vector<1x16xf32> to vector<16xf32>
    %swap3A_59 = vector.shape_cast %scan3A_52 : vector<16xf32> to vector<1x16xf32>
    tpu.vector_store %arg16[%swap3A_55, %swap3A_56], %swap3A_59 {strides = array<i32>} : memref<1x128xf32, #tpu.memory_space<vmem>>, vector<1x16xf32>,
    %mul3A_60 = arith.constant 64 : i32
    %mul3A_61 = arith.muli %add3A, %mul3A_60 : i32
    "tpu.region"() ({
      %run_scoped3A = tpu.sem_alloc : memref<!tpu.dma_semaphore, #tpu.memory_space<semaphore_mem>>
      %dma_start3A = arith.constant 0 : i32
      %dma_start3A_62 = tpu.memref_slice %arg7[%mul3A_61, %dma_start3A] : memref<2048x128xf32, #tpu.memory_space<hbm>> -> memref<64x128xf32, #tpu.memory_space<hbm>>
      %dma_start3A_63 = arith.constant 0 : i32
      %dma_start3A_64 = tpu.memref_slice %arg7[%mul3A_61, %dma_start3A_63] : memref<2048x128xf32, #tpu.memory_space<hbm>> -> memref<64x128xf32, #tpu.memory_space<hbm>>
      tpu.enqueue_dma source(%arg15 : memref<64x128xf32, #tpu.memory_space<vmem>>) target(%dma_start3A_64 : memref<64x128xf32, #tpu.memory_space<hbm>>) target_semaphore(%run_scoped3A : memref<!tpu.dma_semaphore, #tpu.memory_space<semaphore_mem>>)
      %dma_wait3A = arith.constant 0 : i32
      %dma_wait3A_65 = tpu.memref_slice %arg7[%mul3A_61, %dma_wait3A] : memref<2048x128xf32, #tpu.memory_space<hbm>> -> memref<64x128xf32, #tpu.memory_space<hbm>>
      %dma_wait3A_66 = arith.constant 0 : i32
      %dma_wait3A_67 = tpu.memref_slice %arg7[%mul3A_61, %dma_wait3A_66] : memref<2048x128xf32, #tpu.memory_space<hbm>> -> memref<64x128xf32, #tpu.memory_space<hbm>>
      tpu.wait_dma2 semaphore(%run_scoped3A : memref<!tpu.dma_semaphore, #tpu.memory_space<semaphore_mem>>) src(%arg15 : memref<64x128xf32, #tpu.memory_space<vmem>>) dst(%dma_wait3A_67 : memref<64x128xf32, #tpu.memory_space<hbm>>)
      tpu.yield
    }) : () -> ()
    "tpu.region"() ({
      %run_scoped3A = tpu.sem_alloc : memref<!tpu.dma_semaphore, #tpu.memory_space<semaphore_mem>>
      %dma_start3A = arith.constant 0 : i32
      %dma_start3A_62 = tpu.memref_slice %arg8[%add3A, %dma_start3A] : memref<32x128xf32, #tpu.memory_space<hbm>> -> memref<1x128xf32, #tpu.memory_space<hbm>>
      %dma_start3A_63 = arith.constant 0 : i32
      %dma_start3A_64 = tpu.memref_slice %arg8[%add3A, %dma_start3A_63] : memref<32x128xf32, #tpu.memory_space<hbm>> -> memref<1x128xf32, #tpu.memory_space<hbm>>
      tpu.enqueue_dma source(%arg16 : memref<1x128xf32, #tpu.memory_space<vmem>>) target(%dma_start3A_64 : memref<1x128xf32, #tpu.memory_space<hbm>>) target_semaphore(%run_scoped3A : memref<!tpu.dma_semaphore, #tpu.memory_space<semaphore_mem>>)
      %dma_wait3A = arith.constant 0 : i32
      %dma_wait3A_65 = tpu.memref_slice %arg8[%add3A, %dma_wait3A] : memref<32x128xf32, #tpu.memory_space<hbm>> -> memref<1x128xf32, #tpu.memory_space<hbm>>
      %dma_wait3A_66 = arith.constant 0 : i32
      %dma_wait3A_67 = tpu.memref_slice %arg8[%add3A, %dma_wait3A_66] : memref<32x128xf32, #tpu.memory_space<hbm>> -> memref<1x128xf32, #tpu.memory_space<hbm>>
      tpu.wait_dma2 semaphore(%run_scoped3A : memref<!tpu.dma_semaphore, #tpu.memory_space<semaphore_mem>>) src(%arg16 : memref<1x128xf32, #tpu.memory_space<vmem>>) dst(%dma_wait3A_67 : memref<1x128xf32, #tpu.memory_space<hbm>>)
      tpu.yield
    }) : () -> ()
    return
  }
}

module attributes {stable_mosaic.version = 14 : i64} {
  func.func @_tc_body(%arg0: memref<2048x128xf32, #tpu.memory_space<vmem>>, %arg1: memref<32x128xf32, #tpu.memory_space<vmem>>, %arg2: memref<1x1xf32, #tpu.memory_space<smem>>) attributes {dimension_semantics = [], scalar_prefetch = 0 : i64, scratch_operands = 0 : i64, tpu.core_type = #tpu.core_type<tc>} {
    %get3A = arith.constant 0 : index
    %get3A_0 = arith.constant 0 : index
    %get3A_1 = vector.load %arg1[%get3A, %get3A_0] : memref<32x128xf32, #tpu.memory_space<vmem>>, vector<32x128xf32>
    %reduce_sum3A = vector.shape_cast %get3A_1 : vector<32x128xf32> to vector<1x32x128xf32>
    %reduce_sum3A_2 = arith.constant dense<0.000000e+00> : vector<1xf32>
    %reduce_sum3A_3 = vector.multi_reduction <add>, %reduce_sum3A, %reduce_sum3A_2 [1, 2] : vector<1x32x128xf32> to vector<1xf32>
    %reduce_sum3A_4 = vector.shape_cast %reduce_sum3A_3 : vector<1xf32> to vector<1x1x1xf32>
    %reduce_sum3A_5 = vector.extract %reduce_sum3A_4[0, 0, 0] : f32 from vector<1x1x1xf32>
    %neg3A = arith.constant 0.000000e+00 : f32
    %neg3A_6 = arith.subf %neg3A, %reduce_sum3A_5 : f32
    %custom_jvp_call3A = arith.constant 0.000000e+00 : f32
    %max3A = arith.maximumf %neg3A_6, %custom_jvp_call3A : f32
    %sub3A = arith.subf %neg3A_6, %custom_jvp_call3A : f32
    %ne3A = arith.cmpf one, %sub3A, %sub3A : f32
    %add3A = arith.addf %neg3A_6, %custom_jvp_call3A : f32
    %abs3A = math.absf %sub3A : f32
    %neg3A_7 = arith.constant 0.000000e+00 : f32
    %neg3A_8 = arith.subf %neg3A_7, %abs3A : f32
    %exp3A = math.exp %neg3A_8 : f32
    %log1p3A = math.log1p %exp3A : f32
    %add3A_9 = arith.addf %max3A, %log1p3A : f32
    %select_n3A = arith.select %ne3A, %add3A, %add3A_9 : f32
    %neg3A_10 = arith.constant 0.000000e+00 : f32
    %neg3A_11 = arith.subf %neg3A_10, %select_n3A : f32
    %iota3A = tpu.iota {dimensions = array<i32: 0>} : vector<128x8xi32>
    %iota3A_12 = tpu.iota {dimensions = array<i32: 1>} : vector<128x8xi32>
    %jit3A = arith.constant 16 : i32
    %div3A = vector.broadcast %jit3A : i32 to vector<128x8xi32>
    %div3A_13 = arith.divsi %iota3A, %div3A : vector<128x8xi32>
    %sign3A = arith.constant 0 : i32
    %sign3A_14 = vector.broadcast %sign3A : i32 to vector<128x8xi32>
    %sign3A_15 = arith.cmpi sgt, %iota3A, %sign3A_14 : vector<128x8xi32>
    %sign3A_16 = arith.extui %sign3A_15 : vector<128x8xi1> to vector<128x8xi32>
    %sign3A_17 = arith.constant 0 : i32
    %sign3A_18 = vector.broadcast %sign3A_17 : i32 to vector<128x8xi32>
    %sign3A_19 = arith.cmpi slt, %iota3A, %sign3A_18 : vector<128x8xi32>
    %sign3A_20 = arith.extui %sign3A_19 : vector<128x8xi1> to vector<128x8xi32>
    %sign3A_21 = arith.subi %sign3A_16, %sign3A_20 : vector<128x8xi32>
    %sign3A_22 = arith.constant 0 : i32
    %sign3A_23 = arith.cmpi sgt, %jit3A, %sign3A_22 : i32
    %sign3A_24 = arith.extui %sign3A_23 : i1 to i32
    %sign3A_25 = arith.constant 0 : i32
    %sign3A_26 = arith.cmpi slt, %jit3A, %sign3A_25 : i32
    %sign3A_27 = arith.extui %sign3A_26 : i1 to i32
    %sign3A_28 = arith.subi %sign3A_24, %sign3A_27 : i32
    %ne3A_29 = vector.broadcast %sign3A_28 : i32 to vector<128x8xi32>
    %ne3A_30 = arith.cmpi ne, %sign3A_21, %ne3A_29 : vector<128x8xi32>
    %rem3A = vector.broadcast %jit3A : i32 to vector<128x8xi32>
    %rem3A_31 = arith.remsi %iota3A, %rem3A : vector<128x8xi32>
    %ne3A_32 = arith.constant 0 : i32
    %ne3A_33 = vector.broadcast %ne3A_32 : i32 to vector<128x8xi32>
    %ne3A_34 = arith.cmpi ne, %rem3A_31, %ne3A_33 : vector<128x8xi32>
    %and3A = arith.andi %ne3A_30, %ne3A_34 : vector<128x8xi1>
    %sub3A_35 = arith.constant 1 : i32
    %sub3A_36 = vector.broadcast %sub3A_35 : i32 to vector<128x8xi32>
    %sub3A_37 = arith.subi %div3A_13, %sub3A_36 : vector<128x8xi32>
    %select_n3A_38 = arith.select %and3A, %sub3A_37, %div3A_13 : vector<128x8xi1>, vector<128x8xi32>
    %eq3A = arith.cmpi eq, %select_n3A_38, %iota3A_12 : vector<128x8xi32>
    %jit3A_39 = arith.constant 1.000000e+00 : f32
    %jit3A_40 = arith.constant 0.000000e+00 : f32
    %broadcast_in_dim3A = vector.broadcast %jit3A_39 : f32 to vector<128x8xf32>
    %broadcast_in_dim3A_41 = vector.broadcast %jit3A_40 : f32 to vector<128x8xf32>
    %select_n3A_42 = arith.select %eq3A, %broadcast_in_dim3A, %broadcast_in_dim3A_41 : vector<128x8xi1>, vector<128x8xf32>
    %get3A_43 = arith.constant 0 : index
    %get3A_44 = arith.constant 0 : index
    %get3A_45 = vector.load %arg0[%get3A_43, %get3A_44] : memref<2048x128xf32, #tpu.memory_space<vmem>>, vector<2048x128xf32>
    %dot_general3A = arith.constant dense<0.000000e+00> : vector<2048x8xf32>
    %dot_general3A_46 = tpu.matmul %get3A_45, %select_n3A_42, %dot_general3A {dimension_numbers = #tpu.dot_dimension_numbers<[1], [0], [0], [1], [0, 0, 1, 1], [], []>, transpose_lhs_hint = false} : vector<2048x128xf32>, vector<128x8xf32>, vector<2048x8xf32> -> vector<2048x8xf32>
    %neg3A_47 = arith.constant 0.000000e+00 : f32
    %neg3A_48 = vector.broadcast %neg3A_47 : f32 to vector<2048x8xf32>
    %neg3A_49 = arith.subf %neg3A_48, %dot_general3A_46 : vector<2048x8xf32>
    %neg3A_50 = arith.constant 0.000000e+00 : f32
    %neg3A_51 = vector.broadcast %neg3A_50 : f32 to vector<2048x8xf32>
    %neg3A_52 = arith.subf %neg3A_51, %neg3A_49 : vector<2048x8xf32>
    %custom_jvp_call3A_53 = arith.constant 0.000000e+00 : f32
    %max3A_54 = vector.broadcast %custom_jvp_call3A_53 : f32 to vector<2048x8xf32>
    %max3A_55 = arith.maximumf %neg3A_52, %max3A_54 : vector<2048x8xf32>
    %sub3A_56 = vector.broadcast %custom_jvp_call3A_53 : f32 to vector<2048x8xf32>
    %sub3A_57 = arith.subf %neg3A_52, %sub3A_56 : vector<2048x8xf32>
    %ne3A_58 = arith.cmpf one, %sub3A_57, %sub3A_57 : vector<2048x8xf32>
    %add3A_59 = vector.broadcast %custom_jvp_call3A_53 : f32 to vector<2048x8xf32>
    %add3A_60 = arith.addf %neg3A_52, %add3A_59 : vector<2048x8xf32>
    %abs3A_61 = math.absf %sub3A_57 : vector<2048x8xf32>
    %neg3A_62 = arith.constant 0.000000e+00 : f32
    %neg3A_63 = vector.broadcast %neg3A_62 : f32 to vector<2048x8xf32>
    %neg3A_64 = arith.subf %neg3A_63, %abs3A_61 : vector<2048x8xf32>
    %exp3A_65 = math.exp %neg3A_64 : vector<2048x8xf32>
    %log1p3A_66 = math.log1p %exp3A_65 : vector<2048x8xf32>
    %add3A_67 = arith.addf %max3A_55, %log1p3A_66 : vector<2048x8xf32>
    %select_n3A_68 = arith.select %ne3A_58, %add3A_60, %add3A_67 : vector<2048x8xi1>, vector<2048x8xf32>
    %neg3A_69 = arith.constant 0.000000e+00 : f32
    %neg3A_70 = vector.broadcast %neg3A_69 : f32 to vector<2048x8xf32>
    %neg3A_71 = arith.subf %neg3A_70, %select_n3A_68 : vector<2048x8xf32>
    %reduce_sum3A_72 = vector.shape_cast %neg3A_71 : vector<2048x8xf32> to vector<1x2048x8xf32>
    %reduce_sum3A_73 = arith.constant dense<0.000000e+00> : vector<1xf32>
    %reduce_sum3A_74 = vector.multi_reduction <add>, %reduce_sum3A_72, %reduce_sum3A_73 [1, 2] : vector<1x2048x8xf32> to vector<1xf32>
    %reduce_sum3A_75 = vector.shape_cast %reduce_sum3A_74 : vector<1xf32> to vector<1x1x1xf32>
    %reduce_sum3A_76 = vector.extract %reduce_sum3A_75[0, 0, 0] : f32 from vector<1x1x1xf32>
    %add3A_77 = arith.addf %neg3A_11, %reduce_sum3A_76 : f32
    %neg3A_78 = arith.constant 0.000000e+00 : f32
    %neg3A_79 = arith.subf %neg3A_78, %add3A_77 : f32
    %swap3A = arith.constant 0 : index
    %swap3A_80 = arith.constant 0 : index
    %swap3A_81 = memref.load %arg2[%swap3A, %swap3A_80] : memref<1x1xf32, #tpu.memory_space<smem>>
    memref.store %neg3A_79, %arg2[%swap3A, %swap3A_80] : memref<1x1xf32, #tpu.memory_space<smem>>
    return
  }
}

</mosaic_0001>

<sc_bundles>
// kernel: kernel.4.cloned.1.call-start
scs
__scs_entry_jumppad:
0x0: {  	(pc) =	sbr.rel $0x88, $3  }
0x1: {  	(tag) =	ssettag $0x0;
	lr =	simm.s32 $0x1  }
0x2: {  	[smem:$0x3F9C] =	sst lr;
	_ =	strace $0xD0000000  }
0x3: {  	_ = 	snop  }
0x4: {  	_ = 	snop  }
0x5: {  	_ = 	snop  }
0x6: {  	_ = 	snop  }
0x7: {  	_ = 	snop  }
__scs_overlays_trampoline_lowered:
0x8: {  	[smem:$0x3FAB] =	sst s0  }
0x9: {  	[smem:$0x3FAC] =	sst s1  }
0xa: {  	[smem:$0x3FAD] =	sst s2  }
0xb: {  	[smem:$0x3FAE] =	sst s3  }
0xc: {  	[smem:$0x3FAF] =	sst s4  }
0xd: {  	[smem:$0x3FB0] =	sst s5  }
0xe: {  	[smem:$0x3FB1] =	sst s6  }
0xf: {  	[smem:$0x3FB2] =	sst s7  }
0x10: {  	[smem:$0x3FB3] =	sst s8  }
0x11: {  	[smem:$0x3FB4] =	sst s9;
	s0 =	simm.s32 @!p0 $0x0  }
0x12: {  	s1 =	sld [smem:$0x3F9A];
	s0 =	simm.s32 @p0 $0x1  }
0x13: {  	[smem:$0x3FB5] =	sst s0;
	s0 =	simm.s32 @!p1 $0x0  }
0x14: {  	s2 =	sld [smem:$0x3F99];
	s0 =	simm.s32 @p1 $0x1  }
0x15: {  	[smem:$0x3FB6] =	sst s0;
	s0 =	simm.s32 @!p2 $0x0  }
0x16: {  	s3 =	sld [smem:$0x3FDB];
	s0 =	simm.s32 @p2 $0x1  }
0x17: {  	s4 =	simm.s32 $0x1BF5;
	[smem:$0x3FB8] =	sst s0  }
0x18: {  	s0 =	sld [smem:$0x3F9B];
	_ =	swait.ge [sflag:s4], $0x0  }
0x19: {  	s7 =	sld [smem:$0x3F9C]  }
0x1a: {  	s8 =	sadd.s32 $0xFFFFE003, lr  }
0x1b: {  	s9 =	sadd.s32 $0xFFFFFEF7, lr;
	s5 =	simm.s32 $0xFFFFFFFF;
	p2 =	slt.u32 s8, $0xFFFFF086  }
0x1c: {  	p1 =	slt.u32 s9, $0xF7A;
	s5 =	simm.s32 @!p2 $0x0  }
0x1d: {  	s5 =	simm.s32 @p1 $0x1;
	p0 =	seq.s32 s7, s2  }
0x1e: {  	s7 =	smul.u32 @!p0 $0xF7A, s2;
	p2 =	seq.s32 @!p0 s5, $0x0  }
0x1f: {  	s9 =	smul.u32 $0xF7A, s1;
	s8 =	simm.s32 @!p0 $0x1BF5;
	p2 =	por !p2, p0  }
0x20: {  	[sflag:s8] =	ssyncset.s32 @!p0 $0xFFFFF086;
	s6 =	sadd.s32 @!p0 s3, s7;
	s7 =	simm.s32 @!p0 $0x108  }
0x21: {  	s3 =	sadd.s32 s3, s9;
	s6 =	sadd.s32 @!p0 $0x88, s6;
	s7 =	simm.s32 @p2 $0x1082  }
0x22: {  	[simem:s7], [sflag:s8] =	dma.local @!p0 [hbm:s6], $0xF7A  }
0x23: {  	s9 =	sor.u32 $0xD0000000, s2;
	s6 =	simm.s32 $0x108;
	_ =	swait.ge @!p0 [sflag:s8], $0x0  }
0x24: {  	s3 =	sadd.s32 $0x88, s3;
	s6 =	simm.s32 @!p1 $0x1082;
	[sflag:s4] =	ssyncset.s32 $0xFFFFF086  }
0x25: {  	[simem:s6], [sflag:s4] =	dma.local [hbm:s3], $0xF7A  }
0x26: {  	[smem:$0x3F9C] =	sst s1;
	(tag) =	ssettag s2;
	_ =	strace s9  }
0x27: {  	s1 =	sld [smem:$0x3FAC]  }
0x28: {  	s2 =	sld [smem:$0x3FAD]  }
0x29: {  	s4 =	sld [smem:$0x3FAF]  }
0x2a: {  	p0 =	seq.s32 s5, $0x0;
	s5 =	sld [smem:$0x3FB0]  }
0x2b: {  	s6 =	sld [smem:$0x3FB1]  }
0x2c: {  	s7 =	sld [smem:$0x3FB2]  }
0x2d: {  	s3 =	simm.s32 $0x108;
	s8 =	sld [smem:$0x3FB3]  }
0x2e: {  	s3 =	simm.s32 @!p0 $0x1082;
	s9 =	sld [smem:$0x3FB4]  }
0x2f: {  	lr =	sadd.s32 s0, s3;
	s0 =	sld [smem:$0x3FAB]  }
0x30: {  	s3 =	sld [smem:$0x3FAE]  }
0x31: {  	[smem:$0x3FB7] =	sst s10  }
0x32: {  	s10 =	sld [smem:$0x3FB5];
	_ =	sdelay $0x3  }
0x33: {  	p0 =	seq.s32 s10, $0x1;
	s10 =	sld [smem:$0x3FB7];
	_ =	sdelay $0x3  }
0x34: {  	[smem:$0x3FB7] =	sst s10  }
0x35: {  	s10 =	sld [smem:$0x3FB6];
	_ =	sdelay $0x3  }
0x36: {  	p1 =	seq.s32 s10, $0x1;
	s10 =	sld [smem:$0x3FB7];
	_ =	sdelay $0x3  }
0x37: {  	[smem:$0x3FB7] =	sst s10  }
0x38: {  	s10 =	sld [smem:$0x3FB8]  }
0x39: {  	_ = 	snop;
	(pc) =	sbr.ind lr, $3  }
0x3a: {  	_ = 	snop  }
0x3b: {  	_ = 	snop  }
0x3c: {  	p2 =	seq.s32 s10, $0x1;
	s10 =	sld [smem:$0x3FB7]  }
0x3d: {  	_ =	shalt  }
0x3e: {  	_ =	shalt  }
0x3f: {  	_ =	shalt  }
0x40: {  	_ =	shalt  }
0x41: {  	_ =	shalt  }
0x42: {  	_ =	shalt  }
0x43: {  	_ =	shalt  }
0x44: {  	_ =	shalt  }
0x45: {  	_ =	shalt  }
0x46: {  	_ =	shalt  }
0x47: {  	_ =	shalt  }
0x48: {  	_ =	shalt  }
0x49: {  	_ =	shalt  }
0x4a: {  	_ =	shalt  }
0x4b: {  	_ =	shalt  }
0x4c: {  	_ =	shalt  }
0x4d: {  	_ =	shalt  }
0x4e: {  	_ =	shalt  }
0x4f: {  	_ =	shalt  }
0x50: {  	_ =	shalt  }
0x51: {  	_ =	shalt  }
0x52: {  	_ =	shalt  }
0x53: {  	_ =	shalt  }
0x54: {  	_ =	shalt  }
0x55: {  	_ =	shalt  }
0x56: {  	_ =	shalt  }
0x57: {  	_ =	shalt  }
0x58: {  	_ =	shalt  }
0x59: {  	_ =	shalt  }
0x5a: {  	_ =	shalt  }
0x5b: {  	_ =	shalt  }
0x5c: {  	_ =	shalt  }
0x5d: {  	_ =	shalt  }
0x5e: {  	_ =	shalt  }
0x5f: {  	_ =	shalt  }
0x60: {  	_ =	shalt  }
0x61: {  	_ =	shalt  }
0x62: {  	_ =	shalt  }
0x63: {  	_ =	shalt  }
0x64: {  	_ =	shalt  }
0x65: {  	_ =	shalt  }
0x66: {  	_ =	shalt  }
0x67: {  	_ =	shalt  }
0x68: {  	_ =	shalt  }
0x69: {  	_ =	shalt  }
0x6a: {  	_ =	shalt  }
0x6b: {  	_ =	shalt  }
0x6c: {  	_ =	shalt  }
0x6d: {  	_ =	shalt  }
0x6e: {  	_ =	shalt  }
0x6f: {  	_ =	shalt  }
0x70: {  	_ =	shalt  }
0x71: {  	_ =	shalt  }
0x72: {  	_ =	shalt  }
0x73: {  	_ =	shalt  }
0x74: {  	_ =	shalt  }
0x75: {  	_ =	shalt  }
0x76: {  	_ =	shalt  }
0x77: {  	_ =	shalt  }
0x78: {  	_ =	shalt  }
0x79: {  	_ =	shalt  }
0x7a: {  	_ =	shalt  }
0x7b: {  	_ =	shalt  }
0x7c: {  	_ =	shalt  }
0x7d: {  	_ =	shalt  }
0x7e: {  	_ =	shalt  }
0x7f: {  	_ =	shalt  }
0x80: {  	_ =	shalt  }
0x81: {  	_ =	shalt  }
0x82: {  	_ =	shalt  }
0x83: {  	_ =	shalt  }
0x84: {  	_ =	shalt  }
0x85: {  	_ =	shalt  }
0x86: {  	_ =	shalt  }
0x87: {  	_ =	shalt  }
.Lfunc_end0:
.L_simem_size_0:
called_computation_lowered:
.L_overlay_start_0:
0x88: {  	s2 =	sld [smem:$0x3FD9]  }
0x89: {  	s3 =	sld [smem:$0x3FFE];
	_ =	sdelay $0x1  }
0x8a: {  	s1 =	srdreg.scid  }
0x8b: {  	s0 =	sand.u32 $0x1, s1  }
0x8c: {  	s16 =	sshll.u32 s0, $0xA;
	s2 =	sadd.s32 s3, s2  }
0x8d: {  	s2 =	sadd.s32 s2, s16  }
0x8e: {  	[smem:$0x3FC3] =	sst s2  }
0x8f: {  	_ = 	snop  }
0x90: {  	(tm) =	ssettm $0x1  }
0x91: {  	s17 =	sld [smem:$0x3FFB];
	_ =	sdelay $0x3  }
0x92: {  	_ =	strace s17  }
0x93: {  	s2 =	sld [smem:$0x3FFC];
	_ =	sdelay $0x3  }
0x94: {  	_ =	strace s2  }
0x95: {  	s2 =	sld [smem:$0x3FFD];
	_ =	sdelay $0x3  }
0x96: {  	_ =	strace s2  }
0x97: {  	_ =	strace $0x8FFFFFFF  }
0x98: {  	s18 =	sld [smem:$0x3FDB];
	_ =	sdelay $0x1  }
0x99: {  	s19 =	simm.s32 $_scs_section_size  }
0x9a: {  	s4 =	simm.s32 $_size__tile_overlayer_lowered;
	s5 =	simm.s32 $_tile_overlayer_lowered  }
0x9b: {  	s22 =	simm.s32 $0x1BFF;
	s21 =	sshll.u32 s5, $0x1;
	s2 =	sadd.s32 s19, s18  }
0x9c: {  	s6 =	simm.s32 $0x0;
	s20 =	sshll.u32 s4, $0x1;
	s4 =	sadd.s32 s21, s2  }
0x9d: {  	[timem:s6], [sflag:s22] =	dma.local [hbm:s4], s20  }
0x9e: {  	_ =	swait.ge [sflag:s22], s20  }
0x9f: {  	s3 =	ssub.s32 $0x0, s20;
	[sflag:s22] =	ssyncset.done $0x0  }
0xa0: {  	[sflag:s22] =	ssyncadd.s32 s3;
	_ =	sdelay $0x1  }
0xa1: {  	s23 =	simm.s32 $0x1B8B  }
0xa2: {  	_ =	swait.ge [sflag:s23], $0x1  }
0xa3: {  	[sflag:s23] =	ssyncset.done $0x0  }
0xa4: {  	s25 =	simm.s32 $0x1B8E;
	s24 =	sld [smem:$0x3FFE];
	[sflag:s23] =	ssyncadd.s32 $0xFFFFFFFF  }
0xa5: {  	s26 =	simm.s32 $execute0_lowered;
	[smem:$0x3FD2] =	sst s25  }
0xa6: {  	s4 =	sshll.u32 s26, $0x1;
	_ =	strace $0x80000046;
	[dreg:$0x1] =	wrdreg $0xFFFFFFFF  }
0xa7: {  	s28 =	simm.s32 $_size_execute0_lowered;
	s2 =	sadd.s32 s2, s4;
	[dreg:$0x0] =	wrdreg $0x0  }
0xa8: {  	s4 =	sshll.u32 s28, $0x1;
	[dreg:$0x2] =	wrdreg s2  }
0xa9: {  	[dreg:$0x3] =	wrdreg s4  }
0xaa: {  	[dreg:$0x4] =	wrdreg $0xC0  }
0xab: {  	_ =	task [dreg:s6], $0x5FFFF  }
0xac: {  	[dreg:$0x1] =	wrdreg $0xFFFFFFFF  }
0xad: {  	[dreg:$0x0] =	wrdreg $0x60  }
0xae: {  	[dreg:$0x2] =	wrdreg s24  }
0xaf: {  	[dreg:$0x3] =	wrdreg $0x9  }
0xb0: {  	_ =	task.clear_ibuf [dreg:s6], $0x4FFFF;
	_ =	strace $0x90000046  }
0xb1: {  	s29 =	simm.s32 $0x9;
	_ =	strace $0x80000048  }
0xb2: {  	_ =	swait.ge [sflag:s29], $0x1  }
0xb3: {  	[sflag:s29] =	ssyncadd.s32 $0xFFFFFFFF  }
0xb4: {  	_ =	strace $0x90000048  }
0xb5: {  	_ =	sfence  }
0xb6: {  	s30 =	sld [smem:$0x0];
	_ =	sdelay $0x2  }
0xb7: {  	s31 =	sshll.u32 s1, $0xD;
	s1 =	sshrl.u32 s1, $0x2  }
0xb8: {  	s3 =	sand.u32 $0x4000, s31;
	s1 =	sadd.s32 s1, s30  }
0xb9: {  	s0 =	sor.u32 s3, s0;
	s1 =	sshll.u32 s1, $0x11  }
0xba: {  	s0 =	sor.u32 s1, s0  }
0xbb: {  	s0 =	sadd.s32 $0x8F2B, s0  }
0xbc: {  	[sflag:s0] =	ssyncadd.remote.s32 $0x1  }
0xbd: {  	_ =	sfence.sel $0xFFFF  }
0xbe: {  	[dreg:$0x0] =	wrdreg $0xFFFFFFFF;
	(pc) =	sbr.abs _section_cstart, $3  }
0xbf: {  	[dreg:$0x1] =	wrdreg $0xFFFFFFFF  }
0xc0: {  	_ =	task.clear_ibuf [dreg:s6], $0x2FFFF;
	_ =	strace $0x9FFFFFFF  }
0xc1: {  	(tm) =	ssettm $0x7FFFFFFF  }
tec
execute0_lowered:
.L_overlay_start_1:
0x0: {  	(tag) =	ssettag $0x1  }
0x1: {  	s0 =	srdreg.scid  }
0x2: {  	s2 =	stileid.u32;
	s5 =	rddreg [dreg:$0x0]  }
0x3: {  	s0 =	sand.u32 $0x1, s0;
	s1 =	sshll.u32 s2, $0x1;
	s3 =	sshrl.u32 s2, $0x2  }
0x4: {  	s2 =	simm.s32 $0x0;
	s1 =	sor.u32 s0, s1;
	s4 =	sshll.u32 s3, $0xC  }
0x5: {  	[smem:$0x7FF] =	sst s2;
	s8 =	sshll.u32 s3, $0xA;
	s3 =	sadd.s32 $0x2400, s5  }
0x6: {  	s0 =	ssub.s32 $0x2, s0;
	s26 =	sshll.u32 s1, $0x7;
	_ =	strace $0x80000047  }
0x7: {  	s1 =	sshll.u32 s1, $0xA;
	s28 =	sshrl.u32 s0, $0x1;
	s6 =	sand.u32 $0x380, s26  }
0x8: {  	s1 =	sadd.s32 s1, s5;
	s0 =	ssub.s32 s0, s28;
	s4 =	sor.u32 s4, s6  }
0x9: {  	s6 =	sor.u32 s8, s6;
	s1 =	sadd.s32 $0x1E86C00, s1;
	s4 =	sshrl.u32 s4, $0x3  }
0xa: {  	s0 =	smax.u32 s0, $0x1;
	[dreg:$0x1f] =	wrdreg s1;
	s7 =	sadd.s32 s4, s5  }
0xb: {  	s6 =	sshrl.u32 s6, $0x3;
	[smem:$0x7FD] =	sst s0;
	s29 =	sadd.s32 $0xC00, s7  }
0xc: {  	s4 =	sadd.s32 $0xF44800, s5;
	s30 =	sadd.s32 $0x1400, s7;
	[dreg:$0x1c] =	wrdreg s29  }
0xd: {  	s5 =	sadd.s32 s6, s5;
	s7 =	sadd.s32 $0x1C00, s7;
	[dreg:$0x1d] =	wrdreg s30  }
0xe: {  	s31 =	sadd.s32 $0x1E8EC00, s5;
	[dreg:$0x1e] =	wrdreg s7  }
0xf: {  	s1 =	simm.s32 $0x0;
	s5 =	simm.s32 $0x4;
	[smem:$0x7FC] =	sst s31  }
.LBB2_1:
0x10: {  	[smem:$0x7FB] =	sst s1  }
0x11: {  	s14 =	simm.s32 $0x400;
	s0 =	rddreg [dreg:$0x1c];
	s29 =	simm.s32 $0x80  }
0x12: {  	[tilespmem:s2], [sflag:$0x4] =	stream.strided.gather [hbm4b:s0+s29], $0x200, s14, s29, $0x38;
	[tilespmem:$0xE680] =	vst v63  }
0x13: {  	_ =	swait.ge [sflag:s5], $0x200  }
0x14: {  	[sflag:s5] =	ssyncset.done $0x0  }
0x15: {  	s6 =	simm.s32 $0x200;
	s30 =	rddreg [dreg:$0x1d];
	[sflag:s5] =	ssyncadd.s32 $0xFFFFFE00  }
0x16: {  	[tilespmem:s6], [sflag:$0x4] =	stream.strided.gather [hbm4b:s30+s29], $0x200, s14, s29, $0x38;
	[tilespmem:$0xE680] =	vst v63  }
0x17: {  	_ =	swait.ge [sflag:s5], $0x200  }
0x18: {  	[sflag:s5] =	ssyncset.done $0x0  }
0x19: {  	s31 =	rddreg [dreg:$0x1e];
	[sflag:s5] =	ssyncadd.s32 $0xFFFFFE00  }
0x1a: {  	[tilespmem:s14], [sflag:$0x4] =	stream.strided.gather [hbm4b:s31+s29], $0x200, s14, s29, $0x38;
	[tilespmem:$0xE680] =	vst v63  }
0x1b: {  	_ =	swait.ge [sflag:s5], $0x200  }
0x1c: {  	[sflag:s5] =	ssyncset.done $0x0  }
0x1d: {  	v0 =	vimm.f32 $0.0e+00;
	[sflag:s5] =	ssyncadd.s32 $0xFFFFFE00  }
0x1e: {  	[tilespmem:$0xE600] =	vst v0  }
0x1f: {  	[tilespmem:$0xE610] =	vst v0  }
0x20: {  	[tilespmem:$0xE620] =	vst v0  }
0x21: {  	[tilespmem:$0xE630] =	vst v0  }
0x22: {  	[tilespmem:$0xE640] =	vst v0  }
0x23: {  	[tilespmem:$0xE650] =	vst v0  }
0x24: {  	[tilespmem:$0xE660] =	vst v0  }
0x25: {  	s7 =	simm.s32 $0xC640;
	s1 =	simm.s32 $0x0;
	s0 =	simm.s32 $0x0;
	[tilespmem:$0xE670] =	vst v0  }
.LBB2_2:
0x26: {  	v1 =	vld [tilespmem:s0+$0x0]  }
0x27: {  	v2 =	vld [tilespmem:s6+$0x0]  }
0x28: {  	v4 =	vld [tilespmem:s14+$0x0];
	_ =	sdelay $0x2  }
0x29: {  	v3 =	vshll.u32 v1, $0x4  }
0x2a: {  	v2 =	vshll.u32 v2, $0x4;
	(v2sf) =	vpush v3, $0x0  }
0x2b: {  	v1 =	vshll.u32 v4, $0x4;
	(v2sf) =	vpush v2, $0x0  }
0x2c: {  	(v2sf) =	vpush v1, $0x0;
	_ =	sdelay $0x1  }
0x2d: {  	(v2sf) =	vpush v3, $0x1  }
0x2e: {  	(v2sf) =	vpush v2, $0x1;
	_ =	sdelay $0x2  }
0x2f: {  	[smem:$0x7F6] =	sst s1  }
0x30: {  	[smem:$0x7F7] =	sst s7;
	s29 =	simm.s32 $0x2000;
	(v2sf) =	vpush v1, $0x1  }
0x31: {  	s24 =	simm.s32 $0x0;
	[smem:$0x7F8] =	sst s6;
	s15 =	sadd.s32 $0x10, s6  }
0x32: {  	[smem:$0x7F9] =	sst s0;
	s16 =	sadd.s32 $0x10, s0;
	s31 =	simm.s32 $0x8600;
	(v2sf) =	vpush v3, $0x2  }
0x33: {  	s7 =	simm.s32 $0x4780;
	s5 =	simm.s32 $0x980;
	s17 =	simm.s32 $0x600  }
0x34: {  	s8 =	simm.s32 $0x4600;
	s1 =	simm.s32 $0xA00;
	s10 =	simm.s32 $0x8680  }
0x35: {  	s11 =	simm.s32 $0x780;
	s0 =	simm.s32 $0xA80;
	s21 =	simm.s32 $0x680  }
0x36: {  	s23 =	simm.s32 $0x4680;
	s6 =	simm.s32 $0x8A80;
	s9 =	spop (v2sf);
	(v2sf) =	vpush v2, $0x2  }
0x37: {  	[smem:$0x7FA] =	sst s14;
	s9 =	sand.u32 $0x1FFFFFF0, s9;
	s12 =	spop (v2sf)  }
0x38: {  	(v2sf) =	vpush v1, $0x2;
	s9 =	sadd.s32 s3, s9;
	s18 =	sand.u32 $0x1FFFFFF0, s12;
	s19 =	spop (v2sf)  }
0x39: {  	(v2sf) =	vpush v3, $0x3;
	[tilespmem:s17], [sflag:$0x1] =	stream.linear.gather [hbm4b:s9+s2], $0x80, $0x38;
	[tilespmem:$0xE680] =	vst v63  }
0x3a: {  	s12 =	sand.u32 $0x1FFFFFF0, s19;
	s13 =	spop (v2sf);
	s9 =	sadd.s32 s4, s18  }
0x3b: {  	(v2sf) =	vpush v2, $0x3;
	s18 =	simm.s32 $0x4700;
	s20 =	sand.u32 $0x1FFFFFF0, s13;
	s22 =	spop (v2sf)  }
0x3c: {  	(v2sf) =	vpush v1, $0x3;
	[tilespmem:s8], [sflag:$0x2] =	stream.linear.gather [hbm4b:s9+s2], $0x80, $0x38;
	[tilespmem:$0xE680] =	vst v63  }
0x3d: {  	s12 =	sadd.s32 s4, s12;
	s13 =	simm.s32 $0x700;
	s9 =	simm.s32 $0x8780  }
0x3e: {  	(v2sf) =	vpush v3, $0x4;
	[tilespmem:s31], [sflag:$0x3] =	stream.linear.gather [hbm4b:s12+s2], $0x80, $0x38;
	[tilespmem:$0xE680] =	vst v63  }
0x3f: {  	s8 =	sadd.s32 s3, s20;
	s25 =	sand.u32 $0x1FFFFFF0, s22;
	s26 =	spop (v2sf)  }
0x40: {  	(v2sf) =	vpush v2, $0x4;
	[tilespmem:s21], [sflag:$0x1] =	stream.linear.gather [hbm4b:s8+s2], $0x80, $0x38;
	[tilespmem:$0xE680] =	vst v63  }
0x41: {  	s28 =	spop (v2sf);
	s12 =	sand.u32 $0x1FFFFFF0, s26;
	s8 =	sadd.s32 s4, s25  }
0x42: {  	[tilespmem:s23], [sflag:$0x2] =	stream.linear.gather [hbm4b:s8+s2], $0x80, $0x38;
	[tilespmem:$0xE680] =	vst v63  }
0x43: {  	s31 =	sand.u32 $0x1FFFFFF0, s28;
	s26 =	simm.s32 $0x4800;
	s30 =	sadd.s32 s4, s12  }
0x44: {  	[tilespmem:s10], [sflag:$0x3] =	stream.linear.gather [hbm4b:s30+s2], $0x80, $0x38;
	[tilespmem:$0xE680] =	vst v63  }
0x45: {  	s12 =	sadd.s32 s3, s31;
	s31 =	simm.s32 $0x8800;
	s17 =	spop (v2sf)  }
0x46: {  	(v2sf) =	vpush v1, $0x4;
	[tilespmem:s13], [sflag:$0x1] =	stream.linear.gather [hbm4b:s12+s2], $0x80, $0x38;
	[tilespmem:$0xE680] =	vst v63  }
0x47: {  	s21 =	simm.s32 $0x8700;
	s10 =	sand.u32 $0x1FFFFFF0, s17;
	s19 =	spop (v2sf)  }
0x48: {  	s8 =	simm.s32 $0x4880;
	(v2sf) =	vpush v3, $0x5;
	s10 =	sadd.s32 s4, s10;
	s20 =	spop (v2sf)  }
0x49: {  	(v2sf) =	vpush v2, $0x5;
	[tilespmem:s18], [sflag:$0x2] =	stream.linear.gather [hbm4b:s10+s2], $0x80, $0x38;
	[tilespmem:$0xE680] =	vst v63  }
0x4a: {  	s12 =	sand.u32 $0x1FFFFFF0, s19;
	s19 =	simm.s32 $0x800;
	s25 =	spop (v2sf)  }
0x4b: {  	s22 =	sadd.s32 s4, s12;
	s23 =	sand.u32 $0x1FFFFFF0, s20;
	(v2sf) =	vpush v1, $0x5;
	s28 =	spop (v2sf)  }
0x4c: {  	(v2sf) =	vpush v3, $0x6;
	[tilespmem:s21], [sflag:$0x3] =	stream.linear.gather [hbm4b:s22+s2], $0x80, $0x38;
	[tilespmem:$0xE680] =	vst v63  }
0x4d: {  	s12 =	sadd.s32 s3, s23;
	s10 =	sand.u32 $0x1FFFFFF0, s25;
	s30 =	spop (v2sf)  }
0x4e: {  	[tilespmem:s11], [sflag:$0x1] =	stream.linear.gather [hbm4b:s12+s2], $0x80, $0x38;
	[tilespmem:$0xE680] =	vst v63  }
0x4f: {  	s10 =	sadd.s32 s4, s10;
	s20 =	spop (v2sf);
	s12 =	sand.u32 $0x1FFFFFF0, s28  }
0x50: {  	(v2sf) =	vpush v2, $0x6;
	[tilespmem:s7], [sflag:$0x2] =	stream.linear.gather [hbm4b:s10+s2], $0x80, $0x38;
	[tilespmem:$0xE680] =	vst v63  }
0x51: {  	s18 =	sand.u32 $0x1FFFFFF0, s30;
	s17 =	sadd.s32 s4, s12;
	s10 =	sand.u32 $0x1FFFFFF0, s20  }
0x52: {  	(v2sf) =	vpush v1, $0x6;
	[tilespmem:s9], [sflag:$0x3] =	stream.linear.gather [hbm4b:s17+s2], $0x80, $0x38;
	[tilespmem:$0xE680] =	vst v63  }
0x53: {  	s12 =	sadd.s32 s3, s18;
	s7 =	simm.s32 $0x4B00;
	s10 =	sadd.s32 s4, s10  }
0x54: {  	[tilespmem:s19], [sflag:$0x1] =	stream.linear.gather [hbm4b:s12+s2], $0x80, $0x38;
	[tilespmem:$0xE680] =	vst v63  }
0x55: {  	s9 =	simm.s32 $0xB00;
	s19 =	simm.s32 $0x900;
	s21 =	spop (v2sf)  }
0x56: {  	(v2sf) =	vpush v3, $0x7;
	[tilespmem:s26], [sflag:$0x2] =	stream.linear.gather [hbm4b:s10+s2], $0x80, $0x38;
	[tilespmem:$0xE680] =	vst v63  }
0x57: {  	s10 =	simm.s32 $0x4900;
	s12 =	sand.u32 $0x1FFFFFF0, s21;
	s22 =	spop (v2sf)  }
0x58: {  	(v2sf) =	vpush v2, $0x7;
	s23 =	sadd.s32 s4, s12;
	s25 =	sand.u32 $0x1FFFFFF0, s22;
	s28 =	spop (v2sf)  }
0x59: {  	[tilespmem:s31], [sflag:$0x3] =	stream.linear.gather [hbm4b:s23+s2], $0x80, $0x38;
	[tilespmem:$0xE680] =	vst v63  }
0x5a: {  	s26 =	simm.s32 $0x880;
	s12 =	sadd.s32 s3, s25;
	s30 =	spop (v2sf)  }
0x5b: {  	(v2sf) =	vpush v1, $0x7;
	s11 =	sand.u32 $0x1FFFFFF0, s28;
	s23 =	simm.s32 $0x8900;
	s31 =	spop (v2sf)  }
0x5c: {  	(v2sf) =	vpush v3, $0x8;
	[tilespmem:s26], [sflag:$0x1] =	stream.linear.gather [hbm4b:s12+s2], $0x80, $0x38;
	[tilespmem:$0xE680] =	vst v63  }
0x5d: {  	s11 =	sadd.s32 s4, s11;
	s12 =	sand.u32 $0x1FFFFFF0, s30;
	s18 =	sand.u32 $0x1FFFFFF0, s31  }
0x5e: {  	(v2sf) =	vpush v2, $0x8;
	[tilespmem:s8], [sflag:$0x2] =	stream.linear.gather [hbm4b:s11+s2], $0x80, $0x38;
	[tilespmem:$0xE680] =	vst v63  }
0x5f: {  	s20 =	spop (v2sf);
	(v2sf) =	vpush v1, $0x8;
	s17 =	sadd.s32 s4, s12;
	s11 =	simm.s32 $0x8880  }
0x60: {  	[tilespmem:s11], [sflag:$0x3] =	stream.linear.gather [hbm4b:s17+s2], $0x80, $0x38;
	[tilespmem:$0xE680] =	vst v63  }
0x61: {  	s12 =	sadd.s32 s3, s18;
	(v2sf) =	vpush v3, $0x9;
	s21 =	spop (v2sf);
	s11 =	sand.u32 $0x1FFFFFF0, s20  }
0x62: {  	[tilespmem:s19], [sflag:$0x1] =	stream.linear.gather [hbm4b:s12+s2], $0x80, $0x38;
	[tilespmem:$0xE680] =	vst v63  }
0x63: {  	s28 =	simm.s32 $0x4A00;
	(v2sf) =	vpush v2, $0x9;
	s11 =	sadd.s32 s4, s11;
	s12 =	sand.u32 $0x1FFFFFF0, s21  }
0x64: {  	[tilespmem:s10], [sflag:$0x2] =	stream.linear.gather [hbm4b:s11+s2], $0x80, $0x38;
	[tilespmem:$0xE680] =	vst v63  }
0x65: {  	s31 =	simm.s32 $0x4980;
	s22 =	spop (v2sf);
	s25 =	sadd.s32 s4, s12  }
0x66: {  	[tilespmem:s23], [sflag:$0x3] =	stream.linear.gather [hbm4b:s25+s2], $0x80, $0x38;
	[tilespmem:$0xE680] =	vst v63  }
0x67: {  	s18 =	simm.s32 $0x8980;
	s26 =	sand.u32 $0x1FFFFFF0, s22;
	s30 =	spop (v2sf)  }
0x68: {  	s8 =	simm.s32 $0x4A80;
	s12 =	sadd.s32 s3, s26;
	s11 =	sand.u32 $0x1FFFFFF0, s30  }
0x69: {  	(v2sf) =	vpush v1, $0x9;
	[tilespmem:s5], [sflag:$0x1] =	stream.linear.gather [hbm4b:s12+s2], $0x80, $0x38;
	[tilespmem:$0xE680] =	vst v63  }
0x6a: {  	s21 =	simm.s32 $0x8A00;
	(v2sf) =	vpush v3, $0xA;
	s13 =	spop (v2sf);
	s11 =	sadd.s32 s4, s11  }
0x6b: {  	s12 =	sand.u32 $0x1FFFFFF0, s13;
	s17 =	spop (v2sf);
	s13 =	simm.s32 $0x4D80  }
0x6c: {  	(v2sf) =	vpush v2, $0xA;
	[tilespmem:s31], [sflag:$0x2] =	stream.linear.gather [hbm4b:s11+s2], $0x80, $0x38;
	[tilespmem:$0xE680] =	vst v63  }
0x6d: {  	s19 =	sadd.s32 s4, s12;
	s20 =	sand.u32 $0x1FFFFFF0, s17;
	s22 =	spop (v2sf)  }
0x6e: {  	s17 =	simm.s32 $0xC80;
	s12 =	sadd.s32 s3, s20;
	s25 =	spop (v2sf)  }
0x6f: {  	(v2sf) =	vpush v1, $0xA;
	[tilespmem:s18], [sflag:$0x3] =	stream.linear.gather [hbm4b:s19+s2], $0x80, $0x38;
	[tilespmem:$0xE680] =	vst v63  }
0x70: {  	s23 =	sand.u32 $0x1FFFFFF0, s22;
	s11 =	sand.u32 $0x1FFFFFF0, s25;
	s26 =	spop (v2sf)  }
0x71: {  	(v2sf) =	vpush v3, $0xB;
	[tilespmem:s1], [sflag:$0x1] =	stream.linear.gather [hbm4b:s12+s2], $0x80, $0x38;
	[tilespmem:$0xE680] =	vst v63  }
0x72: {  	(v2sf) =	vpush v2, $0xB;
	s30 =	sand.u32 $0x1FFFFFF0, s26;
	s31 =	spop (v2sf);
	s1 =	sadd.s32 s4, s23  }
0x73: {  	[tilespmem:s28], [sflag:$0x2] =	stream.linear.gather [hbm4b:s1+s2], $0x80, $0x38;
	[tilespmem:$0xE680] =	vst v63  }
0x74: {  	(v2sf) =	vpush v1, $0xB;
	s12 =	sadd.s32 $0x10, s14;
	s10 =	sadd.s32 s3, s30;
	s28 =	sadd.s32 s4, s11  }
0x75: {  	[tilespmem:s21], [sflag:$0x3] =	stream.linear.gather [hbm4b:s28+s2], $0x80, $0x38;
	[tilespmem:$0xE680] =	vst v63  }
0x76: {  	(v2sf) =	vpush v3, $0xC;
	s23 =	simm.s32 $0x8B00;
	s1 =	sand.u32 $0x1FFFFFF0, s31;
	s31 =	simm.s32 $0x4B80  }
0x77: {  	[tilespmem:s0], [sflag:$0x1] =	stream.linear.gather [hbm4b:s10+s2], $0x80, $0x38;
	[tilespmem:$0xE680] =	vst v63  }
0x78: {  	s1 =	sadd.s32 s4, s1;
	s28 =	simm.s32 $0xB80;
	s11 =	spop (v2sf)  }
0x79: {  	s0 =	simm.s32 $0x4C00;
	s5 =	sand.u32 $0x1FFFFFF0, s11;
	s14 =	spop (v2sf)  }
0x7a: {  	(v2sf) =	vpush v2, $0xC;
	[tilespmem:s8], [sflag:$0x2] =	stream.linear.gather [hbm4b:s1+s2], $0x80, $0x38;
	[tilespmem:$0xE680] =	vst v63  }
0x7b: {  	s11 =	simm.s32 $0x8D00;
	s18 =	sadd.s32 s4, s5;
	s20 =	spop (v2sf)  }
0x7c: {  	[tilespmem:s6], [sflag:$0x3] =	stream.linear.gather [hbm4b:s18+s2], $0x80, $0x38;
	[tilespmem:$0xE680] =	vst v63  }
0x7d: {  	s1 =	simm.s32 $0x8B80;
	s19 =	sand.u32 $0x1FFFFFF0, s14;
	s6 =	sand.u32 $0x1FFFFFF0, s20  }
0x7e: {  	(v2sf) =	vpush v1, $0xC;
	s5 =	sadd.s32 s3, s19;
	s21 =	spop (v2sf);
	s6 =	sadd.s32 s4, s6  }
0x7f: {  	(v2sf) =	vpush v3, $0xD;
	[tilespmem:s9], [sflag:$0x1] =	stream.linear.gather [hbm4b:s5+s2], $0x80, $0x38;
	[tilespmem:$0xE680] =	vst v63  }
0x80: {  	s8 =	sand.u32 $0x1FFFFFF0, s21;
	s22 =	spop (v2sf);
	s5 =	simm.s32 $0xC00  }
0x81: {  	(v2sf) =	vpush v2, $0xD;
	s25 =	sadd.s32 s4, s8;
	s26 =	sand.u32 $0x1FFFFFF0, s22;
	s30 =	spop (v2sf)  }
0x82: {  	[tilespmem:s7], [sflag:$0x2] =	stream.linear.gather [hbm4b:s6+s2], $0x80, $0x38;
	[tilespmem:$0xE680] =	vst v63  }
0x83: {  	s8 =	sadd.s32 s3, s26;
	s9 =	spop (v2sf);
	s7 =	sand.u32 $0x1FFFFFF0, s30  }
0x84: {  	[tilespmem:s23], [sflag:$0x3] =	stream.linear.gather [hbm4b:s25+s2], $0x80, $0x38;
	[tilespmem:$0xE680] =	vst v63  }
0x85: {  	s10 =	spop (v2sf);
	s6 =	simm.s32 $0x4C80;
	s7 =	sadd.s32 s4, s7  }
0x86: {  	[tilespmem:s28], [sflag:$0x1] =	stream.linear.gather [hbm4b:s8+s2], $0x80, $0x38;
	[tilespmem:$0xE680] =	vst v63  }
0x87: {  	s18 =	sand.u32 $0x1FFFFFF0, s10;
	s10 =	simm.s32 $0x4D00;
	s8 =	sand.u32 $0x1FFFFFF0, s9  }
0x88: {  	[tilespmem:s31], [sflag:$0x2] =	stream.linear.gather [hbm4b:s7+s2], $0x80, $0x38;
	[tilespmem:$0xE680] =	vst v63  }
0x89: {  	s20 =	sadd.s32 s3, s18;
	s14 =	sadd.s32 s4, s8;
	s19 =	spop (v2sf)  }
0x8a: {  	[tilespmem:s1], [sflag:$0x3] =	stream.linear.gather [hbm4b:s14+s2], $0x80, $0x38;
	[tilespmem:$0xE680] =	vst v63  }
0x8b: {  	(v2sf) =	vpush v1, $0xD;
	s25 =	simm.s32 $0xD80;
	s28 =	simm.s32 $0x8C00;
	s21 =	sand.u32 $0x1FFFFFF0, s19  }
0x8c: {  	(v2sf) =	vpush v3, $0xE;
	[tilespmem:s5], [sflag:$0x1] =	stream.linear.gather [hbm4b:s20+s2], $0x80, $0x38;
	[tilespmem:$0xE680] =	vst v63  }
0x8d: {  	s14 =	simm.s32 $0xD00;
	s22 =	spop (v2sf);
	(v2sf) =	vpush v2, $0xE;
	s23 =	sadd.s32 s4, s21  }
0x8e: {  	s26 =	sand.u32 $0x1FFFFFF0, s22;
	(v2sf) =	vpush v1, $0xE;
	s5 =	simm.s32 $0x8C80;
	s31 =	spop (v2sf)  }
0x8f: {  	(v2sf) =	vpush v3, $0xF;
	[tilespmem:s0], [sflag:$0x2] =	stream.linear.gather [hbm4b:s23+s2], $0x80, $0x38;
	[tilespmem:$0xE680] =	vst v63  }
0x90: {  	s30 =	sadd.s32 s4, s26;
	(v2sf) =	vpush v2, $0xF;
	s0 =	sand.u32 $0x1FFFFFF0, s31;
	s1 =	spop (v2sf)  }
0x91: {  	(v2sf) =	vpush v1, $0xF;
	[tilespmem:s28], [sflag:$0x3] =	stream.linear.gather [hbm4b:s30+s2], $0x80, $0x38;
	[tilespmem:$0xE680] =	vst v63  }
.LBB2_3:
0x92: {  	_ =	sdelay $0x3  }
0x93: {  	s0 =	sadd.s32 s3, s0;
	s1 =	sand.u32 $0x1FFFFFF0, s1  }
0x94: {  	[tilespmem:s17], [sflag:$0x1] =	stream.linear.gather [hbm4b:s0+s2], $0x80, $0x38;
	[tilespmem:$0xE680] =	vst v63  }
0x95: {  	s19 =	sadd.s32 s4, s1  }
0x96: {  	[tilespmem:s6], [sflag:$0x2] =	stream.linear.gather [hbm4b:s19+s2], $0x80, $0x38;
	[tilespmem:$0xE680] =	vst v63  }
0x97: {  	s7 =	spop (v2sf)  }
0x98: {  	s20 =	sand.u32 $0x1FFFFFF0, s7;
	s21 =	spop (v2sf)  }
0x99: {  	s22 =	sadd.s32 s4, s20;
	s23 =	sand.u32 $0x1FFFFFF0, s21;
	s26 =	spop (v2sf)  }
0x9a: {  	[tilespmem:s5], [sflag:$0x3] =	stream.linear.gather [hbm4b:s22+s2], $0x80, $0x38;
	[tilespmem:$0xE680] =	vst v63  }
0x9b: {  	s28 =	sadd.s32 s3, s23;
	s30 =	sand.u32 $0x1FFFFFF0, s26;
	s31 =	spop (v2sf)  }
0x9c: {  	[tilespmem:s14], [sflag:$0x1] =	stream.linear.gather [hbm4b:s28+s2], $0x80, $0x38;
	[tilespmem:$0xE680] =	vst v63  }
0x9d: {  	s6 =	sadd.s32 s4, s30;
	s7 =	sand.u32 $0x1FFFFFF0, s31;
	s9 =	spop (v2sf)  }
0x9e: {  	[tilespmem:s10], [sflag:$0x2] =	stream.linear.gather [hbm4b:s6+s2], $0x80, $0x38;
	[tilespmem:$0xE680] =	vst v63  }
0x9f: {  	s14 =	sadd.s32 s4, s7;
	s17 =	sand.u32 $0x1FFFFFF0, s9;
	s18 =	spop (v2sf)  }
0xa0: {  	[tilespmem:s11], [sflag:$0x3] =	stream.linear.gather [hbm4b:s14+s2], $0x80, $0x38;
	[tilespmem:$0xE680] =	vst v63  }
0xa1: {  	s19 =	sadd.s32 s3, s17;
	s20 =	sand.u32 $0x1FFFFFF0, s18;
	s21 =	spop (v2sf)  }
0xa2: {  	[tilespmem:s25], [sflag:$0x1] =	stream.linear.gather [hbm4b:s19+s2], $0x80, $0x38;
	[tilespmem:$0xE680] =	vst v63  }
0xa3: {  	s22 =	sadd.s32 s4, s20;
	s5 =	sand.u32 $0x1FFFFFF0, s21  }
0xa4: {  	[tilespmem:s13], [sflag:$0x2] =	stream.linear.gather [hbm4b:s22+s2], $0x80, $0x38;
	[tilespmem:$0xE680] =	vst v63  }
0xa5: {  	s8 =	smov.u32 s29;
	s23 =	sadd.s32 $0x8D80, s24;
	s24 =	sadd.s32 s4, s5  }
0xa6: {  	[tilespmem:s23], [sflag:$0x3] =	stream.linear.gather [hbm4b:s24+s2], $0x80, $0x38;
	[tilespmem:$0xE680] =	vst v63  }
0xa7: {  	s24 =	sshra.s32 s8, $0x2  }
0xa8: {  	s25 =	sadd.s32 $0x4780, s24  }
0xa9: {  	s26 =	sadd.s32 $0x980, s24;
	[dreg:$0x1a] =	wrdreg s25  }
0xaa: {  	s28 =	sadd.s32 $0xA00, s24;
	[dreg:$0xe] =	wrdreg s26  }
0xab: {  	s30 =	sadd.s32 $0xA80, s24;
	[dreg:$0xc] =	wrdreg s28  }
0xac: {  	v1 =	vld [tilespmem:s16+$0x0];
	s31 =	sadd.s32 $0x4880, s24;
	[dreg:$0x9] =	wrdreg s30  }
0xad: {  	p0 =	sne.s32 s29, $0xE000;
	v2 =	vld [tilespmem:s15+$0x0];
	s1 =	sadd.s32 $0x8A80, s24;
	[dreg:$0x16] =	wrdreg s31  }
0xae: {  	s29 =	sadd.s32 $0x2000, s29;
	v4 =	vld [tilespmem:s12+$0x0];
	s5 =	sadd.s32 $0x4800, s24;
	[dreg:$0x7] =	wrdreg s1  }
0xaf: {  	s11 =	sadd.s32 $0x10, s16;
	s9 =	sadd.s32 $0x8800, s24;
	[dreg:$0x19] =	wrdreg s5  }
0xb0: {  	s15 =	sadd.s32 $0x10, s15;
	s10 =	sadd.s32 $0xB00, s24;
	[dreg:$0x17] =	wrdreg s9  }
0xb1: {  	s7 =	sadd.s32 $0x8600, s24;
	s13 =	sadd.s32 $0x4900, s24;
	[dreg:$0x6] =	wrdreg s10;
	v3 =	vshll.u32 v1, $0x4  }
0xb2: {  	s6 =	sadd.s32 $0x600, s24;
	s14 =	sadd.s32 $0x4B00, s24;
	[dreg:$0x14] =	wrdreg s13;
	v2 =	vshll.u32 v2, $0x4;
	(v2sf) =	vpush v3, $0x0  }
0xb3: {  	s8 =	sadd.s32 $0x4600, s24;
	s16 =	sadd.s32 $0x4A80, s24;
	[dreg:$0x4] =	wrdreg s14;
	v1 =	vshll.u32 v4, $0x4;
	(v2sf) =	vpush v2, $0x0  }
0xb4: {  	s22 =	sadd.s32 $0x8680, s24;
	s17 =	sadd.s32 $0x4A00, s24;
	[dreg:$0xb] =	wrdreg s16;
	(v2sf) =	vpush v1, $0x0  }
0xb5: {  	s19 =	sadd.s32 $0x780, s24;
	s18 =	sadd.s32 $0x8A00, s24;
	[dreg:$0xf] =	wrdreg s17  }
0xb6: {  	s23 =	sadd.s32 $0x8780, s24;
	s21 =	sadd.s32 $0x880, s24;
	[dreg:$0xd] =	wrdreg s18  }
0xb7: {  	s20 =	sadd.s32 $0x800, s24;
	[dreg:$0x1b] =	wrdreg s21;
	s25 =	sadd.s32 $0x4980, s24;
	(v2sf) =	vpush v3, $0x1  }
0xb8: {  	s0 =	sadd.s32 $0x680, s24;
	s26 =	sadd.s32 $0x8980, s24;
	[dreg:$0x13] =	wrdreg s25  }
0xb9: {  	s12 =	sadd.s32 $0x10, s12;
	s28 =	sadd.s32 $0x8880, s24;
	[dreg:$0x12] =	wrdreg s26  }
0xba: {  	s30 =	sadd.s32 $0x700, s24;
	s5 =	sadd.s32 $0x8900, s24;
	[dreg:$0x18] =	wrdreg s28;
	(v2sf) =	vpush v2, $0x1  }
0xbb: {  	s31 =	sadd.s32 $0x4700, s24;
	s9 =	sadd.s32 $0x4C00, s24;
	[dreg:$0x15] =	wrdreg s5;
	(v2sf) =	vpush v1, $0x1  }
0xbc: {  	s18 =	sadd.s32 $0xC80, s24;
	s10 =	sadd.s32 $0x8B80, s24;
	[dreg:$0x2] =	wrdreg s9  }
0xbd: {  	s1 =	sadd.s32 $0x8700, s24;
	s14 =	sadd.s32 $0xC00, s24;
	[dreg:$0x5] =	wrdreg s10  }
0xbe: {  	s13 =	sadd.s32 $0x4D80, s24;
	s16 =	sadd.s32 $0xB80, s24;
	[dreg:$0x3] =	wrdreg s14  }
0xbf: {  	s17 =	sadd.s32 $0x8D00, s24;
	s21 =	sadd.s32 $0x4B80, s24;
	[dreg:$0xa] =	wrdreg s16;
	(v2sf) =	vpush v3, $0x2  }
0xc0: {  	s25 =	sadd.s32 $0xD80, s24;
	s9 =	sadd.s32 $0x4680, s24;
	[dreg:$0x8] =	wrdreg s21  }
0xc1: {  	s10 =	sadd.s32 $0x4D00, s24;
	s28 =	sadd.s32 $0x8C80, s24;
	(v2sf) =	vpush v2, $0x2;
	s26 =	spop (v2sf)  }
0xc2: {  	[dreg:$0x11] =	wrdreg s28;
	s26 =	sand.u32 $0x1FFFFFF0, s26;
	s28 =	spop (v2sf)  }
0xc3: {  	s21 =	sadd.s32 $0x900, s24;
	(v2sf) =	vpush v1, $0x2;
	s26 =	sadd.s32 s3, s26;
	s5 =	spop (v2sf)  }
0xc4: {  	[tilespmem:s6], [sflag:$0x1] =	stream.linear.gather [hbm4b:s26+s2], $0x80, $0x38;
	[tilespmem:$0xE680] =	vst v63  }
0xc5: {  	s14 =	sadd.s32 $0xD00, s24;
	s28 =	sand.u32 $0x1FFFFFF0, s28;
	(v2sf) =	vpush v3, $0x3;
	s16 =	sand.u32 $0x1FFFFFF0, s5  }
0xc6: {  	s6 =	sadd.s32 $0x4C80, s24;
	s5 =	spop (v2sf);
	s28 =	sadd.s32 s4, s28  }
0xc7: {  	(v2sf) =	vpush v2, $0x3;
	s26 =	sand.u32 $0x1FFFFFF0, s5;
	s5 =	sadd.s32 $0x8B00, s24;
	s16 =	sadd.s32 s4, s16  }
0xc8: {  	[tilespmem:s8], [sflag:$0x2] =	stream.linear.gather [hbm4b:s28+s2], $0x80, $0x38;
	[tilespmem:$0xE680] =	vst v63  }
0xc9: {  	(v2sf) =	vpush v1, $0x3;
	[dreg:$0x10] =	wrdreg s5;
	s28 =	sadd.s32 $0x8C00, s24;
	s5 =	spop (v2sf)  }
0xca: {  	s8 =	sadd.s32 s3, s26;
	s26 =	sand.u32 $0x1FFFFFF0, s5;
	s5 =	spop (v2sf)  }
0xcb: {  	(v2sf) =	vpush v3, $0x4;
	[tilespmem:s7], [sflag:$0x3] =	stream.linear.gather [hbm4b:s16+s2], $0x80, $0x38;
	[tilespmem:$0xE680] =	vst v63  }
0xcc: {  	s16 =	smov.u32 s11;
	s11 =	smov.u32 s17;
	s17 =	smov.u32 s18  }
0xcd: {  	[tilespmem:s0], [sflag:$0x1] =	stream.linear.gather [hbm4b:s8+s2], $0x80, $0x38;
	[tilespmem:$0xE680] =	vst v63  }
0xce: {  	(v2sf) =	vpush v2, $0x4;
	s8 =	sadd.s32 s4, s26;
	s26 =	sand.u32 $0x1FFFFFF0, s5;
	s5 =	spop (v2sf)  }
0xcf: {  	[tilespmem:s9], [sflag:$0x2] =	stream.linear.gather [hbm4b:s8+s2], $0x80, $0x38;
	[tilespmem:$0xE680] =	vst v63  }
0xd0: {  	(v2sf) =	vpush v1, $0x4;
	s7 =	sadd.s32 s4, s26;
	s18 =	spop (v2sf);
	s9 =	sand.u32 $0x1FFFFFF0, s5  }
0xd1: {  	[tilespmem:s22], [sflag:$0x3] =	stream.linear.gather [hbm4b:s7+s2], $0x80, $0x38;
	[tilespmem:$0xE680] =	vst v63  }
0xd2: {  	(v2sf) =	vpush v3, $0x5;
	s26 =	sand.u32 $0x1FFFFFF0, s18;
	s22 =	sadd.s32 s3, s9;
	s5 =	spop (v2sf)  }
0xd3: {  	[tilespmem:s30], [sflag:$0x1] =	stream.linear.gather [hbm4b:s22+s2], $0x80, $0x38;
	[tilespmem:$0xE680] =	vst v63  }
0xd4: {  	s9 =	sadd.s32 s4, s26;
	s18 =	sand.u32 $0x1FFFFFF0, s5;
	s22 =	spop (v2sf)  }
0xd5: {  	(v2sf) =	vpush v2, $0x5;
	[tilespmem:s31], [sflag:$0x2] =	stream.linear.gather [hbm4b:s9+s2], $0x80, $0x38;
	[tilespmem:$0xE680] =	vst v63  }
0xd6: {  	s26 =	sadd.s32 s4, s18;
	s30 =	sand.u32 $0x1FFFFFF0, s22;
	s31 =	spop (v2sf)  }
0xd7: {  	(v2sf) =	vpush v1, $0x5;
	[tilespmem:s1], [sflag:$0x3] =	stream.linear.gather [hbm4b:s26+s2], $0x80, $0x38;
	[tilespmem:$0xE680] =	vst v63  }
0xd8: {  	s22 =	rddreg [dreg:$0x1a];
	s5 =	sadd.s32 s3, s30;
	s8 =	spop (v2sf)  }
0xd9: {  	(v2sf) =	vpush v3, $0x6;
	[tilespmem:s19], [sflag:$0x1] =	stream.linear.gather [hbm4b:s5+s2], $0x80, $0x38;
	[tilespmem:$0xE680] =	vst v63  }
0xda: {  	s7 =	sand.u32 $0x1FFFFFF0, s31;
	(v2sf) =	vpush v2, $0x6;
	s18 =	sand.u32 $0x1FFFFFF0, s8;
	s19 =	spop (v2sf)  }
0xdb: {  	s9 =	sadd.s32 s4, s7;
	s26 =	sadd.s32 s4, s18;
	s30 =	sand.u32 $0x1FFFFFF0, s19  }
0xdc: {  	[tilespmem:s22], [sflag:$0x2] =	stream.linear.gather [hbm4b:s9+s2], $0x80, $0x38;
	[tilespmem:$0xE680] =	vst v63  }
0xdd: {  	s31 =	spop (v2sf);
	s5 =	sadd.s32 s3, s30;
	s22 =	rddreg [dreg:$0x19]  }
0xde: {  	(v2sf) =	vpush v1, $0x6;
	[tilespmem:s23], [sflag:$0x3] =	stream.linear.gather [hbm4b:s26+s2], $0x80, $0x38;
	[tilespmem:$0xE680] =	vst v63  }
0xdf: {  	s8 =	sand.u32 $0x1FFFFFF0, s31;
	s31 =	rddreg [dreg:$0x17];
	s9 =	spop (v2sf)  }
0xe0: {  	(v2sf) =	vpush v3, $0x7;
	[tilespmem:s20], [sflag:$0x1] =	stream.linear.gather [hbm4b:s5+s2], $0x80, $0x38;
	[tilespmem:$0xE680] =	vst v63  }
0xe1: {  	(v2sf) =	vpush v2, $0x7;
	s18 =	sadd.s32 s4, s8;
	s19 =	sand.u32 $0x1FFFFFF0, s9;
	s20 =	spop (v2sf)  }
0xe2: {  	s9 =	rddreg [dreg:$0x1b];
	s23 =	sadd.s32 s4, s19;
	s26 =	sand.u32 $0x1FFFFFF0, s20  }
0xe3: {  	(v2sf) =	vpush v1, $0x7;
	[tilespmem:s22], [sflag:$0x2] =	stream.linear.gather [hbm4b:s18+s2], $0x80, $0x38;
	[tilespmem:$0xE680] =	vst v63  }
0xe4: {  	s5 =	sadd.s32 s3, s26;
	s22 =	rddreg [dreg:$0x16];
	s30 =	spop (v2sf)  }
0xe5: {  	[tilespmem:s31], [sflag:$0x3] =	stream.linear.gather [hbm4b:s23+s2], $0x80, $0x38;
	[tilespmem:$0xE680] =	vst v63  }
0xe6: {  	s7 =	sand.u32 $0x1FFFFFF0, s30;
	s31 =	rddreg [dreg:$0x18];
	s8 =	spop (v2sf)  }
0xe7: {  	(v2sf) =	vpush v3, $0x8;
	[tilespmem:s9], [sflag:$0x1] =	stream.linear.gather [hbm4b:s5+s2], $0x80, $0x38;
	[tilespmem:$0xE680] =	vst v63  }
0xe8: {  	s18 =	sadd.s32 s4, s7;
	s19 =	sand.u32 $0x1FFFFFF0, s8;
	s20 =	spop (v2sf)  }
0xe9: {  	(v2sf) =	vpush v2, $0x8;
	s23 =	sadd.s32 s4, s19;
	s26 =	sand.u32 $0x1FFFFFF0, s20;
	s30 =	spop (v2sf)  }
0xea: {  	(v2sf) =	vpush v1, $0x8;
	[tilespmem:s22], [sflag:$0x2] =	stream.linear.gather [hbm4b:s18+s2], $0x80, $0x38;
	[tilespmem:$0xE680] =	vst v63  }
0xeb: {  	s8 =	sadd.s32 s3, s26;
	s9 =	sand.u32 $0x1FFFFFF0, s30;
	s22 =	rddreg [dreg:$0x14]  }
0xec: {  	(v2sf) =	vpush v3, $0x9;
	[tilespmem:s31], [sflag:$0x3] =	stream.linear.gather [hbm4b:s23+s2], $0x80, $0x38;
	[tilespmem:$0xE680] =	vst v63  }
0xed: {  	s18 =	spop (v2sf);
	s19 =	sadd.s32 s4, s9;
	s31 =	rddreg [dreg:$0x15]  }
0xee: {  	[tilespmem:s21], [sflag:$0x1] =	stream.linear.gather [hbm4b:s8+s2], $0x80, $0x38;
	[tilespmem:$0xE680] =	vst v63  }
0xef: {  	(v2sf) =	vpush v2, $0x9;
	s20 =	sand.u32 $0x1FFFFFF0, s18;
	s18 =	rddreg [dreg:$0xe];
	s21 =	spop (v2sf)  }
0xf0: {  	s23 =	sadd.s32 s4, s20;
	s26 =	sand.u32 $0x1FFFFFF0, s21;
	s30 =	spop (v2sf)  }
0xf1: {  	(v2sf) =	vpush v1, $0x9;
	[tilespmem:s22], [sflag:$0x2] =	stream.linear.gather [hbm4b:s19+s2], $0x80, $0x38;
	[tilespmem:$0xE680] =	vst v63  }
0xf2: {  	s5 =	sadd.s32 s3, s26;
	s7 =	sand.u32 $0x1FFFFFF0, s30;
	s9 =	spop (v2sf)  }
0xf3: {  	(v2sf) =	vpush v3, $0xA;
	[tilespmem:s31], [sflag:$0x3] =	stream.linear.gather [hbm4b:s23+s2], $0x80, $0x38;
	[tilespmem:$0xE680] =	vst v63  }
0xf4: {  	s22 =	rddreg [dreg:$0x13];
	s19 =	sadd.s32 s4, s7;
	s20 =	sand.u32 $0x1FFFFFF0, s9  }
0xf5: {  	[tilespmem:s18], [sflag:$0x1] =	stream.linear.gather [hbm4b:s5+s2], $0x80, $0x38;
	[tilespmem:$0xE680] =	vst v63  }
0xf6: {  	(v2sf) =	vpush v2, $0xA;
	s31 =	rddreg [dreg:$0x12];
	s23 =	sadd.s32 s4, s20;
	s21 =	spop (v2sf)  }
0xf7: {  	[tilespmem:s22], [sflag:$0x2] =	stream.linear.gather [hbm4b:s19+s2], $0x80, $0x38;
	[tilespmem:$0xE680] =	vst v63  }
0xf8: {  	(v2sf) =	vpush v1, $0xA;
	s18 =	rddreg [dreg:$0xc];
	s26 =	sand.u32 $0x1FFFFFF0, s21;
	s30 =	spop (v2sf)  }
0xf9: {  	s5 =	sadd.s32 s3, s26;
	s7 =	sand.u32 $0x1FFFFFF0, s30;
	s9 =	spop (v2sf)  }
0xfa: {  	[tilespmem:s31], [sflag:$0x3] =	stream.linear.gather [hbm4b:s23+s2], $0x80, $0x38;
	[tilespmem:$0xE680] =	vst v63  }
0xfb: {  	(v2sf) =	vpush v3, $0xB;
	s22 =	rddreg [dreg:$0xf];
	s19 =	sadd.s32 s4, s7;
	s21 =	spop (v2sf)  }
0xfc: {  	s20 =	sand.u32 $0x1FFFFFF0, s9;
	s31 =	rddreg [dreg:$0xd];
	s26 =	sand.u32 $0x1FFFFFF0, s21  }
0xfd: {  	(v2sf) =	vpush v2, $0xB;
	[tilespmem:s18], [sflag:$0x1] =	stream.linear.gather [hbm4b:s5+s2], $0x80, $0x38;
	[tilespmem:$0xE680] =	vst v63  }
0xfe: {  	s23 =	sadd.s32 s4, s20;
	s30 =	spop (v2sf);
	s5 =	sadd.s32 s3, s26  }
0xff: {  	[tilespmem:s22], [sflag:$0x2] =	stream.linear.gather [hbm4b:s19+s2], $0x80, $0x38;
	[tilespmem:$0xE680] =	vst v63  }
0x100: {  	s18 =	rddreg [dreg:$0x9];
	s7 =	sand.u32 $0x1FFFFFF0, s30;
	s9 =	spop (v2sf)  }
0x101: {  	(v2sf) =	vpush v1, $0xB;
	[tilespmem:s31], [sflag:$0x3] =	stream.linear.gather [hbm4b:s23+s2], $0x80, $0x38;
	[tilespmem:$0xE680] =	vst v63  }
0x102: {  	s19 =	sadd.s32 s4, s7;
	s22 =	rddreg [dreg:$0xb];
	s21 =	spop (v2sf)  }
0x103: {  	(v2sf) =	vpush v3, $0xC;
	s20 =	sand.u32 $0x1FFFFFF0, s9;
	s31 =	rddreg [dreg:$0x7];
	s26 =	sand.u32 $0x1FFFFFF0, s21  }
0x104: {  	[tilespmem:s18], [sflag:$0x1] =	stream.linear.gather [hbm4b:s5+s2], $0x80, $0x38;
	[tilespmem:$0xE680] =	vst v63  }
0x105: {  	s23 =	sadd.s32 s4, s20;
	s30 =	spop (v2sf);
	s5 =	sadd.s32 s3, s26  }
0x106: {  	[tilespmem:s22], [sflag:$0x2] =	stream.linear.gather [hbm4b:s19+s2], $0x80, $0x38;
	[tilespmem:$0xE680] =	vst v63  }
0x107: {  	(v2sf) =	vpush v2, $0xC;
	s18 =	rddreg [dreg:$0x6];
	s7 =	sand.u32 $0x1FFFFFF0, s30;
	s9 =	spop (v2sf)  }
0x108: {  	[tilespmem:s31], [sflag:$0x3] =	stream.linear.gather [hbm4b:s23+s2], $0x80, $0x38;
	[tilespmem:$0xE680] =	vst v63  }
0x109: {  	(v2sf) =	vpush v1, $0xC;
	s19 =	sadd.s32 s4, s7;
	s22 =	rddreg [dreg:$0x4];
	s20 =	sand.u32 $0x1FFFFFF0, s9  }
0x10a: {  	(v2sf) =	vpush v3, $0xD;
	s31 =	rddreg [dreg:$0x10];
	s21 =	spop (v2sf);
	s23 =	sadd.s32 s4, s20  }
0x10b: {  	[tilespmem:s18], [sflag:$0x1] =	stream.linear.gather [hbm4b:s5+s2], $0x80, $0x38;
	[tilespmem:$0xE680] =	vst v63  }
0x10c: {  	(v2sf) =	vpush v2, $0xD;
	s26 =	sand.u32 $0x1FFFFFF0, s21;
	s30 =	spop (v2sf);
	s5 =	rddreg [dreg:$0x11]  }
0x10d: {  	[tilespmem:s22], [sflag:$0x2] =	stream.linear.gather [hbm4b:s19+s2], $0x80, $0x38;
	[tilespmem:$0xE680] =	vst v63  }
0x10e: {  	s8 =	sadd.s32 s3, s26;
	s9 =	sand.u32 $0x1FFFFFF0, s30;
	s19 =	rddreg [dreg:$0xa]  }
0x10f: {  	[tilespmem:s31], [sflag:$0x3] =	stream.linear.gather [hbm4b:s23+s2], $0x80, $0x38;
	[tilespmem:$0xE680] =	vst v63  }
0x110: {  	s18 =	spop (v2sf);
	s20 =	sadd.s32 s4, s9;
	s9 =	rddreg [dreg:$0x5]  }
0x111: {  	[tilespmem:s19], [sflag:$0x1] =	stream.linear.gather [hbm4b:s8+s2], $0x80, $0x38;
	[tilespmem:$0xE680] =	vst v63  }
0x112: {  	s21 =	sand.u32 $0x1FFFFFF0, s18;
	s22 =	spop (v2sf);
	s23 =	rddreg [dreg:$0x8]  }
0x113: {  	[tilespmem:s23], [sflag:$0x2] =	stream.linear.gather [hbm4b:s20+s2], $0x80, $0x38;
	[tilespmem:$0xE680] =	vst v63  }
0x114: {  	s26 =	sadd.s32 s4, s21;
	s21 =	rddreg [dreg:$0x3];
	s30 =	sand.u32 $0x1FFFFFF0, s22  }
0x115: {  	[tilespmem:s9], [sflag:$0x3] =	stream.linear.gather [hbm4b:s26+s2], $0x80, $0x38;
	[tilespmem:$0xE680] =	vst v63  }
0x116: {  	(v2sf) =	vpush v1, $0xD;
	s18 =	sadd.s32 s3, s30;
	s30 =	rddreg [dreg:$0x2];
	s31 =	spop (v2sf)  }
0x117: {  	(v2sf) =	vpush v3, $0xE;
	[tilespmem:s21], [sflag:$0x1] =	stream.linear.gather [hbm4b:s18+s2], $0x80, $0x38;
	[tilespmem:$0xE680] =	vst v63  }
.Ltmp0:
0x118: {  	(v2sf) =	vpush v2, $0xE;
	s19 =	sand.u32 $0x1FFFFFF0, s31;
	s20 =	spop (v2sf);
	(pc) =	sbr.rel @p0 .LBB2_3-.Ltmp0, $4  }
0x119: {  	(v2sf) =	vpush v1, $0xE;
	s22 =	sadd.s32 s4, s19;
	s23 =	sand.u32 $0x1FFFFFF0, s20;
	s26 =	spop (v2sf)  }
0x11a: {  	(v2sf) =	vpush v3, $0xF;
	[tilespmem:s30], [sflag:$0x2] =	stream.linear.gather [hbm4b:s22+s2], $0x80, $0x38;
	[tilespmem:$0xE680] =	vst v63  }
0x11b: {  	(v2sf) =	vpush v2, $0xF;
	s31 =	sadd.s32 s4, s23;
	s0 =	sand.u32 $0x1FFFFFF0, s26;
	s1 =	spop (v2sf)  }
0x11c: {  	(v2sf) =	vpush v1, $0xF;
	[tilespmem:s28], [sflag:$0x3] =	stream.linear.gather [hbm4b:s31+s2], $0x80, $0x38;
	[tilespmem:$0xE680] =	vst v63  }
0x11d: {  	_ =	sdelay $0x3  }
0x11e: {  	s0 =	sadd.s32 s3, s0;
	s1 =	sand.u32 $0x1FFFFFF0, s1  }
0x11f: {  	[tilespmem:s17], [sflag:$0x1] =	stream.linear.gather [hbm4b:s0+s2], $0x80, $0x38;
	[tilespmem:$0xE680] =	vst v63  }
0x120: {  	s29 =	sadd.s32 s4, s1  }
0x121: {  	[tilespmem:s6], [sflag:$0x2] =	stream.linear.gather [hbm4b:s29+s2], $0x80, $0x38;
	[tilespmem:$0xE680] =	vst v63  }
0x122: {  	s7 =	spop (v2sf)  }
0x123: {  	s30 =	sand.u32 $0x1FFFFFF0, s7;
	s31 =	spop (v2sf)  }
0x124: {  	s1 =	sadd.s32 s4, s30;
	s6 =	sand.u32 $0x1FFFFFF0, s31;
	s7 =	spop (v2sf)  }
0x125: {  	[tilespmem:s5], [sflag:$0x3] =	stream.linear.gather [hbm4b:s1+s2], $0x80, $0x38;
	[tilespmem:$0xE680] =	vst v63  }
0x126: {  	s8 =	sadd.s32 s3, s6;
	s9 =	sand.u32 $0x1FFFFFF0, s7;
	s12 =	spop (v2sf)  }
0x127: {  	[tilespmem:s14], [sflag:$0x1] =	stream.linear.gather [hbm4b:s8+s2], $0x80, $0x38;
	[tilespmem:$0xE680] =	vst v63  }
0x128: {  	s15 =	sadd.s32 s4, s9;
	s16 =	sand.u32 $0x1FFFFFF0, s12;
	s17 =	spop (v2sf)  }
0x129: {  	[tilespmem:s10], [sflag:$0x2] =	stream.linear.gather [hbm4b:s15+s2], $0x80, $0x38;
	[tilespmem:$0xE680] =	vst v63  }
0x12a: {  	s18 =	sadd.s32 s4, s16;
	s19 =	sand.u32 $0x1FFFFFF0, s17;
	s20 =	spop (v2sf)  }
0x12b: {  	[tilespmem:s11], [sflag:$0x3] =	stream.linear.gather [hbm4b:s18+s2], $0x80, $0x38;
	[tilespmem:$0xE680] =	vst v63  }
0x12c: {  	s21 =	sadd.s32 s3, s19;
	s22 =	sand.u32 $0x1FFFFFF0, s20;
	s23 =	spop (v2sf)  }
0x12d: {  	[tilespmem:s25], [sflag:$0x1] =	stream.linear.gather [hbm4b:s21+s2], $0x80, $0x38;
	[tilespmem:$0xE680] =	vst v63  }
0x12e: {  	s26 =	sand.u32 $0x1FFFFFF0, s23;
	s25 =	sadd.s32 s4, s22  }
0x12f: {  	[tilespmem:s13], [sflag:$0x2] =	stream.linear.gather [hbm4b:s25+s2], $0x80, $0x38;
	[tilespmem:$0xE680] =	vst v63  }
0x130: {  	s28 =	sadd.s32 $0x8D80, s24;
	s29 =	simm.s32 $0x1;
	s1 =	sadd.s32 s4, s26  }
0x131: {  	[tilespmem:s28], [sflag:$0x3] =	stream.linear.gather [hbm4b:s1+s2], $0x80, $0x38;
	[tilespmem:$0xE680] =	vst v63  }
0x132: {  	_ =	swait.ge [sflag:s29], $0x4000  }
0x133: {  	[sflag:s29] =	ssyncset.done $0x0  }
0x134: {  	s30 =	simm.s32 $0x2;
	[sflag:s29] =	ssyncadd.s32 $0xFFFFC000  }
0x135: {  	_ =	swait.ge [sflag:s30], $0x4000  }
0x136: {  	[sflag:s30] =	ssyncset.done $0x0  }
0x137: {  	s31 =	simm.s32 $0x3;
	[sflag:s30] =	ssyncadd.s32 $0xFFFFC000  }
0x138: {  	_ =	swait.ge [sflag:s31], $0x4000  }
0x139: {  	s7 =	sld [smem:$0x7F7];
	_ =	sdelay $0x1  }
0x13a: {  	[sflag:s31] =	ssyncset.done $0x0  }
0x13b: {  	s0 =	simm.s32 $0x0;
	[sflag:s31] =	ssyncadd.s32 $0xFFFFC000;
	s1 =	smov.u32 s7  }
.LBB2_5:
0x13c: {  	s5 =	sshra.s32 s0, $0x2  }
0x13d: {  	v1 =	vld [tilespmem:s5+$0x600]  }
0x13e: {  	v2 =	vld [tilespmem:s5+$0x8600]  }
0x13f: {  	v3 =	vld [tilespmem:s5+$0x610]  }
0x140: {  	v4 =	vld [tilespmem:s5+$0x8610]  }
0x141: {  	v5 =	vld [tilespmem:s5+$0x620]  }
0x142: {  	v6 =	vld [tilespmem:s5+$0x8620]  }
0x143: {  	v7 =	vld [tilespmem:s5+$0x630]  }
0x144: {  	v8 =	vld [tilespmem:s5+$0x8630]  }
0x145: {  	v2 =	vmul.f32 v2, v1;
	v4 =	vmul.f32 v4, v3;
	_ =	sdelay $0x1  }
0x146: {  	v55 =	vmul.f32 v6, v5;
	v2 =	vadd.f32 v4, v2;
	_ =	sdelay $0x1  }
0x147: {  	v57 =	vmul.f32 v8, v7;
	v2 =	vadd.f32 v55, v2  }
0x148: {  	v56 =	vld [tilespmem:s5+$0x4600]  }
0x149: {  	v58 =	vld [tilespmem:s5+$0x4610];
	v2 =	vadd.f32 v57, v2  }
0x14a: {  	v9 =	vld [tilespmem:s5+$0x4620]  }
0x14b: {  	v59 =	vld [tilespmem:s5+$0x4630];
	[tilespmem:s1+$0xFFFFFFC0] =	vst v2  }
0x14c: {  	v2 =	vld [tilespmem:s5+$0x680]  }
0x14d: {  	v10 =	vld [tilespmem:s5+$0x8680]  }
0x14e: {  	v11 =	vld [tilespmem:s5+$0x690]  }
0x14f: {  	v12 =	vld [tilespmem:s5+$0x8690]  }
0x150: {  	v13 =	vld [tilespmem:s5+$0x6A0]  }
0x151: {  	v14 =	vld [tilespmem:s5+$0x86A0]  }
0x152: {  	v15 =	vld [tilespmem:s5+$0x6B0]  }
0x153: {  	v16 =	vld [tilespmem:s5+$0x86B0]  }
0x154: {  	v10 =	vmul.f32 v10, v2;
	v12 =	vmul.f32 v12, v11;
	_ =	sdelay $0x1  }
0x155: {  	v60 =	vmul.f32 v14, v13;
	v10 =	vadd.f32 v12, v10;
	_ =	sdelay $0x1  }
0x156: {  	v62 =	vmul.f32 v16, v15;
	v10 =	vadd.f32 v60, v10  }
0x157: {  	v61 =	vld [tilespmem:s5+$0x4680]  }
0x158: {  	v63 =	vld [tilespmem:s5+$0x4690];
	v10 =	vadd.f32 v62, v10  }
0x159: {  	v17 =	vld [tilespmem:s5+$0x46A0]  }
0x15a: {  	v40 =	vld [tilespmem:s5+$0x46B0];
	[tilespmem:s1+$0xFFFFFFD0] =	vst v10  }
0x15b: {  	v10 =	vld [tilespmem:s5+$0x700]  }
0x15c: {  	v18 =	vld [tilespmem:s5+$0x8700]  }
0x15d: {  	v19 =	vld [tilespmem:s5+$0x710]  }
0x15e: {  	v20 =	vld [tilespmem:s5+$0x8710]  }
0x15f: {  	v21 =	vld [tilespmem:s5+$0x720]  }
0x160: {  	v22 =	vld [tilespmem:s5+$0x8720]  }
0x161: {  	v23 =	vld [tilespmem:s5+$0x730]  }
0x162: {  	v24 =	vld [tilespmem:s5+$0x8730]  }
0x163: {  	v18 =	vmul.f32 v18, v10;
	v20 =	vmul.f32 v20, v19;
	_ =	sdelay $0x1  }
0x164: {  	v41 =	vmul.f32 v22, v21;
	v18 =	vadd.f32 v20, v18;
	_ =	sdelay $0x1  }
0x165: {  	v43 =	vmul.f32 v24, v23;
	v18 =	vadd.f32 v41, v18  }
0x166: {  	v42 =	vld [tilespmem:s5+$0x4700]  }
0x167: {  	v44 =	vld [tilespmem:s5+$0x4710];
	v18 =	vadd.f32 v43, v18  }
0x168: {  	v25 =	vld [tilespmem:s5+$0x4720]  }
0x169: {  	v45 =	vld [tilespmem:s5+$0x4730];
	[tilespmem:s1+$0xFFFFFFE0] =	vst v18  }
0x16a: {  	v18 =	vld [tilespmem:s5+$0x780]  }
0x16b: {  	v26 =	vld [tilespmem:s5+$0x8780]  }
0x16c: {  	v27 =	vld [tilespmem:s5+$0x790]  }
0x16d: {  	v28 =	vld [tilespmem:s5+$0x8790]  }
0x16e: {  	v29 =	vld [tilespmem:s5+$0x7A0]  }
0x16f: {  	v30 =	vld [tilespmem:s5+$0x87A0]  }
0x170: {  	v31 =	vld [tilespmem:s5+$0x7B0]  }
0x171: {  	v32 =	vld [tilespmem:s5+$0x87B0]  }
0x172: {  	v26 =	vmul.f32 v26, v18;
	v28 =	vmul.f32 v28, v27;
	_ =	sdelay $0x1  }
0x173: {  	v46 =	vmul.f32 v30, v29;
	v26 =	vadd.f32 v28, v26;
	_ =	sdelay $0x1  }
0x174: {  	v48 =	vmul.f32 v32, v31;
	v26 =	vadd.f32 v46, v26  }
0x175: {  	v47 =	vld [tilespmem:s5+$0x4780]  }
0x176: {  	v49 =	vld [tilespmem:s5+$0x4790];
	v26 =	vadd.f32 v48, v26  }
0x177: {  	v33 =	vld [tilespmem:s5+$0x47A0]  }
0x178: {  	v50 =	vld [tilespmem:s5+$0x47B0];
	[tilespmem:s1+$0xFFFFFFF0] =	vst v26  }
0x179: {  	v26 =	vld [tilespmem:s5+$0x800]  }
0x17a: {  	v34 =	vld [tilespmem:s5+$0x8800]  }
0x17b: {  	v35 =	vld [tilespmem:s5+$0x810]  }
0x17c: {  	v1 =	vmul.f32 v56, v1;
	v51 =	vld [tilespmem:s5+$0x8810]  }
0x17d: {  	v36 =	vld [tilespmem:s5+$0x820]  }
0x17e: {  	v0 =	vadd.f32 v1, v0;
	v1 =	vmul.f32 v58, v3;
	v3 =	vld [tilespmem:s5+$0x8820]  }
0x17f: {  	v52 =	vld [tilespmem:s5+$0x830]  }
0x180: {  	v0 =	vadd.f32 v1, v0;
	v1 =	vmul.f32 v9, v5;
	v53 =	vld [tilespmem:s5+$0x8830]  }
0x181: {  	v54 =	vmul.f32 v34, v26;
	v6 =	vmul.f32 v51, v35  }
0x182: {  	v0 =	vadd.f32 v1, v0;
	v1 =	vmul.f32 v59, v7  }
0x183: {  	v3 =	vmul.f32 v3, v36;
	v55 =	vadd.f32 v6, v54  }
0x184: {  	v0 =	vadd.f32 v1, v0  }
0x185: {  	v1 =	vmul.f32 v61, v2;
	v56 =	vmul.f32 v53, v52;
	v3 =	vadd.f32 v3, v55  }
0x186: {  	v2 =	vld [tilespmem:s5+$0x4800]  }
0x187: {  	v0 =	vadd.f32 v1, v0;
	v1 =	vmul.f32 v63, v11;
	v57 =	vld [tilespmem:s5+$0x4810];
	v3 =	vadd.f32 v56, v3  }
0x188: {  	v58 =	vld [tilespmem:s5+$0x4820]  }
0x189: {  	v0 =	vadd.f32 v1, v0;
	v1 =	vmul.f32 v17, v13;
	v59 =	vld [tilespmem:s5+$0x4830];
	[tilespmem:s1+$0x0] =	vst v3  }
0x18a: {  	v3 =	vld [tilespmem:s5+$0x880]  }
0x18b: {  	v0 =	vadd.f32 v1, v0;
	v1 =	vmul.f32 v40, v15;
	v60 =	vld [tilespmem:s5+$0x8880]  }
0x18c: {  	v61 =	vld [tilespmem:s5+$0x890]  }
0x18d: {  	v0 =	vadd.f32 v1, v0;
	v1 =	vmul.f32 v42, v10;
	v62 =	vld [tilespmem:s5+$0x8890]  }
0x18e: {  	v63 =	vld [tilespmem:s5+$0x8A0]  }
0x18f: {  	v0 =	vadd.f32 v1, v0;
	v1 =	vmul.f32 v44, v19;
	v22 =	vld [tilespmem:s5+$0x88A0]  }
0x190: {  	v24 =	vld [tilespmem:s5+$0x8B0]  }
0x191: {  	v0 =	vadd.f32 v1, v0;
	v1 =	vmul.f32 v25, v21;
	v25 =	vld [tilespmem:s5+$0x88B0]  }
0x192: {  	v7 =	vmul.f32 v60, v3;
	v10 =	vmul.f32 v62, v61  }
0x193: {  	v0 =	vadd.f32 v1, v0;
	v1 =	vmul.f32 v45, v23  }
0x194: {  	v34 =	vmul.f32 v22, v63;
	v7 =	vadd.f32 v10, v7  }
0x195: {  	v0 =	vadd.f32 v1, v0  }
0x196: {  	v1 =	vmul.f32 v47, v18;
	v38 =	vmul.f32 v25, v24;
	v7 =	vadd.f32 v34, v7  }
0x197: {  	v37 =	vld [tilespmem:s5+$0x4880]  }
0x198: {  	v0 =	vadd.f32 v1, v0;
	v1 =	vmul.f32 v49, v27;
	v39 =	vld [tilespmem:s5+$0x4890];
	v7 =	vadd.f32 v38, v7  }
0x199: {  	v40 =	vld [tilespmem:s5+$0x48A0]  }
0x19a: {  	v0 =	vadd.f32 v1, v0;
	v1 =	vmul.f32 v33, v29;
	v41 =	vld [tilespmem:s5+$0x48B0];
	[tilespmem:s1+$0x10] =	vst v7  }
0x19b: {  	v7 =	vld [tilespmem:s5+$0x900]  }
0x19c: {  	v0 =	vadd.f32 v1, v0;
	v1 =	vmul.f32 v50, v31;
	v42 =	vld [tilespmem:s5+$0x8900]  }
0x19d: {  	v43 =	vld [tilespmem:s5+$0x910]  }
0x19e: {  	v0 =	vadd.f32 v1, v0;
	v1 =	vmul.f32 v2, v26;
	v2 =	vld [tilespmem:s5+$0x8910]  }
0x19f: {  	v44 =	vld [tilespmem:s5+$0x920]  }
0x1a0: {  	v0 =	vadd.f32 v1, v0;
	v1 =	vmul.f32 v57, v35;
	v45 =	vld [tilespmem:s5+$0x8920]  }
0x1a1: {  	v46 =	vld [tilespmem:s5+$0x930]  }
0x1a2: {  	v0 =	vadd.f32 v1, v0;
	v1 =	vmul.f32 v58, v36;
	v47 =	vld [tilespmem:s5+$0x8930]  }
0x1a3: {  	v16 =	vmul.f32 v42, v7;
	v2 =	vmul.f32 v2, v43  }
0x1a4: {  	v0 =	vadd.f32 v1, v0;
	v1 =	vmul.f32 v59, v52  }
0x1a5: {  	v48 =	vmul.f32 v45, v44;
	v2 =	vadd.f32 v2, v16  }
0x1a6: {  	v0 =	vadd.f32 v1, v0  }
0x1a7: {  	v1 =	vmul.f32 v37, v3;
	v49 =	vmul.f32 v47, v46;
	v2 =	vadd.f32 v48, v2  }
0x1a8: {  	v3 =	vld [tilespmem:s5+$0x4900]  }
0x1a9: {  	v0 =	vadd.f32 v1, v0;
	v1 =	vmul.f32 v39, v61;
	v50 =	vld [tilespmem:s5+$0x4910];
	v2 =	vadd.f32 v49, v2  }
0x1aa: {  	v51 =	vld [tilespmem:s5+$0x4920]  }
0x1ab: {  	v0 =	vadd.f32 v1, v0;
	v1 =	vmul.f32 v40, v63;
	v52 =	vld [tilespmem:s5+$0x4930];
	[tilespmem:s1+$0x20] =	vst v2  }
0x1ac: {  	v2 =	vld [tilespmem:s5+$0x980]  }
0x1ad: {  	v0 =	vadd.f32 v1, v0;
	v1 =	vmul.f32 v41, v24;
	v53 =	vld [tilespmem:s5+$0x4980]  }
0x1ae: {  	v54 =	vld [tilespmem:s5+$0x8980]  }
0x1af: {  	v0 =	vadd.f32 v1, v0;
	v1 =	vmul.f32 v3, v7;
	v3 =	vld [tilespmem:s5+$0x990]  }
0x1b0: {  	v55 =	vld [tilespmem:s5+$0x4990]  }
0x1b1: {  	v0 =	vadd.f32 v1, v0;
	v1 =	vmul.f32 v50, v43;
	v56 =	vld [tilespmem:s5+$0x8990]  }
0x1b2: {  	v57 =	vld [tilespmem:s5+$0x9A0]  }
0x1b3: {  	v0 =	vadd.f32 v1, v0;
	v1 =	vmul.f32 v51, v44;
	v58 =	vld [tilespmem:s5+$0x89A0]  }
0x1b4: {  	v59 =	vld [tilespmem:s5+$0x9B0]  }
0x1b5: {  	v0 =	vadd.f32 v1, v0;
	v1 =	vmul.f32 v52, v46;
	v60 =	vld [tilespmem:s5+$0x89B0]  }
0x1b6: {  	v61 =	vld [tilespmem:s5+$0x49A0];
	v9 =	vmul.f32 v54, v2  }
0x1b7: {  	v0 =	vadd.f32 v1, v0;
	v5 =	vmul.f32 v56, v3;
	v1 =	vmul.f32 v53, v2  }
0x1b8: {  	v63 =	vld [tilespmem:s5+$0x49B0];
	v62 =	vmul.f32 v58, v57  }
0x1b9: {  	v2 =	vadd.f32 v5, v9;
	v0 =	vadd.f32 v1, v0;
	v1 =	vmul.f32 v55, v3  }
0x1ba: {  	p0 =	sne.s32 s0, $0xF000;
	v3 =	vmul.f32 v60, v59  }
.Ltmp1:
0x1bb: {  	v2 =	vadd.f32 v62, v2;
	v0 =	vadd.f32 v1, v0;
	v1 =	vmul.f32 v61, v57;
	(pc) =	sbr.rel @p0 .LBB2_5-.Ltmp1, $3  }
0x1bc: {  	_ = 	snop  }
0x1bd: {  	v2 =	vadd.f32 v3, v2;
	v0 =	vadd.f32 v1, v0;
	v1 =	vmul.f32 v63, v59;
	_ =	sdelay $0x1  }
0x1be: {  	s0 =	sadd.s32 $0x1000, s0;
	[tilespmem:s1+$0x30] =	vst v2;
	v0 =	vadd.f32 v1, v0;
	s1 =	sadd.s32 $0x80, s1  }
0x1bf: {  	s1 =	sld [smem:$0x7F6];
	_ =	sdelay $0x2  }
0x1c0: {  	s1 =	sadd.s32 $0x1, s1  }
0x1c1: {  	s14 =	sld [smem:$0x7FA];
	p0 =	sne.s32 s1, $0x4  }
.Ltmp2:
0x1c2: {  	s6 =	sld [smem:$0x7F8];
	(pc) =	sbr.rel @p0 .LBB2_2-.Ltmp2, $3  }
0x1c3: {  	s0 =	sld [smem:$0x7F9];
	_ =	sdelay $0x1  }
0x1c4: {  	s7 =	sadd.s32 $0x800, s7  }
0x1c5: {  	s14 =	sadd.s32 $0x80, s14;
	s6 =	sadd.s32 $0x80, s6;
	s0 =	sadd.s32 $0x80, s0  }
0x1c6: {  	[tilespmem:$0xE600] =	vst v0;
	s0 =	rddreg [dreg:$0x1f];
	s1 =	simm.s32 $0xC600;
	s5 =	simm.s32 $0x4  }
0x1c7: {  	[hbm4b:s0+s2] =	stream.linear.scatter [tilespmem:s1], [sflag:$0x4], $0x2000, $0x38;
	[tilespmem:$0xE680] =	vst v63  }
0x1c8: {  	_ =	swait.ge [sflag:s5], $0x2000  }
0x1c9: {  	s28 =	sld [smem:$0x7FC]  }
0x1ca: {  	[sflag:s5] =	ssyncset.done $0x0  }
0x1cb: {  	s29 =	simm.s32 $0xE600;
	[sflag:s5] =	ssyncadd.s32 $0xFFFFE000  }
0x1cc: {  	[hbm4b:s28+s2] =	stream.linear.scatter [tilespmem:s29], [sflag:$0x4], $0x80, $0x38;
	[tilespmem:$0xE680] =	vst v63  }
0x1cd: {  	_ =	swait.ge [sflag:s5], $0x80  }
0x1ce: {  	s30 =	sld [smem:$0x7FB]  }
0x1cf: {  	s31 =	sld [smem:$0x7FD];
	_ =	sdelay $0x1  }
0x1d0: {  	s1 =	sadd.s32 $0x1, s30  }
0x1d1: {  	p0 =	sne.s32 s1, s31  }
.Ltmp3:
0x1d2: {  	_ = 	snop;
	(pc) =	sbr.rel @p0 .LBB2_1-.Ltmp3, $3  }
0x1d3: {  	_ =	sdelay $0x1  }
0x1d4: {  	[sflag:s5] =	ssyncset.done $0x0  }
0x1d5: {  	[sflag:s5] =	ssyncadd.s32 $0xFFFFFF80  }
0x1d6: {  	_ =	sfence.sel $0x180000  }
0x1d7: {  	[bflag:$0x0] =	sbarrier.arrive $0xFFFF  }
0x1d8: {  	_ =	strace $0x90000047  }
0x1d9: {  	s0 =	stileid.u32;
	[bflag:$0x2] =	sbarrier.arrive $0xFFFF  }
0x1da: {  	p0 =	sne.s32 s0, $0x0;
	s0 =	rddreg [dreg:$0x1]  }
0x1db: {  	s0 =	sadd.s32 @!p0 $0x100000, s0  }
0x1dc: {  	[sflag:s0] =	ssyncadd.tile.s32 @!p0 $0x1;
	_ =	shalt  }
.Lfunc_end2:
_tile_overlayer_lowered:
.L_overlay_start_2:
0x1dd: {  	(tag) =	ssettag $0x2  }
0x1de: {  	s0 =	rddreg [dreg:$0x0];
	s2 =	stileid.u32  }
0x1df: {  	s1 =	rddreg [dreg:$0x1];
	p0 =	sne.s32 s2, $0x0  }
0x1e0: {  	s3 =	rddreg [dreg:$0x2];
	[bflag:$0x3] =	sbarrier.arrive $0xFFFF;
	s2 =	simm.s32 @!p0 $0x1C04  }
0x1e1: {  	[timem:s3], [sflag:s2] =	dma.local @!p0 [hbm:s0], s1  }
0x1e2: {  	s0 =	simm.s32 @!p0 $0x4  }
0x1e3: {  	_ =	swait.ge @!p0 [sflag:s0], s1  }
0x1e4: {  	s1 =	ssub.s32 @!p0 $0x0, s1;
	[sflag:s0] =	ssyncset.done @!p0 $0x0  }
0x1e5: {  	[sflag:s0] =	ssyncadd.s32 @!p0 s1  }
0x1e6: {  	[bflag:$0x3] =	sbarrier.arrive $0xFFFF  }
0x1e7: {  	_ =	shalt  }

</sc_bundles>
